<compile_context>
chip_gen: v7x
topology: tpu7x:2x2x1
jax: 0.10.2.dev20260603
libtpu: 0.0.44.dev20260713+nightly
codegen_flags: <defaults>
</compile_context>

<pallas_src>
import functools

import jax
import jax.numpy as jnp
from jax import lax
from jax.experimental import pallas as pl
from jax.experimental.pallas import tpu as pltpu
from jax.experimental.pallas import tpu_sc as plsc

NUM_SUBCORES = 16
NUM_CORES = 2
NW = NUM_CORES * NUM_SUBCORES

NBUF = 10
HALVES = 2


@functools.cache
def _build(bsz, seq, vocab, d):
    nb = bsz // NW
    hw = nb // HALVES
    n_chunks = seq * HALVES
    groups = n_chunks // NBUF
    mesh = plsc.VectorSubcoreMesh(core_axis_name="c", subcore_axis_name="s")

    def body(idx_hbm, table_hbm, out_hbm, idx_v, *rest):
        bufs = rest[:NBUF]
        gsems = rest[NBUF:2 * NBUF]
        ssems = rest[2 * NBUF:]

        wid = lax.axis_index("c") * NUM_SUBCORES + lax.axis_index("s")
        b0 = wid * nb

        pltpu.sync_copy(idx_hbm.at[:, pl.ds(b0, nb)], idx_v)

        def _idx(c):
            t, h = c // HALVES, c % HALVES
            return idx_v.at[t, pl.ds(h * hw, hw)]

        def _dst(c):
            t, h = c // HALVES, c % HALVES
            return out_hbm.at[t, pl.ds(b0 + h * hw, hw)]

        def start_gather(c, b):
            pltpu.async_copy(table_hbm.at[_idx(c)], bufs[b], gsems[b])

        def wait_gather(c, b):
            pltpu.make_async_copy(table_hbm.at[_idx(c)], bufs[b], gsems[b]).wait()

        def start_scatter(c, b):
            pltpu.async_copy(bufs[b], _dst(c), ssems[b])

        def wait_scatter(c, b):
            pltpu.make_async_copy(bufs[b], _dst(c), ssems[b]).wait()

        for b in range(NBUF):
            start_gather(b, b)

        @pl.loop(0, groups - 1)
        def _(g):
            for b in range(NBUF):
                c = g * NBUF + b
                wait_gather(c, b)
                start_scatter(c, b)
            for b in range(NBUF):
                c = g * NBUF + b
                wait_scatter(c, b)
                start_gather(c + NBUF, b)

        for b in range(NBUF):
            c = (groups - 1) * NBUF + b
            wait_gather(c, b)
            start_scatter(c, b)
        for b in range(NBUF):
            c = (groups - 1) * NBUF + b
            wait_scatter(c, b)

    run = pl.kernel(
        body,
        out_type=jax.ShapeDtypeStruct((seq, bsz, d), jnp.float32),
        mesh=mesh,
        scratch_types=(
            [pltpu.VMEM((seq, nb), jnp.int32)]
            + [pltpu.VMEM((hw, d), jnp.float32) for _ in range(NBUF)]
            + [pltpu.SemaphoreType.DMA for _ in range(2 * NBUF)]
        ),
    )
    return run


def kernel(token_ids, weight):
    bsz, seq = token_ids.shape
    vocab, d = weight.shape
    idx_t = token_ids.astype(jnp.int32).T
    out = _build(bsz, seq, vocab, d)(idx_t, weight)
    return out.transpose(1, 0, 2)

# --- scband reference (transcript-rebuilt; emitter-appended) ---
"""Pipeline reference for scband-embedding-model-16252156248215 (READ-ONLY COPY).

The authoritative reference and input builder live on the scoring server;
editing this copy changes nothing except your own understanding.
"""

import jax, jax.numpy as jnp
import numpy as np
from math import sqrt

NUM_EMBEDDINGS = 100000
EMBEDDING_DIM = 128

def _trunc_normal(key, shape, mean, std, a, b):
    # sample truncated normal in [a, b] with given mean/std
    lo = (a - mean) / std
    hi = (b - mean) / std
    t = jax.random.truncated_normal(key, lo, hi, shape, dtype=jnp.float32)
    return t * std + mean

def setup_inputs(seed: int = 0) -> dict:
    key = jax.random.key(seed)
    k1, k2 = jax.random.split(key)
    token_ids = jax.random.randint(k1, (4096, 50), 0, NUM_EMBEDDINGS, dtype=jnp.int64 if jax.config.jax_enable_x64 else jnp.int32)
    std = sqrt(2.0 / (NUM_EMBEDDINGS + EMBEDDING_DIM))
    weight = _trunc_normal(k2, (NUM_EMBEDDINGS, EMBEDDING_DIM), 0.0, std, -3 * std, 3 * std)
    return {"token_ids": token_ids, "weight": weight}

def reference(token_ids, weight):
    # Faithful translation of EmbeddingModel.forward: weight[token_ids]
    return jnp.take(weight, token_ids, axis=0)

if __name__ == "__main__":
    import jax
    _d = setup_inputs()
    print(jax.jit(kernel)(*tuple(_d.values())))

</pallas_src>

<mosaic_0001>
#map = affine_map<(d0, d1) -> (0, 0)>
#map1 = affine_map<(d0, d1) -> (0, 0, 0)>
module attributes {stable_mosaic.version = 14 : i64} {
  func.func @body(%arg0: i32, %arg1: i32, %arg2: memref<50x4096xi32, #tpu.memory_space<hbm>>, %arg3: memref<100000x128xf32, #tpu.memory_space<hbm>>, %arg4: memref<50x4096x128xf32, #tpu.memory_space<hbm>>, %arg5: memref<50x128xi32, #tpu.memory_space<vmem>>, %arg6: memref<64x128xf32, #tpu.memory_space<vmem>>, %arg7: memref<64x128xf32, #tpu.memory_space<vmem>>, %arg8: memref<64x128xf32, #tpu.memory_space<vmem>>, %arg9: memref<64x128xf32, #tpu.memory_space<vmem>>, %arg10: memref<64x128xf32, #tpu.memory_space<vmem>>, %arg11: memref<64x128xf32, #tpu.memory_space<vmem>>, %arg12: memref<64x128xf32, #tpu.memory_space<vmem>>, %arg13: memref<64x128xf32, #tpu.memory_space<vmem>>, %arg14: memref<64x128xf32, #tpu.memory_space<vmem>>, %arg15: memref<64x128xf32, #tpu.memory_space<vmem>>, %arg16: memref<!tpu.dma_semaphore, #tpu.memory_space<semaphore_mem>>, %arg17: memref<!tpu.dma_semaphore, #tpu.memory_space<semaphore_mem>>, %arg18: memref<!tpu.dma_semaphore, #tpu.memory_space<semaphore_mem>>, %arg19: memref<!tpu.dma_semaphore, #tpu.memory_space<semaphore_mem>>, %arg20: memref<!tpu.dma_semaphore, #tpu.memory_space<semaphore_mem>>, %arg21: memref<!tpu.dma_semaphore, #tpu.memory_space<semaphore_mem>>, %arg22: memref<!tpu.dma_semaphore, #tpu.memory_space<semaphore_mem>>, %arg23: memref<!tpu.dma_semaphore, #tpu.memory_space<semaphore_mem>>, %arg24: memref<!tpu.dma_semaphore, #tpu.memory_space<semaphore_mem>>, %arg25: memref<!tpu.dma_semaphore, #tpu.memory_space<semaphore_mem>>, %arg26: memref<!tpu.dma_semaphore, #tpu.memory_space<semaphore_mem>>, %arg27: memref<!tpu.dma_semaphore, #tpu.memory_space<semaphore_mem>>, %arg28: memref<!tpu.dma_semaphore, #tpu.memory_space<semaphore_mem>>, %arg29: memref<!tpu.dma_semaphore, #tpu.memory_space<semaphore_mem>>, %arg30: memref<!tpu.dma_semaphore, #tpu.memory_space<semaphore_mem>>, %arg31: memref<!tpu.dma_semaphore, #tpu.memory_space<semaphore_mem>>, %arg32: memref<!tpu.dma_semaphore, #tpu.memory_space<semaphore_mem>>, %arg33: memref<!tpu.dma_semaphore, #tpu.memory_space<semaphore_mem>>, %arg34: memref<!tpu.dma_semaphore, #tpu.memory_space<semaphore_mem>>, %arg35: memref<!tpu.dma_semaphore, #tpu.memory_space<semaphore_mem>>) attributes {dimension_semantics = [#tpu.dimension_semantics<core_parallel>, #tpu.dimension_semantics<subcore_parallel>], iteration_bounds = array<i64: 2, 16>, scalar_prefetch = 0 : i64, scratch_operands = 31 : i64, tpu.core_type = #tpu.core_type<sc_vector_subcore>, window_params = [{transform_indices = #map}, {transform_indices = #map}, {transform_indices = #map1}]} {
    %mul3A = arith.constant 16 : i32
    %mul3A_0 = arith.muli %arg0, %mul3A : i32
    %add3A = arith.addi %mul3A_0, %arg1 : i32
    %mul3A_1 = arith.constant 128 : i32
    %mul3A_2 = arith.muli %add3A, %mul3A_1 : i32
    "tpu.region"() ({
      %run_scoped3A = tpu.sem_alloc : memref<!tpu.dma_semaphore, #tpu.memory_space<semaphore_mem>>
      %dma_start3A_325 = arith.constant 0 : i32
      %dma_start3A_326 = tpu.memref_slice %arg2[%dma_start3A_325, %mul3A_2] : memref<50x4096xi32, #tpu.memory_space<hbm>> -> memref<50x128xi32, #tpu.memory_space<hbm>>
      %dma_start3A_327 = arith.constant 0 : i32
      %dma_start3A_328 = tpu.memref_slice %arg2[%dma_start3A_327, %mul3A_2] : memref<50x4096xi32, #tpu.memory_space<hbm>> -> memref<50x128xi32, #tpu.memory_space<hbm>>
      tpu.enqueue_dma source(%dma_start3A_328 : memref<50x128xi32, #tpu.memory_space<hbm>>) target(%arg5 : memref<50x128xi32, #tpu.memory_space<vmem>>) target_semaphore(%run_scoped3A : memref<!tpu.dma_semaphore, #tpu.memory_space<semaphore_mem>>)
      %dma_wait3A_329 = arith.constant 0 : i32
      %dma_wait3A_330 = tpu.memref_slice %arg2[%dma_wait3A_329, %mul3A_2] : memref<50x4096xi32, #tpu.memory_space<hbm>> -> memref<50x128xi32, #tpu.memory_space<hbm>>
      %dma_wait3A_331 = arith.constant 0 : i32
      %dma_wait3A_332 = tpu.memref_slice %arg2[%dma_wait3A_331, %mul3A_2] : memref<50x4096xi32, #tpu.memory_space<hbm>> -> memref<50x128xi32, #tpu.memory_space<hbm>>
      tpu.wait_dma2 semaphore(%run_scoped3A : memref<!tpu.dma_semaphore, #tpu.memory_space<semaphore_mem>>) src(%dma_wait3A_332 : memref<50x128xi32, #tpu.memory_space<hbm>>) dst(%arg5 : memref<50x128xi32, #tpu.memory_space<vmem>>)
      tpu.yield
    }) : () -> ()
    %dma_start3A = arith.constant 0 : i32
    %dma_start3A_3 = arith.constant 0 : i32
    %dma_start3A_4 = tpu.memref_slice %arg5[%dma_start3A, %dma_start3A_3] : memref<50x128xi32, #tpu.memory_space<vmem>> -> memref<1x64xi32, #tpu.memory_space<vmem>>
    %dma_start3A_5 = tpu.memref_squeeze %dma_start3A_4 : memref<1x64xi32, #tpu.memory_space<vmem>> -> memref<64xi32, #tpu.memory_space<vmem>>
    %dma_start3A_6 = arith.constant 0 : i32
    %dma_start3A_7 = arith.constant 0 : i32
    %dma_start3A_8 = tpu.memref_slice %arg3[%dma_start3A_6, %dma_start3A_7] : memref<100000x128xf32, #tpu.memory_space<hbm>> -> memref<100000x128xf32, #tpu.memory_space<hbm>>
    tpu.enqueue_indirect_dma source(%dma_start3A_8 : memref<100000x128xf32, #tpu.memory_space<hbm>>) target(%arg6 : memref<64x128xf32, #tpu.memory_space<vmem>>) offsets(%dma_start3A_5 : memref<64xi32, #tpu.memory_space<vmem>>) semaphore(%arg16 : memref<!tpu.dma_semaphore, #tpu.memory_space<semaphore_mem>>)
    %dma_start3A_9 = arith.constant 0 : i32
    %dma_start3A_10 = arith.constant 64 : i32
    %dma_start3A_11 = tpu.memref_slice %arg5[%dma_start3A_9, %dma_start3A_10] : memref<50x128xi32, #tpu.memory_space<vmem>> -> memref<1x64xi32, #tpu.memory_space<vmem>>
    %dma_start3A_12 = tpu.memref_squeeze %dma_start3A_11 : memref<1x64xi32, #tpu.memory_space<vmem>> -> memref<64xi32, #tpu.memory_space<vmem>>
    %dma_start3A_13 = arith.constant 0 : i32
    %dma_start3A_14 = arith.constant 0 : i32
    %dma_start3A_15 = tpu.memref_slice %arg3[%dma_start3A_13, %dma_start3A_14] : memref<100000x128xf32, #tpu.memory_space<hbm>> -> memref<100000x128xf32, #tpu.memory_space<hbm>>
    tpu.enqueue_indirect_dma source(%dma_start3A_15 : memref<100000x128xf32, #tpu.memory_space<hbm>>) target(%arg7 : memref<64x128xf32, #tpu.memory_space<vmem>>) offsets(%dma_start3A_12 : memref<64xi32, #tpu.memory_space<vmem>>) semaphore(%arg17 : memref<!tpu.dma_semaphore, #tpu.memory_space<semaphore_mem>>)
    %dma_start3A_16 = arith.constant 1 : i32
    %dma_start3A_17 = arith.constant 0 : i32
    %dma_start3A_18 = tpu.memref_slice %arg5[%dma_start3A_16, %dma_start3A_17] : memref<50x128xi32, #tpu.memory_space<vmem>> -> memref<1x64xi32, #tpu.memory_space<vmem>>
    %dma_start3A_19 = tpu.memref_squeeze %dma_start3A_18 : memref<1x64xi32, #tpu.memory_space<vmem>> -> memref<64xi32, #tpu.memory_space<vmem>>
    %dma_start3A_20 = arith.constant 0 : i32
    %dma_start3A_21 = arith.constant 0 : i32
    %dma_start3A_22 = tpu.memref_slice %arg3[%dma_start3A_20, %dma_start3A_21] : memref<100000x128xf32, #tpu.memory_space<hbm>> -> memref<100000x128xf32, #tpu.memory_space<hbm>>
    tpu.enqueue_indirect_dma source(%dma_start3A_22 : memref<100000x128xf32, #tpu.memory_space<hbm>>) target(%arg8 : memref<64x128xf32, #tpu.memory_space<vmem>>) offsets(%dma_start3A_19 : memref<64xi32, #tpu.memory_space<vmem>>) semaphore(%arg18 : memref<!tpu.dma_semaphore, #tpu.memory_space<semaphore_mem>>)
    %dma_start3A_23 = arith.constant 1 : i32
    %dma_start3A_24 = arith.constant 64 : i32
    %dma_start3A_25 = tpu.memref_slice %arg5[%dma_start3A_23, %dma_start3A_24] : memref<50x128xi32, #tpu.memory_space<vmem>> -> memref<1x64xi32, #tpu.memory_space<vmem>>
    %dma_start3A_26 = tpu.memref_squeeze %dma_start3A_25 : memref<1x64xi32, #tpu.memory_space<vmem>> -> memref<64xi32, #tpu.memory_space<vmem>>
    %dma_start3A_27 = arith.constant 0 : i32
    %dma_start3A_28 = arith.constant 0 : i32
    %dma_start3A_29 = tpu.memref_slice %arg3[%dma_start3A_27, %dma_start3A_28] : memref<100000x128xf32, #tpu.memory_space<hbm>> -> memref<100000x128xf32, #tpu.memory_space<hbm>>
    tpu.enqueue_indirect_dma source(%dma_start3A_29 : memref<100000x128xf32, #tpu.memory_space<hbm>>) target(%arg9 : memref<64x128xf32, #tpu.memory_space<vmem>>) offsets(%dma_start3A_26 : memref<64xi32, #tpu.memory_space<vmem>>) semaphore(%arg19 : memref<!tpu.dma_semaphore, #tpu.memory_space<semaphore_mem>>)
    %dma_start3A_30 = arith.constant 2 : i32
    %dma_start3A_31 = arith.constant 0 : i32
    %dma_start3A_32 = tpu.memref_slice %arg5[%dma_start3A_30, %dma_start3A_31] : memref<50x128xi32, #tpu.memory_space<vmem>> -> memref<1x64xi32, #tpu.memory_space<vmem>>
    %dma_start3A_33 = tpu.memref_squeeze %dma_start3A_32 : memref<1x64xi32, #tpu.memory_space<vmem>> -> memref<64xi32, #tpu.memory_space<vmem>>
    %dma_start3A_34 = arith.constant 0 : i32
    %dma_start3A_35 = arith.constant 0 : i32
    %dma_start3A_36 = tpu.memref_slice %arg3[%dma_start3A_34, %dma_start3A_35] : memref<100000x128xf32, #tpu.memory_space<hbm>> -> memref<100000x128xf32, #tpu.memory_space<hbm>>
    tpu.enqueue_indirect_dma source(%dma_start3A_36 : memref<100000x128xf32, #tpu.memory_space<hbm>>) target(%arg10 : memref<64x128xf32, #tpu.memory_space<vmem>>) offsets(%dma_start3A_33 : memref<64xi32, #tpu.memory_space<vmem>>) semaphore(%arg20 : memref<!tpu.dma_semaphore, #tpu.memory_space<semaphore_mem>>)
    %dma_start3A_37 = arith.constant 2 : i32
    %dma_start3A_38 = arith.constant 64 : i32
    %dma_start3A_39 = tpu.memref_slice %arg5[%dma_start3A_37, %dma_start3A_38] : memref<50x128xi32, #tpu.memory_space<vmem>> -> memref<1x64xi32, #tpu.memory_space<vmem>>
    %dma_start3A_40 = tpu.memref_squeeze %dma_start3A_39 : memref<1x64xi32, #tpu.memory_space<vmem>> -> memref<64xi32, #tpu.memory_space<vmem>>
    %dma_start3A_41 = arith.constant 0 : i32
    %dma_start3A_42 = arith.constant 0 : i32
    %dma_start3A_43 = tpu.memref_slice %arg3[%dma_start3A_41, %dma_start3A_42] : memref<100000x128xf32, #tpu.memory_space<hbm>> -> memref<100000x128xf32, #tpu.memory_space<hbm>>
    tpu.enqueue_indirect_dma source(%dma_start3A_43 : memref<100000x128xf32, #tpu.memory_space<hbm>>) target(%arg11 : memref<64x128xf32, #tpu.memory_space<vmem>>) offsets(%dma_start3A_40 : memref<64xi32, #tpu.memory_space<vmem>>) semaphore(%arg21 : memref<!tpu.dma_semaphore, #tpu.memory_space<semaphore_mem>>)
    %dma_start3A_44 = arith.constant 3 : i32
    %dma_start3A_45 = arith.constant 0 : i32
    %dma_start3A_46 = tpu.memref_slice %arg5[%dma_start3A_44, %dma_start3A_45] : memref<50x128xi32, #tpu.memory_space<vmem>> -> memref<1x64xi32, #tpu.memory_space<vmem>>
    %dma_start3A_47 = tpu.memref_squeeze %dma_start3A_46 : memref<1x64xi32, #tpu.memory_space<vmem>> -> memref<64xi32, #tpu.memory_space<vmem>>
    %dma_start3A_48 = arith.constant 0 : i32
    %dma_start3A_49 = arith.constant 0 : i32
    %dma_start3A_50 = tpu.memref_slice %arg3[%dma_start3A_48, %dma_start3A_49] : memref<100000x128xf32, #tpu.memory_space<hbm>> -> memref<100000x128xf32, #tpu.memory_space<hbm>>
    tpu.enqueue_indirect_dma source(%dma_start3A_50 : memref<100000x128xf32, #tpu.memory_space<hbm>>) target(%arg12 : memref<64x128xf32, #tpu.memory_space<vmem>>) offsets(%dma_start3A_47 : memref<64xi32, #tpu.memory_space<vmem>>) semaphore(%arg22 : memref<!tpu.dma_semaphore, #tpu.memory_space<semaphore_mem>>)
    %dma_start3A_51 = arith.constant 3 : i32
    %dma_start3A_52 = arith.constant 64 : i32
    %dma_start3A_53 = tpu.memref_slice %arg5[%dma_start3A_51, %dma_start3A_52] : memref<50x128xi32, #tpu.memory_space<vmem>> -> memref<1x64xi32, #tpu.memory_space<vmem>>
    %dma_start3A_54 = tpu.memref_squeeze %dma_start3A_53 : memref<1x64xi32, #tpu.memory_space<vmem>> -> memref<64xi32, #tpu.memory_space<vmem>>
    %dma_start3A_55 = arith.constant 0 : i32
    %dma_start3A_56 = arith.constant 0 : i32
    %dma_start3A_57 = tpu.memref_slice %arg3[%dma_start3A_55, %dma_start3A_56] : memref<100000x128xf32, #tpu.memory_space<hbm>> -> memref<100000x128xf32, #tpu.memory_space<hbm>>
    tpu.enqueue_indirect_dma source(%dma_start3A_57 : memref<100000x128xf32, #tpu.memory_space<hbm>>) target(%arg13 : memref<64x128xf32, #tpu.memory_space<vmem>>) offsets(%dma_start3A_54 : memref<64xi32, #tpu.memory_space<vmem>>) semaphore(%arg23 : memref<!tpu.dma_semaphore, #tpu.memory_space<semaphore_mem>>)
    %dma_start3A_58 = arith.constant 4 : i32
    %dma_start3A_59 = arith.constant 0 : i32
    %dma_start3A_60 = tpu.memref_slice %arg5[%dma_start3A_58, %dma_start3A_59] : memref<50x128xi32, #tpu.memory_space<vmem>> -> memref<1x64xi32, #tpu.memory_space<vmem>>
    %dma_start3A_61 = tpu.memref_squeeze %dma_start3A_60 : memref<1x64xi32, #tpu.memory_space<vmem>> -> memref<64xi32, #tpu.memory_space<vmem>>
    %dma_start3A_62 = arith.constant 0 : i32
    %dma_start3A_63 = arith.constant 0 : i32
    %dma_start3A_64 = tpu.memref_slice %arg3[%dma_start3A_62, %dma_start3A_63] : memref<100000x128xf32, #tpu.memory_space<hbm>> -> memref<100000x128xf32, #tpu.memory_space<hbm>>
    tpu.enqueue_indirect_dma source(%dma_start3A_64 : memref<100000x128xf32, #tpu.memory_space<hbm>>) target(%arg14 : memref<64x128xf32, #tpu.memory_space<vmem>>) offsets(%dma_start3A_61 : memref<64xi32, #tpu.memory_space<vmem>>) semaphore(%arg24 : memref<!tpu.dma_semaphore, #tpu.memory_space<semaphore_mem>>)
    %dma_start3A_65 = arith.constant 4 : i32
    %dma_start3A_66 = arith.constant 64 : i32
    %dma_start3A_67 = tpu.memref_slice %arg5[%dma_start3A_65, %dma_start3A_66] : memref<50x128xi32, #tpu.memory_space<vmem>> -> memref<1x64xi32, #tpu.memory_space<vmem>>
    %dma_start3A_68 = tpu.memref_squeeze %dma_start3A_67 : memref<1x64xi32, #tpu.memory_space<vmem>> -> memref<64xi32, #tpu.memory_space<vmem>>
    %dma_start3A_69 = arith.constant 0 : i32
    %dma_start3A_70 = arith.constant 0 : i32
    %dma_start3A_71 = tpu.memref_slice %arg3[%dma_start3A_69, %dma_start3A_70] : memref<100000x128xf32, #tpu.memory_space<hbm>> -> memref<100000x128xf32, #tpu.memory_space<hbm>>
    tpu.enqueue_indirect_dma source(%dma_start3A_71 : memref<100000x128xf32, #tpu.memory_space<hbm>>) target(%arg15 : memref<64x128xf32, #tpu.memory_space<vmem>>) offsets(%dma_start3A_68 : memref<64xi32, #tpu.memory_space<vmem>>) semaphore(%arg25 : memref<!tpu.dma_semaphore, #tpu.memory_space<semaphore_mem>>)
    %scan3A = arith.constant 0 : i32
    %scan3A_72 = arith.constant 9 : i32
    %scan3A_73 = arith.addi %scan3A, %scan3A_72 : i32
    %scan3A_74 = arith.constant 1 : i32
    scf.for %scan3A_325 = %scan3A to %scan3A_73 step %scan3A_74  : i32 {
      %mul3A_326 = arith.constant 1 : i32
      %mul3A_327 = arith.muli %scan3A_325, %mul3A_326 : i32
      %add3A_328 = arith.constant 0 : i32
      %add3A_329 = arith.addi %add3A_328, %mul3A_327 : i32
      %mul3A_330 = arith.constant 10 : i32
      %mul3A_331 = arith.muli %add3A_329, %mul3A_330 : i32
      %add3A_332 = arith.constant 0 : i32
      %add3A_333 = arith.addi %mul3A_331, %add3A_332 : i32
      %jit3A = arith.constant 2 : i32
      %div3A = arith.divsi %add3A_333, %jit3A : i32
      %sign3A = arith.constant 0 : i32
      %sign3A_334 = arith.cmpi sgt, %add3A_333, %sign3A : i32
      %sign3A_335 = arith.extui %sign3A_334 : i1 to i32
      %sign3A_336 = arith.constant 0 : i32
      %sign3A_337 = arith.cmpi slt, %add3A_333, %sign3A_336 : i32
      %sign3A_338 = arith.extui %sign3A_337 : i1 to i32
      %sign3A_339 = arith.subi %sign3A_335, %sign3A_338 : i32
      %sign3A_340 = arith.constant 0 : i32
      %sign3A_341 = arith.cmpi sgt, %jit3A, %sign3A_340 : i32
      %sign3A_342 = arith.extui %sign3A_341 : i1 to i32
      %sign3A_343 = arith.constant 0 : i32
      %sign3A_344 = arith.cmpi slt, %jit3A, %sign3A_343 : i32
      %sign3A_345 = arith.extui %sign3A_344 : i1 to i32
      %sign3A_346 = arith.subi %sign3A_342, %sign3A_345 : i32
      %ne3A = arith.cmpi ne, %sign3A_339, %sign3A_346 : i32
      %rem3A = arith.remsi %add3A_333, %jit3A : i32
      %ne3A_347 = arith.constant 0 : i32
      %ne3A_348 = arith.cmpi ne, %rem3A, %ne3A_347 : i32
      %and3A = arith.andi %ne3A, %ne3A_348 : i1
      %sub3A = arith.constant 1 : i32
      %sub3A_349 = arith.subi %div3A, %sub3A : i32
      %select_n3A = arith.select %and3A, %sub3A_349, %div3A : i32
      %jit3A_350 = arith.constant 2 : i32
      %eq3A = arith.constant 0 : i32
      %eq3A_351 = arith.cmpi eq, %jit3A_350, %eq3A : i32
      %jit3A_352 = arith.constant 1 : i32
      %select_n3A_353 = arith.select %eq3A_351, %jit3A_352, %jit3A_350 : i32
      %rem3A_354 = arith.remsi %add3A_333, %select_n3A_353 : i32
      %ne3A_355 = arith.constant 0 : i32
      %ne3A_356 = arith.cmpi ne, %rem3A_354, %ne3A_355 : i32
      %lt3A = arith.constant 0 : i32
      %lt3A_357 = arith.cmpi slt, %rem3A_354, %lt3A : i32
      %lt3A_358 = arith.constant 0 : i32
      %lt3A_359 = arith.cmpi slt, %select_n3A_353, %lt3A_358 : i32
      %ne3A_360 = arith.xori %lt3A_357, %lt3A_359 : i1
      %and3A_361 = arith.andi %ne3A_360, %ne3A_356 : i1
      %add3A_362 = arith.addi %rem3A_354, %select_n3A_353 : i32
      %select_n3A_363 = arith.select %and3A_361, %add3A_362, %rem3A_354 : i32
      %mul3A_364 = arith.constant 64 : i32
      %mul3A_365 = arith.muli %select_n3A_363, %mul3A_364 : i32
      %dma_wait3A_366 = tpu.memref_slice %arg5[%select_n3A, %mul3A_365] : memref<50x128xi32, #tpu.memory_space<vmem>> -> memref<1x64xi32, #tpu.memory_space<vmem>>
      %dma_wait3A_367 = tpu.memref_squeeze %dma_wait3A_366 : memref<1x64xi32, #tpu.memory_space<vmem>> -> memref<64xi32, #tpu.memory_space<vmem>>
      %dma_wait3A_368 = arith.constant 0 : i32
      %dma_wait3A_369 = arith.constant 0 : i32
      %dma_wait3A_370 = tpu.memref_slice %arg3[%dma_wait3A_368, %dma_wait3A_369] : memref<100000x128xf32, #tpu.memory_space<hbm>> -> memref<100000x128xf32, #tpu.memory_space<hbm>>
      tpu.wait_indirect_dma semaphore(%arg16 : memref<!tpu.dma_semaphore, #tpu.memory_space<semaphore_mem>>) src(%dma_wait3A_370 : memref<100000x128xf32, #tpu.memory_space<hbm>>) dst(%arg6 : memref<64x128xf32, #tpu.memory_space<vmem>>)
      %jit3A_371 = arith.constant 2 : i32
      %div3A_372 = arith.divsi %add3A_333, %jit3A_371 : i32
      %sign3A_373 = arith.constant 0 : i32
      %sign3A_374 = arith.cmpi sgt, %add3A_333, %sign3A_373 : i32
      %sign3A_375 = arith.extui %sign3A_374 : i1 to i32
      %sign3A_376 = arith.constant 0 : i32
      %sign3A_377 = arith.cmpi slt, %add3A_333, %sign3A_376 : i32
      %sign3A_378 = arith.extui %sign3A_377 : i1 to i32
      %sign3A_379 = arith.subi %sign3A_375, %sign3A_378 : i32
      %sign3A_380 = arith.constant 0 : i32
      %sign3A_381 = arith.cmpi sgt, %jit3A_371, %sign3A_380 : i32
      %sign3A_382 = arith.extui %sign3A_381 : i1 to i32
      %sign3A_383 = arith.constant 0 : i32
      %sign3A_384 = arith.cmpi slt, %jit3A_371, %sign3A_383 : i32
      %sign3A_385 = arith.extui %sign3A_384 : i1 to i32
      %sign3A_386 = arith.subi %sign3A_382, %sign3A_385 : i32
      %ne3A_387 = arith.cmpi ne, %sign3A_379, %sign3A_386 : i32
      %rem3A_388 = arith.remsi %add3A_333, %jit3A_371 : i32
      %ne3A_389 = arith.constant 0 : i32
      %ne3A_390 = arith.cmpi ne, %rem3A_388, %ne3A_389 : i32
      %and3A_391 = arith.andi %ne3A_387, %ne3A_390 : i1
      %sub3A_392 = arith.constant 1 : i32
      %sub3A_393 = arith.subi %div3A_372, %sub3A_392 : i32
      %select_n3A_394 = arith.select %and3A_391, %sub3A_393, %div3A_372 : i32
      %jit3A_395 = arith.constant 2 : i32
      %eq3A_396 = arith.constant 0 : i32
      %eq3A_397 = arith.cmpi eq, %jit3A_395, %eq3A_396 : i32
      %jit3A_398 = arith.constant 1 : i32
      %select_n3A_399 = arith.select %eq3A_397, %jit3A_398, %jit3A_395 : i32
      %rem3A_400 = arith.remsi %add3A_333, %select_n3A_399 : i32
      %ne3A_401 = arith.constant 0 : i32
      %ne3A_402 = arith.cmpi ne, %rem3A_400, %ne3A_401 : i32
      %lt3A_403 = arith.constant 0 : i32
      %lt3A_404 = arith.cmpi slt, %rem3A_400, %lt3A_403 : i32
      %lt3A_405 = arith.constant 0 : i32
      %lt3A_406 = arith.cmpi slt, %select_n3A_399, %lt3A_405 : i32
      %ne3A_407 = arith.xori %lt3A_404, %lt3A_406 : i1
      %and3A_408 = arith.andi %ne3A_407, %ne3A_402 : i1
      %add3A_409 = arith.addi %rem3A_400, %select_n3A_399 : i32
      %select_n3A_410 = arith.select %and3A_408, %add3A_409, %rem3A_400 : i32
      %mul3A_411 = arith.constant 64 : i32
      %mul3A_412 = arith.muli %select_n3A_410, %mul3A_411 : i32
      %add3A_413 = arith.addi %mul3A_2, %mul3A_412 : i32
      %dma_start3A_414 = arith.constant 0 : i32
      %dma_start3A_415 = tpu.memref_slice %arg4[%select_n3A_394, %add3A_413, %dma_start3A_414] : memref<50x4096x128xf32, #tpu.memory_space<hbm>> -> memref<1x64x128xf32, #tpu.memory_space<hbm>>
      %dma_start3A_416 = tpu.memref_squeeze %dma_start3A_415 : memref<1x64x128xf32, #tpu.memory_space<hbm>> -> memref<64x128xf32, #tpu.memory_space<hbm>>
      %dma_start3A_417 = arith.constant 0 : i32
      %dma_start3A_418 = tpu.memref_slice %arg4[%select_n3A_394, %add3A_413, %dma_start3A_417] : memref<50x4096x128xf32, #tpu.memory_space<hbm>> -> memref<1x64x128xf32, #tpu.memory_space<hbm>>
      %dma_start3A_419 = tpu.memref_squeeze %dma_start3A_418 : memref<1x64x128xf32, #tpu.memory_space<hbm>> -> memref<64x128xf32, #tpu.memory_space<hbm>>
      tpu.enqueue_dma source(%arg6 : memref<64x128xf32, #tpu.memory_space<vmem>>) target(%dma_start3A_419 : memref<64x128xf32, #tpu.memory_space<hbm>>) target_semaphore(%arg26 : memref<!tpu.dma_semaphore, #tpu.memory_space<semaphore_mem>>)
      %mul3A_420 = arith.constant 10 : i32
      %mul3A_421 = arith.muli %add3A_329, %mul3A_420 : i32
      %add3A_422 = arith.constant 1 : i32
      %add3A_423 = arith.addi %mul3A_421, %add3A_422 : i32
      %jit3A_424 = arith.constant 2 : i32
      %div3A_425 = arith.divsi %add3A_423, %jit3A_424 : i32
      %sign3A_426 = arith.constant 0 : i32
      %sign3A_427 = arith.cmpi sgt, %add3A_423, %sign3A_426 : i32
      %sign3A_428 = arith.extui %sign3A_427 : i1 to i32
      %sign3A_429 = arith.constant 0 : i32
      %sign3A_430 = arith.cmpi slt, %add3A_423, %sign3A_429 : i32
      %sign3A_431 = arith.extui %sign3A_430 : i1 to i32
      %sign3A_432 = arith.subi %sign3A_428, %sign3A_431 : i32
      %sign3A_433 = arith.constant 0 : i32
      %sign3A_434 = arith.cmpi sgt, %jit3A_424, %sign3A_433 : i32
      %sign3A_435 = arith.extui %sign3A_434 : i1 to i32
      %sign3A_436 = arith.constant 0 : i32
      %sign3A_437 = arith.cmpi slt, %jit3A_424, %sign3A_436 : i32
      %sign3A_438 = arith.extui %sign3A_437 : i1 to i32
      %sign3A_439 = arith.subi %sign3A_435, %sign3A_438 : i32
      %ne3A_440 = arith.cmpi ne, %sign3A_432, %sign3A_439 : i32
      %rem3A_441 = arith.remsi %add3A_423, %jit3A_424 : i32
      %ne3A_442 = arith.constant 0 : i32
      %ne3A_443 = arith.cmpi ne, %rem3A_441, %ne3A_442 : i32
      %and3A_444 = arith.andi %ne3A_440, %ne3A_443 : i1
      %sub3A_445 = arith.constant 1 : i32
      %sub3A_446 = arith.subi %div3A_425, %sub3A_445 : i32
      %select_n3A_447 = arith.select %and3A_444, %sub3A_446, %div3A_425 : i32
      %jit3A_448 = arith.constant 2 : i32
      %eq3A_449 = arith.constant 0 : i32
      %eq3A_450 = arith.cmpi eq, %jit3A_448, %eq3A_449 : i32
      %jit3A_451 = arith.constant 1 : i32
      %select_n3A_452 = arith.select %eq3A_450, %jit3A_451, %jit3A_448 : i32
      %rem3A_453 = arith.remsi %add3A_423, %select_n3A_452 : i32
      %ne3A_454 = arith.constant 0 : i32
      %ne3A_455 = arith.cmpi ne, %rem3A_453, %ne3A_454 : i32
      %lt3A_456 = arith.constant 0 : i32
      %lt3A_457 = arith.cmpi slt, %rem3A_453, %lt3A_456 : i32
      %lt3A_458 = arith.constant 0 : i32
      %lt3A_459 = arith.cmpi slt, %select_n3A_452, %lt3A_458 : i32
      %ne3A_460 = arith.xori %lt3A_457, %lt3A_459 : i1
      %and3A_461 = arith.andi %ne3A_460, %ne3A_455 : i1
      %add3A_462 = arith.addi %rem3A_453, %select_n3A_452 : i32
      %select_n3A_463 = arith.select %and3A_461, %add3A_462, %rem3A_453 : i32
      %mul3A_464 = arith.constant 64 : i32
      %mul3A_465 = arith.muli %select_n3A_463, %mul3A_464 : i32
      %dma_wait3A_466 = tpu.memref_slice %arg5[%select_n3A_447, %mul3A_465] : memref<50x128xi32, #tpu.memory_space<vmem>> -> memref<1x64xi32, #tpu.memory_space<vmem>>
      %dma_wait3A_467 = tpu.memref_squeeze %dma_wait3A_466 : memref<1x64xi32, #tpu.memory_space<vmem>> -> memref<64xi32, #tpu.memory_space<vmem>>
      %dma_wait3A_468 = arith.constant 0 : i32
      %dma_wait3A_469 = arith.constant 0 : i32
      %dma_wait3A_470 = tpu.memref_slice %arg3[%dma_wait3A_468, %dma_wait3A_469] : memref<100000x128xf32, #tpu.memory_space<hbm>> -> memref<100000x128xf32, #tpu.memory_space<hbm>>
      tpu.wait_indirect_dma semaphore(%arg17 : memref<!tpu.dma_semaphore, #tpu.memory_space<semaphore_mem>>) src(%dma_wait3A_470 : memref<100000x128xf32, #tpu.memory_space<hbm>>) dst(%arg7 : memref<64x128xf32, #tpu.memory_space<vmem>>)
      %jit3A_471 = arith.constant 2 : i32
      %div3A_472 = arith.divsi %add3A_423, %jit3A_471 : i32
      %sign3A_473 = arith.constant 0 : i32
      %sign3A_474 = arith.cmpi sgt, %add3A_423, %sign3A_473 : i32
      %sign3A_475 = arith.extui %sign3A_474 : i1 to i32
      %sign3A_476 = arith.constant 0 : i32
      %sign3A_477 = arith.cmpi slt, %add3A_423, %sign3A_476 : i32
      %sign3A_478 = arith.extui %sign3A_477 : i1 to i32
      %sign3A_479 = arith.subi %sign3A_475, %sign3A_478 : i32
      %sign3A_480 = arith.constant 0 : i32
      %sign3A_481 = arith.cmpi sgt, %jit3A_471, %sign3A_480 : i32
      %sign3A_482 = arith.extui %sign3A_481 : i1 to i32
      %sign3A_483 = arith.constant 0 : i32
      %sign3A_484 = arith.cmpi slt, %jit3A_471, %sign3A_483 : i32
      %sign3A_485 = arith.extui %sign3A_484 : i1 to i32
      %sign3A_486 = arith.subi %sign3A_482, %sign3A_485 : i32
      %ne3A_487 = arith.cmpi ne, %sign3A_479, %sign3A_486 : i32
      %rem3A_488 = arith.remsi %add3A_423, %jit3A_471 : i32
      %ne3A_489 = arith.constant 0 : i32
      %ne3A_490 = arith.cmpi ne, %rem3A_488, %ne3A_489 : i32
      %and3A_491 = arith.andi %ne3A_487, %ne3A_490 : i1
      %sub3A_492 = arith.constant 1 : i32
      %sub3A_493 = arith.subi %div3A_472, %sub3A_492 : i32
      %select_n3A_494 = arith.select %and3A_491, %sub3A_493, %div3A_472 : i32
      %jit3A_495 = arith.constant 2 : i32
      %eq3A_496 = arith.constant 0 : i32
      %eq3A_497 = arith.cmpi eq, %jit3A_495, %eq3A_496 : i32
      %jit3A_498 = arith.constant 1 : i32
      %select_n3A_499 = arith.select %eq3A_497, %jit3A_498, %jit3A_495 : i32
      %rem3A_500 = arith.remsi %add3A_423, %select_n3A_499 : i32
      %ne3A_501 = arith.constant 0 : i32
      %ne3A_502 = arith.cmpi ne, %rem3A_500, %ne3A_501 : i32
      %lt3A_503 = arith.constant 0 : i32
      %lt3A_504 = arith.cmpi slt, %rem3A_500, %lt3A_503 : i32
      %lt3A_505 = arith.constant 0 : i32
      %lt3A_506 = arith.cmpi slt, %select_n3A_499, %lt3A_505 : i32
      %ne3A_507 = arith.xori %lt3A_504, %lt3A_506 : i1
      %and3A_508 = arith.andi %ne3A_507, %ne3A_502 : i1
      %add3A_509 = arith.addi %rem3A_500, %select_n3A_499 : i32
      %select_n3A_510 = arith.select %and3A_508, %add3A_509, %rem3A_500 : i32
      %mul3A_511 = arith.constant 64 : i32
      %mul3A_512 = arith.muli %select_n3A_510, %mul3A_511 : i32
      %add3A_513 = arith.addi %mul3A_2, %mul3A_512 : i32
      %dma_start3A_514 = arith.constant 0 : i32
      %dma_start3A_515 = tpu.memref_slice %arg4[%select_n3A_494, %add3A_513, %dma_start3A_514] : memref<50x4096x128xf32, #tpu.memory_space<hbm>> -> memref<1x64x128xf32, #tpu.memory_space<hbm>>
      %dma_start3A_516 = tpu.memref_squeeze %dma_start3A_515 : memref<1x64x128xf32, #tpu.memory_space<hbm>> -> memref<64x128xf32, #tpu.memory_space<hbm>>
      %dma_start3A_517 = arith.constant 0 : i32
      %dma_start3A_518 = tpu.memref_slice %arg4[%select_n3A_494, %add3A_513, %dma_start3A_517] : memref<50x4096x128xf32, #tpu.memory_space<hbm>> -> memref<1x64x128xf32, #tpu.memory_space<hbm>>
      %dma_start3A_519 = tpu.memref_squeeze %dma_start3A_518 : memref<1x64x128xf32, #tpu.memory_space<hbm>> -> memref<64x128xf32, #tpu.memory_space<hbm>>
      tpu.enqueue_dma source(%arg7 : memref<64x128xf32, #tpu.memory_space<vmem>>) target(%dma_start3A_519 : memref<64x128xf32, #tpu.memory_space<hbm>>) target_semaphore(%arg27 : memref<!tpu.dma_semaphore, #tpu.memory_space<semaphore_mem>>)
      %mul3A_520 = arith.constant 10 : i32
      %mul3A_521 = arith.muli %add3A_329, %mul3A_520 : i32
      %add3A_522 = arith.constant 2 : i32
      %add3A_523 = arith.addi %mul3A_521, %add3A_522 : i32
      %jit3A_524 = arith.constant 2 : i32
      %div3A_525 = arith.divsi %add3A_523, %jit3A_524 : i32
      %sign3A_526 = arith.constant 0 : i32
      %sign3A_527 = arith.cmpi sgt, %add3A_523, %sign3A_526 : i32
      %sign3A_528 = arith.extui %sign3A_527 : i1 to i32
      %sign3A_529 = arith.constant 0 : i32
      %sign3A_530 = arith.cmpi slt, %add3A_523, %sign3A_529 : i32
      %sign3A_531 = arith.extui %sign3A_530 : i1 to i32
      %sign3A_532 = arith.subi %sign3A_528, %sign3A_531 : i32
      %sign3A_533 = arith.constant 0 : i32
      %sign3A_534 = arith.cmpi sgt, %jit3A_524, %sign3A_533 : i32
      %sign3A_535 = arith.extui %sign3A_534 : i1 to i32
      %sign3A_536 = arith.constant 0 : i32
      %sign3A_537 = arith.cmpi slt, %jit3A_524, %sign3A_536 : i32
      %sign3A_538 = arith.extui %sign3A_537 : i1 to i32
      %sign3A_539 = arith.subi %sign3A_535, %sign3A_538 : i32
      %ne3A_540 = arith.cmpi ne, %sign3A_532, %sign3A_539 : i32
      %rem3A_541 = arith.remsi %add3A_523, %jit3A_524 : i32
      %ne3A_542 = arith.constant 0 : i32
      %ne3A_543 = arith.cmpi ne, %rem3A_541, %ne3A_542 : i32
      %and3A_544 = arith.andi %ne3A_540, %ne3A_543 : i1
      %sub3A_545 = arith.constant 1 : i32
      %sub3A_546 = arith.subi %div3A_525, %sub3A_545 : i32
      %select_n3A_547 = arith.select %and3A_544, %sub3A_546, %div3A_525 : i32
      %jit3A_548 = arith.constant 2 : i32
      %eq3A_549 = arith.constant 0 : i32
      %eq3A_550 = arith.cmpi eq, %jit3A_548, %eq3A_549 : i32
      %jit3A_551 = arith.constant 1 : i32
      %select_n3A_552 = arith.select %eq3A_550, %jit3A_551, %jit3A_548 : i32
      %rem3A_553 = arith.remsi %add3A_523, %select_n3A_552 : i32
      %ne3A_554 = arith.constant 0 : i32
      %ne3A_555 = arith.cmpi ne, %rem3A_553, %ne3A_554 : i32
      %lt3A_556 = arith.constant 0 : i32
      %lt3A_557 = arith.cmpi slt, %rem3A_553, %lt3A_556 : i32
      %lt3A_558 = arith.constant 0 : i32
      %lt3A_559 = arith.cmpi slt, %select_n3A_552, %lt3A_558 : i32
      %ne3A_560 = arith.xori %lt3A_557, %lt3A_559 : i1
      %and3A_561 = arith.andi %ne3A_560, %ne3A_555 : i1
      %add3A_562 = arith.addi %rem3A_553, %select_n3A_552 : i32
      %select_n3A_563 = arith.select %and3A_561, %add3A_562, %rem3A_553 : i32
      %mul3A_564 = arith.constant 64 : i32
      %mul3A_565 = arith.muli %select_n3A_563, %mul3A_564 : i32
      %dma_wait3A_566 = tpu.memref_slice %arg5[%select_n3A_547, %mul3A_565] : memref<50x128xi32, #tpu.memory_space<vmem>> -> memref<1x64xi32, #tpu.memory_space<vmem>>
      %dma_wait3A_567 = tpu.memref_squeeze %dma_wait3A_566 : memref<1x64xi32, #tpu.memory_space<vmem>> -> memref<64xi32, #tpu.memory_space<vmem>>
      %dma_wait3A_568 = arith.constant 0 : i32
      %dma_wait3A_569 = arith.constant 0 : i32
      %dma_wait3A_570 = tpu.memref_slice %arg3[%dma_wait3A_568, %dma_wait3A_569] : memref<100000x128xf32, #tpu.memory_space<hbm>> -> memref<100000x128xf32, #tpu.memory_space<hbm>>
      tpu.wait_indirect_dma semaphore(%arg18 : memref<!tpu.dma_semaphore, #tpu.memory_space<semaphore_mem>>) src(%dma_wait3A_570 : memref<100000x128xf32, #tpu.memory_space<hbm>>) dst(%arg8 : memref<64x128xf32, #tpu.memory_space<vmem>>)
      %jit3A_571 = arith.constant 2 : i32
      %div3A_572 = arith.divsi %add3A_523, %jit3A_571 : i32
      %sign3A_573 = arith.constant 0 : i32
      %sign3A_574 = arith.cmpi sgt, %add3A_523, %sign3A_573 : i32
      %sign3A_575 = arith.extui %sign3A_574 : i1 to i32
      %sign3A_576 = arith.constant 0 : i32
      %sign3A_577 = arith.cmpi slt, %add3A_523, %sign3A_576 : i32
      %sign3A_578 = arith.extui %sign3A_577 : i1 to i32
      %sign3A_579 = arith.subi %sign3A_575, %sign3A_578 : i32
      %sign3A_580 = arith.constant 0 : i32
      %sign3A_581 = arith.cmpi sgt, %jit3A_571, %sign3A_580 : i32
      %sign3A_582 = arith.extui %sign3A_581 : i1 to i32
      %sign3A_583 = arith.constant 0 : i32
      %sign3A_584 = arith.cmpi slt, %jit3A_571, %sign3A_583 : i32
      %sign3A_585 = arith.extui %sign3A_584 : i1 to i32
      %sign3A_586 = arith.subi %sign3A_582, %sign3A_585 : i32
      %ne3A_587 = arith.cmpi ne, %sign3A_579, %sign3A_586 : i32
      %rem3A_588 = arith.remsi %add3A_523, %jit3A_571 : i32
      %ne3A_589 = arith.constant 0 : i32
      %ne3A_590 = arith.cmpi ne, %rem3A_588, %ne3A_589 : i32
      %and3A_591 = arith.andi %ne3A_587, %ne3A_590 : i1
      %sub3A_592 = arith.constant 1 : i32
      %sub3A_593 = arith.subi %div3A_572, %sub3A_592 : i32
      %select_n3A_594 = arith.select %and3A_591, %sub3A_593, %div3A_572 : i32
      %jit3A_595 = arith.constant 2 : i32
      %eq3A_596 = arith.constant 0 : i32
      %eq3A_597 = arith.cmpi eq, %jit3A_595, %eq3A_596 : i32
      %jit3A_598 = arith.constant 1 : i32
      %select_n3A_599 = arith.select %eq3A_597, %jit3A_598, %jit3A_595 : i32
      %rem3A_600 = arith.remsi %add3A_523, %select_n3A_599 : i32
      %ne3A_601 = arith.constant 0 : i32
      %ne3A_602 = arith.cmpi ne, %rem3A_600, %ne3A_601 : i32
      %lt3A_603 = arith.constant 0 : i32
      %lt3A_604 = arith.cmpi slt, %rem3A_600, %lt3A_603 : i32
      %lt3A_605 = arith.constant 0 : i32
      %lt3A_606 = arith.cmpi slt, %select_n3A_599, %lt3A_605 : i32
      %ne3A_607 = arith.xori %lt3A_604, %lt3A_606 : i1
      %and3A_608 = arith.andi %ne3A_607, %ne3A_602 : i1
      %add3A_609 = arith.addi %rem3A_600, %select_n3A_599 : i32
      %select_n3A_610 = arith.select %and3A_608, %add3A_609, %rem3A_600 : i32
      %mul3A_611 = arith.constant 64 : i32
      %mul3A_612 = arith.muli %select_n3A_610, %mul3A_611 : i32
      %add3A_613 = arith.addi %mul3A_2, %mul3A_612 : i32
      %dma_start3A_614 = arith.constant 0 : i32
      %dma_start3A_615 = tpu.memref_slice %arg4[%select_n3A_594, %add3A_613, %dma_start3A_614] : memref<50x4096x128xf32, #tpu.memory_space<hbm>> -> memref<1x64x128xf32, #tpu.memory_space<hbm>>
      %dma_start3A_616 = tpu.memref_squeeze %dma_start3A_615 : memref<1x64x128xf32, #tpu.memory_space<hbm>> -> memref<64x128xf32, #tpu.memory_space<hbm>>
      %dma_start3A_617 = arith.constant 0 : i32
      %dma_start3A_618 = tpu.memref_slice %arg4[%select_n3A_594, %add3A_613, %dma_start3A_617] : memref<50x4096x128xf32, #tpu.memory_space<hbm>> -> memref<1x64x128xf32, #tpu.memory_space<hbm>>
      %dma_start3A_619 = tpu.memref_squeeze %dma_start3A_618 : memref<1x64x128xf32, #tpu.memory_space<hbm>> -> memref<64x128xf32, #tpu.memory_space<hbm>>
      tpu.enqueue_dma source(%arg8 : memref<64x128xf32, #tpu.memory_space<vmem>>) target(%dma_start3A_619 : memref<64x128xf32, #tpu.memory_space<hbm>>) target_semaphore(%arg28 : memref<!tpu.dma_semaphore, #tpu.memory_space<semaphore_mem>>)
      %mul3A_620 = arith.constant 10 : i32
      %mul3A_621 = arith.muli %add3A_329, %mul3A_620 : i32
      %add3A_622 = arith.constant 3 : i32
      %add3A_623 = arith.addi %mul3A_621, %add3A_622 : i32
      %jit3A_624 = arith.constant 2 : i32
      %div3A_625 = arith.divsi %add3A_623, %jit3A_624 : i32
      %sign3A_626 = arith.constant 0 : i32
      %sign3A_627 = arith.cmpi sgt, %add3A_623, %sign3A_626 : i32
      %sign3A_628 = arith.extui %sign3A_627 : i1 to i32
      %sign3A_629 = arith.constant 0 : i32
      %sign3A_630 = arith.cmpi slt, %add3A_623, %sign3A_629 : i32
      %sign3A_631 = arith.extui %sign3A_630 : i1 to i32
      %sign3A_632 = arith.subi %sign3A_628, %sign3A_631 : i32
      %sign3A_633 = arith.constant 0 : i32
      %sign3A_634 = arith.cmpi sgt, %jit3A_624, %sign3A_633 : i32
      %sign3A_635 = arith.extui %sign3A_634 : i1 to i32
      %sign3A_636 = arith.constant 0 : i32
      %sign3A_637 = arith.cmpi slt, %jit3A_624, %sign3A_636 : i32
      %sign3A_638 = arith.extui %sign3A_637 : i1 to i32
      %sign3A_639 = arith.subi %sign3A_635, %sign3A_638 : i32
      %ne3A_640 = arith.cmpi ne, %sign3A_632, %sign3A_639 : i32
      %rem3A_641 = arith.remsi %add3A_623, %jit3A_624 : i32
      %ne3A_642 = arith.constant 0 : i32
      %ne3A_643 = arith.cmpi ne, %rem3A_641, %ne3A_642 : i32
      %and3A_644 = arith.andi %ne3A_640, %ne3A_643 : i1
      %sub3A_645 = arith.constant 1 : i32
      %sub3A_646 = arith.subi %div3A_625, %sub3A_645 : i32
      %select_n3A_647 = arith.select %and3A_644, %sub3A_646, %div3A_625 : i32
      %jit3A_648 = arith.constant 2 : i32
      %eq3A_649 = arith.constant 0 : i32
      %eq3A_650 = arith.cmpi eq, %jit3A_648, %eq3A_649 : i32
      %jit3A_651 = arith.constant 1 : i32
      %select_n3A_652 = arith.select %eq3A_650, %jit3A_651, %jit3A_648 : i32
      %rem3A_653 = arith.remsi %add3A_623, %select_n3A_652 : i32
      %ne3A_654 = arith.constant 0 : i32
      %ne3A_655 = arith.cmpi ne, %rem3A_653, %ne3A_654 : i32
      %lt3A_656 = arith.constant 0 : i32
      %lt3A_657 = arith.cmpi slt, %rem3A_653, %lt3A_656 : i32
      %lt3A_658 = arith.constant 0 : i32
      %lt3A_659 = arith.cmpi slt, %select_n3A_652, %lt3A_658 : i32
      %ne3A_660 = arith.xori %lt3A_657, %lt3A_659 : i1
      %and3A_661 = arith.andi %ne3A_660, %ne3A_655 : i1
      %add3A_662 = arith.addi %rem3A_653, %select_n3A_652 : i32
      %select_n3A_663 = arith.select %and3A_661, %add3A_662, %rem3A_653 : i32
      %mul3A_664 = arith.constant 64 : i32
      %mul3A_665 = arith.muli %select_n3A_663, %mul3A_664 : i32
      %dma_wait3A_666 = tpu.memref_slice %arg5[%select_n3A_647, %mul3A_665] : memref<50x128xi32, #tpu.memory_space<vmem>> -> memref<1x64xi32, #tpu.memory_space<vmem>>
      %dma_wait3A_667 = tpu.memref_squeeze %dma_wait3A_666 : memref<1x64xi32, #tpu.memory_space<vmem>> -> memref<64xi32, #tpu.memory_space<vmem>>
      %dma_wait3A_668 = arith.constant 0 : i32
      %dma_wait3A_669 = arith.constant 0 : i32
      %dma_wait3A_670 = tpu.memref_slice %arg3[%dma_wait3A_668, %dma_wait3A_669] : memref<100000x128xf32, #tpu.memory_space<hbm>> -> memref<100000x128xf32, #tpu.memory_space<hbm>>
      tpu.wait_indirect_dma semaphore(%arg19 : memref<!tpu.dma_semaphore, #tpu.memory_space<semaphore_mem>>) src(%dma_wait3A_670 : memref<100000x128xf32, #tpu.memory_space<hbm>>) dst(%arg9 : memref<64x128xf32, #tpu.memory_space<vmem>>)
      %jit3A_671 = arith.constant 2 : i32
      %div3A_672 = arith.divsi %add3A_623, %jit3A_671 : i32
      %sign3A_673 = arith.constant 0 : i32
      %sign3A_674 = arith.cmpi sgt, %add3A_623, %sign3A_673 : i32
      %sign3A_675 = arith.extui %sign3A_674 : i1 to i32
      %sign3A_676 = arith.constant 0 : i32
      %sign3A_677 = arith.cmpi slt, %add3A_623, %sign3A_676 : i32
      %sign3A_678 = arith.extui %sign3A_677 : i1 to i32
      %sign3A_679 = arith.subi %sign3A_675, %sign3A_678 : i32
      %sign3A_680 = arith.constant 0 : i32
      %sign3A_681 = arith.cmpi sgt, %jit3A_671, %sign3A_680 : i32
      %sign3A_682 = arith.extui %sign3A_681 : i1 to i32
      %sign3A_683 = arith.constant 0 : i32
      %sign3A_684 = arith.cmpi slt, %jit3A_671, %sign3A_683 : i32
      %sign3A_685 = arith.extui %sign3A_684 : i1 to i32
      %sign3A_686 = arith.subi %sign3A_682, %sign3A_685 : i32
      %ne3A_687 = arith.cmpi ne, %sign3A_679, %sign3A_686 : i32
      %rem3A_688 = arith.remsi %add3A_623, %jit3A_671 : i32
      %ne3A_689 = arith.constant 0 : i32
      %ne3A_690 = arith.cmpi ne, %rem3A_688, %ne3A_689 : i32
      %and3A_691 = arith.andi %ne3A_687, %ne3A_690 : i1
      %sub3A_692 = arith.constant 1 : i32
      %sub3A_693 = arith.subi %div3A_672, %sub3A_692 : i32
      %select_n3A_694 = arith.select %and3A_691, %sub3A_693, %div3A_672 : i32
      %jit3A_695 = arith.constant 2 : i32
      %eq3A_696 = arith.constant 0 : i32
      %eq3A_697 = arith.cmpi eq, %jit3A_695, %eq3A_696 : i32
      %jit3A_698 = arith.constant 1 : i32
      %select_n3A_699 = arith.select %eq3A_697, %jit3A_698, %jit3A_695 : i32
      %rem3A_700 = arith.remsi %add3A_623, %select_n3A_699 : i32
      %ne3A_701 = arith.constant 0 : i32
      %ne3A_702 = arith.cmpi ne, %rem3A_700, %ne3A_701 : i32
      %lt3A_703 = arith.constant 0 : i32
      %lt3A_704 = arith.cmpi slt, %rem3A_700, %lt3A_703 : i32
      %lt3A_705 = arith.constant 0 : i32
      %lt3A_706 = arith.cmpi slt, %select_n3A_699, %lt3A_705 : i32
      %ne3A_707 = arith.xori %lt3A_704, %lt3A_706 : i1
      %and3A_708 = arith.andi %ne3A_707, %ne3A_702 : i1
      %add3A_709 = arith.addi %rem3A_700, %select_n3A_699 : i32
      %select_n3A_710 = arith.select %and3A_708, %add3A_709, %rem3A_700 : i32
      %mul3A_711 = arith.constant 64 : i32
      %mul3A_712 = arith.muli %select_n3A_710, %mul3A_711 : i32
      %add3A_713 = arith.addi %mul3A_2, %mul3A_712 : i32
      %dma_start3A_714 = arith.constant 0 : i32
      %dma_start3A_715 = tpu.memref_slice %arg4[%select_n3A_694, %add3A_713, %dma_start3A_714] : memref<50x4096x128xf32, #tpu.memory_space<hbm>> -> memref<1x64x128xf32, #tpu.memory_space<hbm>>
      %dma_start3A_716 = tpu.memref_squeeze %dma_start3A_715 : memref<1x64x128xf32, #tpu.memory_space<hbm>> -> memref<64x128xf32, #tpu.memory_space<hbm>>
      %dma_start3A_717 = arith.constant 0 : i32
      %dma_start3A_718 = tpu.memref_slice %arg4[%select_n3A_694, %add3A_713, %dma_start3A_717] : memref<50x4096x128xf32, #tpu.memory_space<hbm>> -> memref<1x64x128xf32, #tpu.memory_space<hbm>>
      %dma_start3A_719 = tpu.memref_squeeze %dma_start3A_718 : memref<1x64x128xf32, #tpu.memory_space<hbm>> -> memref<64x128xf32, #tpu.memory_space<hbm>>
      tpu.enqueue_dma source(%arg9 : memref<64x128xf32, #tpu.memory_space<vmem>>) target(%dma_start3A_719 : memref<64x128xf32, #tpu.memory_space<hbm>>) target_semaphore(%arg29 : memref<!tpu.dma_semaphore, #tpu.memory_space<semaphore_mem>>)
      %mul3A_720 = arith.constant 10 : i32
      %mul3A_721 = arith.muli %add3A_329, %mul3A_720 : i32
      %add3A_722 = arith.constant 4 : i32
      %add3A_723 = arith.addi %mul3A_721, %add3A_722 : i32
      %jit3A_724 = arith.constant 2 : i32
      %div3A_725 = arith.divsi %add3A_723, %jit3A_724 : i32
      %sign3A_726 = arith.constant 0 : i32
      %sign3A_727 = arith.cmpi sgt, %add3A_723, %sign3A_726 : i32
      %sign3A_728 = arith.extui %sign3A_727 : i1 to i32
      %sign3A_729 = arith.constant 0 : i32
      %sign3A_730 = arith.cmpi slt, %add3A_723, %sign3A_729 : i32
      %sign3A_731 = arith.extui %sign3A_730 : i1 to i32
      %sign3A_732 = arith.subi %sign3A_728, %sign3A_731 : i32
      %sign3A_733 = arith.constant 0 : i32
      %sign3A_734 = arith.cmpi sgt, %jit3A_724, %sign3A_733 : i32
      %sign3A_735 = arith.extui %sign3A_734 : i1 to i32
      %sign3A_736 = arith.constant 0 : i32
      %sign3A_737 = arith.cmpi slt, %jit3A_724, %sign3A_736 : i32
      %sign3A_738 = arith.extui %sign3A_737 : i1 to i32
      %sign3A_739 = arith.subi %sign3A_735, %sign3A_738 : i32
      %ne3A_740 = arith.cmpi ne, %sign3A_732, %sign3A_739 : i32
      %rem3A_741 = arith.remsi %add3A_723, %jit3A_724 : i32
      %ne3A_742 = arith.constant 0 : i32
      %ne3A_743 = arith.cmpi ne, %rem3A_741, %ne3A_742 : i32
      %and3A_744 = arith.andi %ne3A_740, %ne3A_743 : i1
      %sub3A_745 = arith.constant 1 : i32
      %sub3A_746 = arith.subi %div3A_725, %sub3A_745 : i32
      %select_n3A_747 = arith.select %and3A_744, %sub3A_746, %div3A_725 : i32
      %jit3A_748 = arith.constant 2 : i32
      %eq3A_749 = arith.constant 0 : i32
      %eq3A_750 = arith.cmpi eq, %jit3A_748, %eq3A_749 : i32
      %jit3A_751 = arith.constant 1 : i32
      %select_n3A_752 = arith.select %eq3A_750, %jit3A_751, %jit3A_748 : i32
      %rem3A_753 = arith.remsi %add3A_723, %select_n3A_752 : i32
      %ne3A_754 = arith.constant 0 : i32
      %ne3A_755 = arith.cmpi ne, %rem3A_753, %ne3A_754 : i32
      %lt3A_756 = arith.constant 0 : i32
      %lt3A_757 = arith.cmpi slt, %rem3A_753, %lt3A_756 : i32
      %lt3A_758 = arith.constant 0 : i32
      %lt3A_759 = arith.cmpi slt, %select_n3A_752, %lt3A_758 : i32
      %ne3A_760 = arith.xori %lt3A_757, %lt3A_759 : i1
      %and3A_761 = arith.andi %ne3A_760, %ne3A_755 : i1
      %add3A_762 = arith.addi %rem3A_753, %select_n3A_752 : i32
      %select_n3A_763 = arith.select %and3A_761, %add3A_762, %rem3A_753 : i32
      %mul3A_764 = arith.constant 64 : i32
      %mul3A_765 = arith.muli %select_n3A_763, %mul3A_764 : i32
      %dma_wait3A_766 = tpu.memref_slice %arg5[%select_n3A_747, %mul3A_765] : memref<50x128xi32, #tpu.memory_space<vmem>> -> memref<1x64xi32, #tpu.memory_space<vmem>>
      %dma_wait3A_767 = tpu.memref_squeeze %dma_wait3A_766 : memref<1x64xi32, #tpu.memory_space<vmem>> -> memref<64xi32, #tpu.memory_space<vmem>>
      %dma_wait3A_768 = arith.constant 0 : i32
      %dma_wait3A_769 = arith.constant 0 : i32
      %dma_wait3A_770 = tpu.memref_slice %arg3[%dma_wait3A_768, %dma_wait3A_769] : memref<100000x128xf32, #tpu.memory_space<hbm>> -> memref<100000x128xf32, #tpu.memory_space<hbm>>
      tpu.wait_indirect_dma semaphore(%arg20 : memref<!tpu.dma_semaphore, #tpu.memory_space<semaphore_mem>>) src(%dma_wait3A_770 : memref<100000x128xf32, #tpu.memory_space<hbm>>) dst(%arg10 : memref<64x128xf32, #tpu.memory_space<vmem>>)
      %jit3A_771 = arith.constant 2 : i32
      %div3A_772 = arith.divsi %add3A_723, %jit3A_771 : i32
      %sign3A_773 = arith.constant 0 : i32
      %sign3A_774 = arith.cmpi sgt, %add3A_723, %sign3A_773 : i32
      %sign3A_775 = arith.extui %sign3A_774 : i1 to i32
      %sign3A_776 = arith.constant 0 : i32
      %sign3A_777 = arith.cmpi slt, %add3A_723, %sign3A_776 : i32
      %sign3A_778 = arith.extui %sign3A_777 : i1 to i32
      %sign3A_779 = arith.subi %sign3A_775, %sign3A_778 : i32
      %sign3A_780 = arith.constant 0 : i32
      %sign3A_781 = arith.cmpi sgt, %jit3A_771, %sign3A_780 : i32
      %sign3A_782 = arith.extui %sign3A_781 : i1 to i32
      %sign3A_783 = arith.constant 0 : i32
      %sign3A_784 = arith.cmpi slt, %jit3A_771, %sign3A_783 : i32
      %sign3A_785 = arith.extui %sign3A_784 : i1 to i32
      %sign3A_786 = arith.subi %sign3A_782, %sign3A_785 : i32
      %ne3A_787 = arith.cmpi ne, %sign3A_779, %sign3A_786 : i32
      %rem3A_788 = arith.remsi %add3A_723, %jit3A_771 : i32
      %ne3A_789 = arith.constant 0 : i32
      %ne3A_790 = arith.cmpi ne, %rem3A_788, %ne3A_789 : i32
      %and3A_791 = arith.andi %ne3A_787, %ne3A_790 : i1
      %sub3A_792 = arith.constant 1 : i32
      %sub3A_793 = arith.subi %div3A_772, %sub3A_792 : i32
      %select_n3A_794 = arith.select %and3A_791, %sub3A_793, %div3A_772 : i32
      %jit3A_795 = arith.constant 2 : i32
      %eq3A_796 = arith.constant 0 : i32
      %eq3A_797 = arith.cmpi eq, %jit3A_795, %eq3A_796 : i32
      %jit3A_798 = arith.constant 1 : i32
      %select_n3A_799 = arith.select %eq3A_797, %jit3A_798, %jit3A_795 : i32
      %rem3A_800 = arith.remsi %add3A_723, %select_n3A_799 : i32
      %ne3A_801 = arith.constant 0 : i32
      %ne3A_802 = arith.cmpi ne, %rem3A_800, %ne3A_801 : i32
      %lt3A_803 = arith.constant 0 : i32
      %lt3A_804 = arith.cmpi slt, %rem3A_800, %lt3A_803 : i32
      %lt3A_805 = arith.constant 0 : i32
      %lt3A_806 = arith.cmpi slt, %select_n3A_799, %lt3A_805 : i32
      %ne3A_807 = arith.xori %lt3A_804, %lt3A_806 : i1
      %and3A_808 = arith.andi %ne3A_807, %ne3A_802 : i1
      %add3A_809 = arith.addi %rem3A_800, %select_n3A_799 : i32
      %select_n3A_810 = arith.select %and3A_808, %add3A_809, %rem3A_800 : i32
      %mul3A_811 = arith.constant 64 : i32
      %mul3A_812 = arith.muli %select_n3A_810, %mul3A_811 : i32
      %add3A_813 = arith.addi %mul3A_2, %mul3A_812 : i32
      %dma_start3A_814 = arith.constant 0 : i32
      %dma_start3A_815 = tpu.memref_slice %arg4[%select_n3A_794, %add3A_813, %dma_start3A_814] : memref<50x4096x128xf32, #tpu.memory_space<hbm>> -> memref<1x64x128xf32, #tpu.memory_space<hbm>>
      %dma_start3A_816 = tpu.memref_squeeze %dma_start3A_815 : memref<1x64x128xf32, #tpu.memory_space<hbm>> -> memref<64x128xf32, #tpu.memory_space<hbm>>
      %dma_start3A_817 = arith.constant 0 : i32
      %dma_start3A_818 = tpu.memref_slice %arg4[%select_n3A_794, %add3A_813, %dma_start3A_817] : memref<50x4096x128xf32, #tpu.memory_space<hbm>> -> memref<1x64x128xf32, #tpu.memory_space<hbm>>
      %dma_start3A_819 = tpu.memref_squeeze %dma_start3A_818 : memref<1x64x128xf32, #tpu.memory_space<hbm>> -> memref<64x128xf32, #tpu.memory_space<hbm>>
      tpu.enqueue_dma source(%arg10 : memref<64x128xf32, #tpu.memory_space<vmem>>) target(%dma_start3A_819 : memref<64x128xf32, #tpu.memory_space<hbm>>) target_semaphore(%arg30 : memref<!tpu.dma_semaphore, #tpu.memory_space<semaphore_mem>>)
      %mul3A_820 = arith.constant 10 : i32
      %mul3A_821 = arith.muli %add3A_329, %mul3A_820 : i32
      %add3A_822 = arith.constant 5 : i32
      %add3A_823 = arith.addi %mul3A_821, %add3A_822 : i32
      %jit3A_824 = arith.constant 2 : i32
      %div3A_825 = arith.divsi %add3A_823, %jit3A_824 : i32
      %sign3A_826 = arith.constant 0 : i32
      %sign3A_827 = arith.cmpi sgt, %add3A_823, %sign3A_826 : i32
      %sign3A_828 = arith.extui %sign3A_827 : i1 to i32
      %sign3A_829 = arith.constant 0 : i32
      %sign3A_830 = arith.cmpi slt, %add3A_823, %sign3A_829 : i32
      %sign3A_831 = arith.extui %sign3A_830 : i1 to i32
      %sign3A_832 = arith.subi %sign3A_828, %sign3A_831 : i32
      %sign3A_833 = arith.constant 0 : i32
      %sign3A_834 = arith.cmpi sgt, %jit3A_824, %sign3A_833 : i32
      %sign3A_835 = arith.extui %sign3A_834 : i1 to i32
      %sign3A_836 = arith.constant 0 : i32
      %sign3A_837 = arith.cmpi slt, %jit3A_824, %sign3A_836 : i32
      %sign3A_838 = arith.extui %sign3A_837 : i1 to i32
      %sign3A_839 = arith.subi %sign3A_835, %sign3A_838 : i32
      %ne3A_840 = arith.cmpi ne, %sign3A_832, %sign3A_839 : i32
      %rem3A_841 = arith.remsi %add3A_823, %jit3A_824 : i32
      %ne3A_842 = arith.constant 0 : i32
      %ne3A_843 = arith.cmpi ne, %rem3A_841, %ne3A_842 : i32
      %and3A_844 = arith.andi %ne3A_840, %ne3A_843 : i1
      %sub3A_845 = arith.constant 1 : i32
      %sub3A_846 = arith.subi %div3A_825, %sub3A_845 : i32
      %select_n3A_847 = arith.select %and3A_844, %sub3A_846, %div3A_825 : i32
      %jit3A_848 = arith.constant 2 : i32
      %eq3A_849 = arith.constant 0 : i32
      %eq3A_850 = arith.cmpi eq, %jit3A_848, %eq3A_849 : i32
      %jit3A_851 = arith.constant 1 : i32
      %select_n3A_852 = arith.select %eq3A_850, %jit3A_851, %jit3A_848 : i32
      %rem3A_853 = arith.remsi %add3A_823, %select_n3A_852 : i32
      %ne3A_854 = arith.constant 0 : i32
      %ne3A_855 = arith.cmpi ne, %rem3A_853, %ne3A_854 : i32
      %lt3A_856 = arith.constant 0 : i32
      %lt3A_857 = arith.cmpi slt, %rem3A_853, %lt3A_856 : i32
      %lt3A_858 = arith.constant 0 : i32
      %lt3A_859 = arith.cmpi slt, %select_n3A_852, %lt3A_858 : i32
      %ne3A_860 = arith.xori %lt3A_857, %lt3A_859 : i1
      %and3A_861 = arith.andi %ne3A_860, %ne3A_855 : i1
      %add3A_862 = arith.addi %rem3A_853, %select_n3A_852 : i32
      %select_n3A_863 = arith.select %and3A_861, %add3A_862, %rem3A_853 : i32
      %mul3A_864 = arith.constant 64 : i32
      %mul3A_865 = arith.muli %select_n3A_863, %mul3A_864 : i32
      %dma_wait3A_866 = tpu.memref_slice %arg5[%select_n3A_847, %mul3A_865] : memref<50x128xi32, #tpu.memory_space<vmem>> -> memref<1x64xi32, #tpu.memory_space<vmem>>
      %dma_wait3A_867 = tpu.memref_squeeze %dma_wait3A_866 : memref<1x64xi32, #tpu.memory_space<vmem>> -> memref<64xi32, #tpu.memory_space<vmem>>
      %dma_wait3A_868 = arith.constant 0 : i32
      %dma_wait3A_869 = arith.constant 0 : i32
      %dma_wait3A_870 = tpu.memref_slice %arg3[%dma_wait3A_868, %dma_wait3A_869] : memref<100000x128xf32, #tpu.memory_space<hbm>> -> memref<100000x128xf32, #tpu.memory_space<hbm>>
      tpu.wait_indirect_dma semaphore(%arg21 : memref<!tpu.dma_semaphore, #tpu.memory_space<semaphore_mem>>) src(%dma_wait3A_870 : memref<100000x128xf32, #tpu.memory_space<hbm>>) dst(%arg11 : memref<64x128xf32, #tpu.memory_space<vmem>>)
      %jit3A_871 = arith.constant 2 : i32
      %div3A_872 = arith.divsi %add3A_823, %jit3A_871 : i32
      %sign3A_873 = arith.constant 0 : i32
      %sign3A_874 = arith.cmpi sgt, %add3A_823, %sign3A_873 : i32
      %sign3A_875 = arith.extui %sign3A_874 : i1 to i32
      %sign3A_876 = arith.constant 0 : i32
      %sign3A_877 = arith.cmpi slt, %add3A_823, %sign3A_876 : i32
      %sign3A_878 = arith.extui %sign3A_877 : i1 to i32
      %sign3A_879 = arith.subi %sign3A_875, %sign3A_878 : i32
      %sign3A_880 = arith.constant 0 : i32
      %sign3A_881 = arith.cmpi sgt, %jit3A_871, %sign3A_880 : i32
      %sign3A_882 = arith.extui %sign3A_881 : i1 to i32
      %sign3A_883 = arith.constant 0 : i32
      %sign3A_884 = arith.cmpi slt, %jit3A_871, %sign3A_883 : i32
      %sign3A_885 = arith.extui %sign3A_884 : i1 to i32
      %sign3A_886 = arith.subi %sign3A_882, %sign3A_885 : i32
      %ne3A_887 = arith.cmpi ne, %sign3A_879, %sign3A_886 : i32
      %rem3A_888 = arith.remsi %add3A_823, %jit3A_871 : i32
      %ne3A_889 = arith.constant 0 : i32
      %ne3A_890 = arith.cmpi ne, %rem3A_888, %ne3A_889 : i32
      %and3A_891 = arith.andi %ne3A_887, %ne3A_890 : i1
      %sub3A_892 = arith.constant 1 : i32
      %sub3A_893 = arith.subi %div3A_872, %sub3A_892 : i32
      %select_n3A_894 = arith.select %and3A_891, %sub3A_893, %div3A_872 : i32
      %jit3A_895 = arith.constant 2 : i32
      %eq3A_896 = arith.constant 0 : i32
      %eq3A_897 = arith.cmpi eq, %jit3A_895, %eq3A_896 : i32
      %jit3A_898 = arith.constant 1 : i32
      %select_n3A_899 = arith.select %eq3A_897, %jit3A_898, %jit3A_895 : i32
      %rem3A_900 = arith.remsi %add3A_823, %select_n3A_899 : i32
      %ne3A_901 = arith.constant 0 : i32
      %ne3A_902 = arith.cmpi ne, %rem3A_900, %ne3A_901 : i32
      %lt3A_903 = arith.constant 0 : i32
      %lt3A_904 = arith.cmpi slt, %rem3A_900, %lt3A_903 : i32
      %lt3A_905 = arith.constant 0 : i32
      %lt3A_906 = arith.cmpi slt, %select_n3A_899, %lt3A_905 : i32
      %ne3A_907 = arith.xori %lt3A_904, %lt3A_906 : i1
      %and3A_908 = arith.andi %ne3A_907, %ne3A_902 : i1
      %add3A_909 = arith.addi %rem3A_900, %select_n3A_899 : i32
      %select_n3A_910 = arith.select %and3A_908, %add3A_909, %rem3A_900 : i32
      %mul3A_911 = arith.constant 64 : i32
      %mul3A_912 = arith.muli %select_n3A_910, %mul3A_911 : i32
      %add3A_913 = arith.addi %mul3A_2, %mul3A_912 : i32
      %dma_start3A_914 = arith.constant 0 : i32
      %dma_start3A_915 = tpu.memref_slice %arg4[%select_n3A_894, %add3A_913, %dma_start3A_914] : memref<50x4096x128xf32, #tpu.memory_space<hbm>> -> memref<1x64x128xf32, #tpu.memory_space<hbm>>
      %dma_start3A_916 = tpu.memref_squeeze %dma_start3A_915 : memref<1x64x128xf32, #tpu.memory_space<hbm>> -> memref<64x128xf32, #tpu.memory_space<hbm>>
      %dma_start3A_917 = arith.constant 0 : i32
      %dma_start3A_918 = tpu.memref_slice %arg4[%select_n3A_894, %add3A_913, %dma_start3A_917] : memref<50x4096x128xf32, #tpu.memory_space<hbm>> -> memref<1x64x128xf32, #tpu.memory_space<hbm>>
      %dma_start3A_919 = tpu.memref_squeeze %dma_start3A_918 : memref<1x64x128xf32, #tpu.memory_space<hbm>> -> memref<64x128xf32, #tpu.memory_space<hbm>>
      tpu.enqueue_dma source(%arg11 : memref<64x128xf32, #tpu.memory_space<vmem>>) target(%dma_start3A_919 : memref<64x128xf32, #tpu.memory_space<hbm>>) target_semaphore(%arg31 : memref<!tpu.dma_semaphore, #tpu.memory_space<semaphore_mem>>)
      %mul3A_920 = arith.constant 10 : i32
      %mul3A_921 = arith.muli %add3A_329, %mul3A_920 : i32
      %add3A_922 = arith.constant 6 : i32
      %add3A_923 = arith.addi %mul3A_921, %add3A_922 : i32
      %jit3A_924 = arith.constant 2 : i32
      %div3A_925 = arith.divsi %add3A_923, %jit3A_924 : i32
      %sign3A_926 = arith.constant 0 : i32
      %sign3A_927 = arith.cmpi sgt, %add3A_923, %sign3A_926 : i32
      %sign3A_928 = arith.extui %sign3A_927 : i1 to i32
      %sign3A_929 = arith.constant 0 : i32
      %sign3A_930 = arith.cmpi slt, %add3A_923, %sign3A_929 : i32
      %sign3A_931 = arith.extui %sign3A_930 : i1 to i32
      %sign3A_932 = arith.subi %sign3A_928, %sign3A_931 : i32
      %sign3A_933 = arith.constant 0 : i32
      %sign3A_934 = arith.cmpi sgt, %jit3A_924, %sign3A_933 : i32
      %sign3A_935 = arith.extui %sign3A_934 : i1 to i32
      %sign3A_936 = arith.constant 0 : i32
      %sign3A_937 = arith.cmpi slt, %jit3A_924, %sign3A_936 : i32
      %sign3A_938 = arith.extui %sign3A_937 : i1 to i32
      %sign3A_939 = arith.subi %sign3A_935, %sign3A_938 : i32
      %ne3A_940 = arith.cmpi ne, %sign3A_932, %sign3A_939 : i32
      %rem3A_941 = arith.remsi %add3A_923, %jit3A_924 : i32
      %ne3A_942 = arith.constant 0 : i32
      %ne3A_943 = arith.cmpi ne, %rem3A_941, %ne3A_942 : i32
      %and3A_944 = arith.andi %ne3A_940, %ne3A_943 : i1
      %sub3A_945 = arith.constant 1 : i32
      %sub3A_946 = arith.subi %div3A_925, %sub3A_945 : i32
      %select_n3A_947 = arith.select %and3A_944, %sub3A_946, %div3A_925 : i32
      %jit3A_948 = arith.constant 2 : i32
      %eq3A_949 = arith.constant 0 : i32
      %eq3A_950 = arith.cmpi eq, %jit3A_948, %eq3A_949 : i32
      %jit3A_951 = arith.constant 1 : i32
      %select_n3A_952 = arith.select %eq3A_950, %jit3A_951, %jit3A_948 : i32
      %rem3A_953 = arith.remsi %add3A_923, %select_n3A_952 : i32
      %ne3A_954 = arith.constant 0 : i32
      %ne3A_955 = arith.cmpi ne, %rem3A_953, %ne3A_954 : i32
      %lt3A_956 = arith.constant 0 : i32
      %lt3A_957 = arith.cmpi slt, %rem3A_953, %lt3A_956 : i32
      %lt3A_958 = arith.constant 0 : i32
      %lt3A_959 = arith.cmpi slt, %select_n3A_952, %lt3A_958 : i32
      %ne3A_960 = arith.xori %lt3A_957, %lt3A_959 : i1
      %and3A_961 = arith.andi %ne3A_960, %ne3A_955 : i1
      %add3A_962 = arith.addi %rem3A_953, %select_n3A_952 : i32
      %select_n3A_963 = arith.select %and3A_961, %add3A_962, %rem3A_953 : i32
      %mul3A_964 = arith.constant 64 : i32
      %mul3A_965 = arith.muli %select_n3A_963, %mul3A_964 : i32
      %dma_wait3A_966 = tpu.memref_slice %arg5[%select_n3A_947, %mul3A_965] : memref<50x128xi32, #tpu.memory_space<vmem>> -> memref<1x64xi32, #tpu.memory_space<vmem>>
      %dma_wait3A_967 = tpu.memref_squeeze %dma_wait3A_966 : memref<1x64xi32, #tpu.memory_space<vmem>> -> memref<64xi32, #tpu.memory_space<vmem>>
      %dma_wait3A_968 = arith.constant 0 : i32
      %dma_wait3A_969 = arith.constant 0 : i32
      %dma_wait3A_970 = tpu.memref_slice %arg3[%dma_wait3A_968, %dma_wait3A_969] : memref<100000x128xf32, #tpu.memory_space<hbm>> -> memref<100000x128xf32, #tpu.memory_space<hbm>>
      tpu.wait_indirect_dma semaphore(%arg22 : memref<!tpu.dma_semaphore, #tpu.memory_space<semaphore_mem>>) src(%dma_wait3A_970 : memref<100000x128xf32, #tpu.memory_space<hbm>>) dst(%arg12 : memref<64x128xf32, #tpu.memory_space<vmem>>)
      %jit3A_971 = arith.constant 2 : i32
      %div3A_972 = arith.divsi %add3A_923, %jit3A_971 : i32
      %sign3A_973 = arith.constant 0 : i32
      %sign3A_974 = arith.cmpi sgt, %add3A_923, %sign3A_973 : i32
      %sign3A_975 = arith.extui %sign3A_974 : i1 to i32
      %sign3A_976 = arith.constant 0 : i32
      %sign3A_977 = arith.cmpi slt, %add3A_923, %sign3A_976 : i32
      %sign3A_978 = arith.extui %sign3A_977 : i1 to i32
      %sign3A_979 = arith.subi %sign3A_975, %sign3A_978 : i32
      %sign3A_980 = arith.constant 0 : i32
      %sign3A_981 = arith.cmpi sgt, %jit3A_971, %sign3A_980 : i32
      %sign3A_982 = arith.extui %sign3A_981 : i1 to i32
      %sign3A_983 = arith.constant 0 : i32
      %sign3A_984 = arith.cmpi slt, %jit3A_971, %sign3A_983 : i32
      %sign3A_985 = arith.extui %sign3A_984 : i1 to i32
      %sign3A_986 = arith.subi %sign3A_982, %sign3A_985 : i32
      %ne3A_987 = arith.cmpi ne, %sign3A_979, %sign3A_986 : i32
      %rem3A_988 = arith.remsi %add3A_923, %jit3A_971 : i32
      %ne3A_989 = arith.constant 0 : i32
      %ne3A_990 = arith.cmpi ne, %rem3A_988, %ne3A_989 : i32
      %and3A_991 = arith.andi %ne3A_987, %ne3A_990 : i1
      %sub3A_992 = arith.constant 1 : i32
      %sub3A_993 = arith.subi %div3A_972, %sub3A_992 : i32
      %select_n3A_994 = arith.select %and3A_991, %sub3A_993, %div3A_972 : i32
      %jit3A_995 = arith.constant 2 : i32
      %eq3A_996 = arith.constant 0 : i32
      %eq3A_997 = arith.cmpi eq, %jit3A_995, %eq3A_996 : i32
      %jit3A_998 = arith.constant 1 : i32
      %select_n3A_999 = arith.select %eq3A_997, %jit3A_998, %jit3A_995 : i32
      %rem3A_1000 = arith.remsi %add3A_923, %select_n3A_999 : i32
      %ne3A_1001 = arith.constant 0 : i32
      %ne3A_1002 = arith.cmpi ne, %rem3A_1000, %ne3A_1001 : i32
      %lt3A_1003 = arith.constant 0 : i32
      %lt3A_1004 = arith.cmpi slt, %rem3A_1000, %lt3A_1003 : i32
      %lt3A_1005 = arith.constant 0 : i32
      %lt3A_1006 = arith.cmpi slt, %select_n3A_999, %lt3A_1005 : i32
      %ne3A_1007 = arith.xori %lt3A_1004, %lt3A_1006 : i1
      %and3A_1008 = arith.andi %ne3A_1007, %ne3A_1002 : i1
      %add3A_1009 = arith.addi %rem3A_1000, %select_n3A_999 : i32
      %select_n3A_1010 = arith.select %and3A_1008, %add3A_1009, %rem3A_1000 : i32
      %mul3A_1011 = arith.constant 64 : i32
      %mul3A_1012 = arith.muli %select_n3A_1010, %mul3A_1011 : i32
      %add3A_1013 = arith.addi %mul3A_2, %mul3A_1012 : i32
      %dma_start3A_1014 = arith.constant 0 : i32
      %dma_start3A_1015 = tpu.memref_slice %arg4[%select_n3A_994, %add3A_1013, %dma_start3A_1014] : memref<50x4096x128xf32, #tpu.memory_space<hbm>> -> memref<1x64x128xf32, #tpu.memory_space<hbm>>
      %dma_start3A_1016 = tpu.memref_squeeze %dma_start3A_1015 : memref<1x64x128xf32, #tpu.memory_space<hbm>> -> memref<64x128xf32, #tpu.memory_space<hbm>>
      %dma_start3A_1017 = arith.constant 0 : i32
      %dma_start3A_1018 = tpu.memref_slice %arg4[%select_n3A_994, %add3A_1013, %dma_start3A_1017] : memref<50x4096x128xf32, #tpu.memory_space<hbm>> -> memref<1x64x128xf32, #tpu.memory_space<hbm>>
      %dma_start3A_1019 = tpu.memref_squeeze %dma_start3A_1018 : memref<1x64x128xf32, #tpu.memory_space<hbm>> -> memref<64x128xf32, #tpu.memory_space<hbm>>
      tpu.enqueue_dma source(%arg12 : memref<64x128xf32, #tpu.memory_space<vmem>>) target(%dma_start3A_1019 : memref<64x128xf32, #tpu.memory_space<hbm>>) target_semaphore(%arg32 : memref<!tpu.dma_semaphore, #tpu.memory_space<semaphore_mem>>)
      %mul3A_1020 = arith.constant 10 : i32
      %mul3A_1021 = arith.muli %add3A_329, %mul3A_1020 : i32
      %add3A_1022 = arith.constant 7 : i32
      %add3A_1023 = arith.addi %mul3A_1021, %add3A_1022 : i32
      %jit3A_1024 = arith.constant 2 : i32
      %div3A_1025 = arith.divsi %add3A_1023, %jit3A_1024 : i32
      %sign3A_1026 = arith.constant 0 : i32
      %sign3A_1027 = arith.cmpi sgt, %add3A_1023, %sign3A_1026 : i32
      %sign3A_1028 = arith.extui %sign3A_1027 : i1 to i32
      %sign3A_1029 = arith.constant 0 : i32
      %sign3A_1030 = arith.cmpi slt, %add3A_1023, %sign3A_1029 : i32
      %sign3A_1031 = arith.extui %sign3A_1030 : i1 to i32
      %sign3A_1032 = arith.subi %sign3A_1028, %sign3A_1031 : i32
      %sign3A_1033 = arith.constant 0 : i32
      %sign3A_1034 = arith.cmpi sgt, %jit3A_1024, %sign3A_1033 : i32
      %sign3A_1035 = arith.extui %sign3A_1034 : i1 to i32
      %sign3A_1036 = arith.constant 0 : i32
      %sign3A_1037 = arith.cmpi slt, %jit3A_1024, %sign3A_1036 : i32
      %sign3A_1038 = arith.extui %sign3A_1037 : i1 to i32
      %sign3A_1039 = arith.subi %sign3A_1035, %sign3A_1038 : i32
      %ne3A_1040 = arith.cmpi ne, %sign3A_1032, %sign3A_1039 : i32
      %rem3A_1041 = arith.remsi %add3A_1023, %jit3A_1024 : i32
      %ne3A_1042 = arith.constant 0 : i32
      %ne3A_1043 = arith.cmpi ne, %rem3A_1041, %ne3A_1042 : i32
      %and3A_1044 = arith.andi %ne3A_1040, %ne3A_1043 : i1
      %sub3A_1045 = arith.constant 1 : i32
      %sub3A_1046 = arith.subi %div3A_1025, %sub3A_1045 : i32
      %select_n3A_1047 = arith.select %and3A_1044, %sub3A_1046, %div3A_1025 : i32
      %jit3A_1048 = arith.constant 2 : i32
      %eq3A_1049 = arith.constant 0 : i32
      %eq3A_1050 = arith.cmpi eq, %jit3A_1048, %eq3A_1049 : i32
      %jit3A_1051 = arith.constant 1 : i32
      %select_n3A_1052 = arith.select %eq3A_1050, %jit3A_1051, %jit3A_1048 : i32
      %rem3A_1053 = arith.remsi %add3A_1023, %select_n3A_1052 : i32
      %ne3A_1054 = arith.constant 0 : i32
      %ne3A_1055 = arith.cmpi ne, %rem3A_1053, %ne3A_1054 : i32
      %lt3A_1056 = arith.constant 0 : i32
      %lt3A_1057 = arith.cmpi slt, %rem3A_1053, %lt3A_1056 : i32
      %lt3A_1058 = arith.constant 0 : i32
      %lt3A_1059 = arith.cmpi slt, %select_n3A_1052, %lt3A_1058 : i32
      %ne3A_1060 = arith.xori %lt3A_1057, %lt3A_1059 : i1
      %and3A_1061 = arith.andi %ne3A_1060, %ne3A_1055 : i1
      %add3A_1062 = arith.addi %rem3A_1053, %select_n3A_1052 : i32
      %select_n3A_1063 = arith.select %and3A_1061, %add3A_1062, %rem3A_1053 : i32
      %mul3A_1064 = arith.constant 64 : i32
      %mul3A_1065 = arith.muli %select_n3A_1063, %mul3A_1064 : i32
      %dma_wait3A_1066 = tpu.memref_slice %arg5[%select_n3A_1047, %mul3A_1065] : memref<50x128xi32, #tpu.memory_space<vmem>> -> memref<1x64xi32, #tpu.memory_space<vmem>>
      %dma_wait3A_1067 = tpu.memref_squeeze %dma_wait3A_1066 : memref<1x64xi32, #tpu.memory_space<vmem>> -> memref<64xi32, #tpu.memory_space<vmem>>
      %dma_wait3A_1068 = arith.constant 0 : i32
      %dma_wait3A_1069 = arith.constant 0 : i32
      %dma_wait3A_1070 = tpu.memref_slice %arg3[%dma_wait3A_1068, %dma_wait3A_1069] : memref<100000x128xf32, #tpu.memory_space<hbm>> -> memref<100000x128xf32, #tpu.memory_space<hbm>>
      tpu.wait_indirect_dma semaphore(%arg23 : memref<!tpu.dma_semaphore, #tpu.memory_space<semaphore_mem>>) src(%dma_wait3A_1070 : memref<100000x128xf32, #tpu.memory_space<hbm>>) dst(%arg13 : memref<64x128xf32, #tpu.memory_space<vmem>>)
      %jit3A_1071 = arith.constant 2 : i32
      %div3A_1072 = arith.divsi %add3A_1023, %jit3A_1071 : i32
      %sign3A_1073 = arith.constant 0 : i32
      %sign3A_1074 = arith.cmpi sgt, %add3A_1023, %sign3A_1073 : i32
      %sign3A_1075 = arith.extui %sign3A_1074 : i1 to i32
      %sign3A_1076 = arith.constant 0 : i32
      %sign3A_1077 = arith.cmpi slt, %add3A_1023, %sign3A_1076 : i32
      %sign3A_1078 = arith.extui %sign3A_1077 : i1 to i32
      %sign3A_1079 = arith.subi %sign3A_1075, %sign3A_1078 : i32
      %sign3A_1080 = arith.constant 0 : i32
      %sign3A_1081 = arith.cmpi sgt, %jit3A_1071, %sign3A_1080 : i32
      %sign3A_1082 = arith.extui %sign3A_1081 : i1 to i32
      %sign3A_1083 = arith.constant 0 : i32
      %sign3A_1084 = arith.cmpi slt, %jit3A_1071, %sign3A_1083 : i32
      %sign3A_1085 = arith.extui %sign3A_1084 : i1 to i32
      %sign3A_1086 = arith.subi %sign3A_1082, %sign3A_1085 : i32
      %ne3A_1087 = arith.cmpi ne, %sign3A_1079, %sign3A_1086 : i32
      %rem3A_1088 = arith.remsi %add3A_1023, %jit3A_1071 : i32
      %ne3A_1089 = arith.constant 0 : i32
      %ne3A_1090 = arith.cmpi ne, %rem3A_1088, %ne3A_1089 : i32
      %and3A_1091 = arith.andi %ne3A_1087, %ne3A_1090 : i1
      %sub3A_1092 = arith.constant 1 : i32
      %sub3A_1093 = arith.subi %div3A_1072, %sub3A_1092 : i32
      %select_n3A_1094 = arith.select %and3A_1091, %sub3A_1093, %div3A_1072 : i32
      %jit3A_1095 = arith.constant 2 : i32
      %eq3A_1096 = arith.constant 0 : i32
      %eq3A_1097 = arith.cmpi eq, %jit3A_1095, %eq3A_1096 : i32
      %jit3A_1098 = arith.constant 1 : i32
      %select_n3A_1099 = arith.select %eq3A_1097, %jit3A_1098, %jit3A_1095 : i32
      %rem3A_1100 = arith.remsi %add3A_1023, %select_n3A_1099 : i32
      %ne3A_1101 = arith.constant 0 : i32
      %ne3A_1102 = arith.cmpi ne, %rem3A_1100, %ne3A_1101 : i32
      %lt3A_1103 = arith.constant 0 : i32
      %lt3A_1104 = arith.cmpi slt, %rem3A_1100, %lt3A_1103 : i32
      %lt3A_1105 = arith.constant 0 : i32
      %lt3A_1106 = arith.cmpi slt, %select_n3A_1099, %lt3A_1105 : i32
      %ne3A_1107 = arith.xori %lt3A_1104, %lt3A_1106 : i1
      %and3A_1108 = arith.andi %ne3A_1107, %ne3A_1102 : i1
      %add3A_1109 = arith.addi %rem3A_1100, %select_n3A_1099 : i32
      %select_n3A_1110 = arith.select %and3A_1108, %add3A_1109, %rem3A_1100 : i32
      %mul3A_1111 = arith.constant 64 : i32
      %mul3A_1112 = arith.muli %select_n3A_1110, %mul3A_1111 : i32
      %add3A_1113 = arith.addi %mul3A_2, %mul3A_1112 : i32
      %dma_start3A_1114 = arith.constant 0 : i32
      %dma_start3A_1115 = tpu.memref_slice %arg4[%select_n3A_1094, %add3A_1113, %dma_start3A_1114] : memref<50x4096x128xf32, #tpu.memory_space<hbm>> -> memref<1x64x128xf32, #tpu.memory_space<hbm>>
      %dma_start3A_1116 = tpu.memref_squeeze %dma_start3A_1115 : memref<1x64x128xf32, #tpu.memory_space<hbm>> -> memref<64x128xf32, #tpu.memory_space<hbm>>
      %dma_start3A_1117 = arith.constant 0 : i32
      %dma_start3A_1118 = tpu.memref_slice %arg4[%select_n3A_1094, %add3A_1113, %dma_start3A_1117] : memref<50x4096x128xf32, #tpu.memory_space<hbm>> -> memref<1x64x128xf32, #tpu.memory_space<hbm>>
      %dma_start3A_1119 = tpu.memref_squeeze %dma_start3A_1118 : memref<1x64x128xf32, #tpu.memory_space<hbm>> -> memref<64x128xf32, #tpu.memory_space<hbm>>
      tpu.enqueue_dma source(%arg13 : memref<64x128xf32, #tpu.memory_space<vmem>>) target(%dma_start3A_1119 : memref<64x128xf32, #tpu.memory_space<hbm>>) target_semaphore(%arg33 : memref<!tpu.dma_semaphore, #tpu.memory_space<semaphore_mem>>)
      %mul3A_1120 = arith.constant 10 : i32
      %mul3A_1121 = arith.muli %add3A_329, %mul3A_1120 : i32
      %add3A_1122 = arith.constant 8 : i32
      %add3A_1123 = arith.addi %mul3A_1121, %add3A_1122 : i32
      %jit3A_1124 = arith.constant 2 : i32
      %div3A_1125 = arith.divsi %add3A_1123, %jit3A_1124 : i32
      %sign3A_1126 = arith.constant 0 : i32
      %sign3A_1127 = arith.cmpi sgt, %add3A_1123, %sign3A_1126 : i32
      %sign3A_1128 = arith.extui %sign3A_1127 : i1 to i32
      %sign3A_1129 = arith.constant 0 : i32
      %sign3A_1130 = arith.cmpi slt, %add3A_1123, %sign3A_1129 : i32
      %sign3A_1131 = arith.extui %sign3A_1130 : i1 to i32
      %sign3A_1132 = arith.subi %sign3A_1128, %sign3A_1131 : i32
      %sign3A_1133 = arith.constant 0 : i32
      %sign3A_1134 = arith.cmpi sgt, %jit3A_1124, %sign3A_1133 : i32
      %sign3A_1135 = arith.extui %sign3A_1134 : i1 to i32
      %sign3A_1136 = arith.constant 0 : i32
      %sign3A_1137 = arith.cmpi slt, %jit3A_1124, %sign3A_1136 : i32
      %sign3A_1138 = arith.extui %sign3A_1137 : i1 to i32
      %sign3A_1139 = arith.subi %sign3A_1135, %sign3A_1138 : i32
      %ne3A_1140 = arith.cmpi ne, %sign3A_1132, %sign3A_1139 : i32
      %rem3A_1141 = arith.remsi %add3A_1123, %jit3A_1124 : i32
      %ne3A_1142 = arith.constant 0 : i32
      %ne3A_1143 = arith.cmpi ne, %rem3A_1141, %ne3A_1142 : i32
      %and3A_1144 = arith.andi %ne3A_1140, %ne3A_1143 : i1
      %sub3A_1145 = arith.constant 1 : i32
      %sub3A_1146 = arith.subi %div3A_1125, %sub3A_1145 : i32
      %select_n3A_1147 = arith.select %and3A_1144, %sub3A_1146, %div3A_1125 : i32
      %jit3A_1148 = arith.constant 2 : i32
      %eq3A_1149 = arith.constant 0 : i32
      %eq3A_1150 = arith.cmpi eq, %jit3A_1148, %eq3A_1149 : i32
      %jit3A_1151 = arith.constant 1 : i32
      %select_n3A_1152 = arith.select %eq3A_1150, %jit3A_1151, %jit3A_1148 : i32
      %rem3A_1153 = arith.remsi %add3A_1123, %select_n3A_1152 : i32
      %ne3A_1154 = arith.constant 0 : i32
      %ne3A_1155 = arith.cmpi ne, %rem3A_1153, %ne3A_1154 : i32
      %lt3A_1156 = arith.constant 0 : i32
      %lt3A_1157 = arith.cmpi slt, %rem3A_1153, %lt3A_1156 : i32
      %lt3A_1158 = arith.constant 0 : i32
      %lt3A_1159 = arith.cmpi slt, %select_n3A_1152, %lt3A_1158 : i32
      %ne3A_1160 = arith.xori %lt3A_1157, %lt3A_1159 : i1
      %and3A_1161 = arith.andi %ne3A_1160, %ne3A_1155 : i1
      %add3A_1162 = arith.addi %rem3A_1153, %select_n3A_1152 : i32
      %select_n3A_1163 = arith.select %and3A_1161, %add3A_1162, %rem3A_1153 : i32
      %mul3A_1164 = arith.constant 64 : i32
      %mul3A_1165 = arith.muli %select_n3A_1163, %mul3A_1164 : i32
      %dma_wait3A_1166 = tpu.memref_slice %arg5[%select_n3A_1147, %mul3A_1165] : memref<50x128xi32, #tpu.memory_space<vmem>> -> memref<1x64xi32, #tpu.memory_space<vmem>>
      %dma_wait3A_1167 = tpu.memref_squeeze %dma_wait3A_1166 : memref<1x64xi32, #tpu.memory_space<vmem>> -> memref<64xi32, #tpu.memory_space<vmem>>
      %dma_wait3A_1168 = arith.constant 0 : i32
      %dma_wait3A_1169 = arith.constant 0 : i32
      %dma_wait3A_1170 = tpu.memref_slice %arg3[%dma_wait3A_1168, %dma_wait3A_1169] : memref<100000x128xf32, #tpu.memory_space<hbm>> -> memref<100000x128xf32, #tpu.memory_space<hbm>>
      tpu.wait_indirect_dma semaphore(%arg24 : memref<!tpu.dma_semaphore, #tpu.memory_space<semaphore_mem>>) src(%dma_wait3A_1170 : memref<100000x128xf32, #tpu.memory_space<hbm>>) dst(%arg14 : memref<64x128xf32, #tpu.memory_space<vmem>>)
      %jit3A_1171 = arith.constant 2 : i32
      %div3A_1172 = arith.divsi %add3A_1123, %jit3A_1171 : i32
      %sign3A_1173 = arith.constant 0 : i32
      %sign3A_1174 = arith.cmpi sgt, %add3A_1123, %sign3A_1173 : i32
      %sign3A_1175 = arith.extui %sign3A_1174 : i1 to i32
      %sign3A_1176 = arith.constant 0 : i32
      %sign3A_1177 = arith.cmpi slt, %add3A_1123, %sign3A_1176 : i32
      %sign3A_1178 = arith.extui %sign3A_1177 : i1 to i32
      %sign3A_1179 = arith.subi %sign3A_1175, %sign3A_1178 : i32
      %sign3A_1180 = arith.constant 0 : i32
      %sign3A_1181 = arith.cmpi sgt, %jit3A_1171, %sign3A_1180 : i32
      %sign3A_1182 = arith.extui %sign3A_1181 : i1 to i32
      %sign3A_1183 = arith.constant 0 : i32
      %sign3A_1184 = arith.cmpi slt, %jit3A_1171, %sign3A_1183 : i32
      %sign3A_1185 = arith.extui %sign3A_1184 : i1 to i32
      %sign3A_1186 = arith.subi %sign3A_1182, %sign3A_1185 : i32
      %ne3A_1187 = arith.cmpi ne, %sign3A_1179, %sign3A_1186 : i32
      %rem3A_1188 = arith.remsi %add3A_1123, %jit3A_1171 : i32
      %ne3A_1189 = arith.constant 0 : i32
      %ne3A_1190 = arith.cmpi ne, %rem3A_1188, %ne3A_1189 : i32
      %and3A_1191 = arith.andi %ne3A_1187, %ne3A_1190 : i1
      %sub3A_1192 = arith.constant 1 : i32
      %sub3A_1193 = arith.subi %div3A_1172, %sub3A_1192 : i32
      %select_n3A_1194 = arith.select %and3A_1191, %sub3A_1193, %div3A_1172 : i32
      %jit3A_1195 = arith.constant 2 : i32
      %eq3A_1196 = arith.constant 0 : i32
      %eq3A_1197 = arith.cmpi eq, %jit3A_1195, %eq3A_1196 : i32
      %jit3A_1198 = arith.constant 1 : i32
      %select_n3A_1199 = arith.select %eq3A_1197, %jit3A_1198, %jit3A_1195 : i32
      %rem3A_1200 = arith.remsi %add3A_1123, %select_n3A_1199 : i32
      %ne3A_1201 = arith.constant 0 : i32
      %ne3A_1202 = arith.cmpi ne, %rem3A_1200, %ne3A_1201 : i32
      %lt3A_1203 = arith.constant 0 : i32
      %lt3A_1204 = arith.cmpi slt, %rem3A_1200, %lt3A_1203 : i32
      %lt3A_1205 = arith.constant 0 : i32
      %lt3A_1206 = arith.cmpi slt, %select_n3A_1199, %lt3A_1205 : i32
      %ne3A_1207 = arith.xori %lt3A_1204, %lt3A_1206 : i1
      %and3A_1208 = arith.andi %ne3A_1207, %ne3A_1202 : i1
      %add3A_1209 = arith.addi %rem3A_1200, %select_n3A_1199 : i32
      %select_n3A_1210 = arith.select %and3A_1208, %add3A_1209, %rem3A_1200 : i32
      %mul3A_1211 = arith.constant 64 : i32
      %mul3A_1212 = arith.muli %select_n3A_1210, %mul3A_1211 : i32
      %add3A_1213 = arith.addi %mul3A_2, %mul3A_1212 : i32
      %dma_start3A_1214 = arith.constant 0 : i32
      %dma_start3A_1215 = tpu.memref_slice %arg4[%select_n3A_1194, %add3A_1213, %dma_start3A_1214] : memref<50x4096x128xf32, #tpu.memory_space<hbm>> -> memref<1x64x128xf32, #tpu.memory_space<hbm>>
      %dma_start3A_1216 = tpu.memref_squeeze %dma_start3A_1215 : memref<1x64x128xf32, #tpu.memory_space<hbm>> -> memref<64x128xf32, #tpu.memory_space<hbm>>
      %dma_start3A_1217 = arith.constant 0 : i32
      %dma_start3A_1218 = tpu.memref_slice %arg4[%select_n3A_1194, %add3A_1213, %dma_start3A_1217] : memref<50x4096x128xf32, #tpu.memory_space<hbm>> -> memref<1x64x128xf32, #tpu.memory_space<hbm>>
      %dma_start3A_1219 = tpu.memref_squeeze %dma_start3A_1218 : memref<1x64x128xf32, #tpu.memory_space<hbm>> -> memref<64x128xf32, #tpu.memory_space<hbm>>
      tpu.enqueue_dma source(%arg14 : memref<64x128xf32, #tpu.memory_space<vmem>>) target(%dma_start3A_1219 : memref<64x128xf32, #tpu.memory_space<hbm>>) target_semaphore(%arg34 : memref<!tpu.dma_semaphore, #tpu.memory_space<semaphore_mem>>)
      %mul3A_1220 = arith.constant 10 : i32
      %mul3A_1221 = arith.muli %add3A_329, %mul3A_1220 : i32
      %add3A_1222 = arith.constant 9 : i32
      %add3A_1223 = arith.addi %mul3A_1221, %add3A_1222 : i32
      %jit3A_1224 = arith.constant 2 : i32
      %div3A_1225 = arith.divsi %add3A_1223, %jit3A_1224 : i32
      %sign3A_1226 = arith.constant 0 : i32
      %sign3A_1227 = arith.cmpi sgt, %add3A_1223, %sign3A_1226 : i32
      %sign3A_1228 = arith.extui %sign3A_1227 : i1 to i32
      %sign3A_1229 = arith.constant 0 : i32
      %sign3A_1230 = arith.cmpi slt, %add3A_1223, %sign3A_1229 : i32
      %sign3A_1231 = arith.extui %sign3A_1230 : i1 to i32
      %sign3A_1232 = arith.subi %sign3A_1228, %sign3A_1231 : i32
      %sign3A_1233 = arith.constant 0 : i32
      %sign3A_1234 = arith.cmpi sgt, %jit3A_1224, %sign3A_1233 : i32
      %sign3A_1235 = arith.extui %sign3A_1234 : i1 to i32
      %sign3A_1236 = arith.constant 0 : i32
      %sign3A_1237 = arith.cmpi slt, %jit3A_1224, %sign3A_1236 : i32
      %sign3A_1238 = arith.extui %sign3A_1237 : i1 to i32
      %sign3A_1239 = arith.subi %sign3A_1235, %sign3A_1238 : i32
      %ne3A_1240 = arith.cmpi ne, %sign3A_1232, %sign3A_1239 : i32
      %rem3A_1241 = arith.remsi %add3A_1223, %jit3A_1224 : i32
      %ne3A_1242 = arith.constant 0 : i32
      %ne3A_1243 = arith.cmpi ne, %rem3A_1241, %ne3A_1242 : i32
      %and3A_1244 = arith.andi %ne3A_1240, %ne3A_1243 : i1
      %sub3A_1245 = arith.constant 1 : i32
      %sub3A_1246 = arith.subi %div3A_1225, %sub3A_1245 : i32
      %select_n3A_1247 = arith.select %and3A_1244, %sub3A_1246, %div3A_1225 : i32
      %jit3A_1248 = arith.constant 2 : i32
      %eq3A_1249 = arith.constant 0 : i32
      %eq3A_1250 = arith.cmpi eq, %jit3A_1248, %eq3A_1249 : i32
      %jit3A_1251 = arith.constant 1 : i32
      %select_n3A_1252 = arith.select %eq3A_1250, %jit3A_1251, %jit3A_1248 : i32
      %rem3A_1253 = arith.remsi %add3A_1223, %select_n3A_1252 : i32
      %ne3A_1254 = arith.constant 0 : i32
      %ne3A_1255 = arith.cmpi ne, %rem3A_1253, %ne3A_1254 : i32
      %lt3A_1256 = arith.constant 0 : i32
      %lt3A_1257 = arith.cmpi slt, %rem3A_1253, %lt3A_1256 : i32
      %lt3A_1258 = arith.constant 0 : i32
      %lt3A_1259 = arith.cmpi slt, %select_n3A_1252, %lt3A_1258 : i32
      %ne3A_1260 = arith.xori %lt3A_1257, %lt3A_1259 : i1
      %and3A_1261 = arith.andi %ne3A_1260, %ne3A_1255 : i1
      %add3A_1262 = arith.addi %rem3A_1253, %select_n3A_1252 : i32
      %select_n3A_1263 = arith.select %and3A_1261, %add3A_1262, %rem3A_1253 : i32
      %mul3A_1264 = arith.constant 64 : i32
      %mul3A_1265 = arith.muli %select_n3A_1263, %mul3A_1264 : i32
      %dma_wait3A_1266 = tpu.memref_slice %arg5[%select_n3A_1247, %mul3A_1265] : memref<50x128xi32, #tpu.memory_space<vmem>> -> memref<1x64xi32, #tpu.memory_space<vmem>>
      %dma_wait3A_1267 = tpu.memref_squeeze %dma_wait3A_1266 : memref<1x64xi32, #tpu.memory_space<vmem>> -> memref<64xi32, #tpu.memory_space<vmem>>
      %dma_wait3A_1268 = arith.constant 0 : i32
      %dma_wait3A_1269 = arith.constant 0 : i32
      %dma_wait3A_1270 = tpu.memref_slice %arg3[%dma_wait3A_1268, %dma_wait3A_1269] : memref<100000x128xf32, #tpu.memory_space<hbm>> -> memref<100000x128xf32, #tpu.memory_space<hbm>>
      tpu.wait_indirect_dma semaphore(%arg25 : memref<!tpu.dma_semaphore, #tpu.memory_space<semaphore_mem>>) src(%dma_wait3A_1270 : memref<100000x128xf32, #tpu.memory_space<hbm>>) dst(%arg15 : memref<64x128xf32, #tpu.memory_space<vmem>>)
      %jit3A_1271 = arith.constant 2 : i32
      %div3A_1272 = arith.divsi %add3A_1223, %jit3A_1271 : i32
      %sign3A_1273 = arith.constant 0 : i32
      %sign3A_1274 = arith.cmpi sgt, %add3A_1223, %sign3A_1273 : i32
      %sign3A_1275 = arith.extui %sign3A_1274 : i1 to i32
      %sign3A_1276 = arith.constant 0 : i32
      %sign3A_1277 = arith.cmpi slt, %add3A_1223, %sign3A_1276 : i32
      %sign3A_1278 = arith.extui %sign3A_1277 : i1 to i32
      %sign3A_1279 = arith.subi %sign3A_1275, %sign3A_1278 : i32
      %sign3A_1280 = arith.constant 0 : i32
      %sign3A_1281 = arith.cmpi sgt, %jit3A_1271, %sign3A_1280 : i32
      %sign3A_1282 = arith.extui %sign3A_1281 : i1 to i32
      %sign3A_1283 = arith.constant 0 : i32
      %sign3A_1284 = arith.cmpi slt, %jit3A_1271, %sign3A_1283 : i32
      %sign3A_1285 = arith.extui %sign3A_1284 : i1 to i32
      %sign3A_1286 = arith.subi %sign3A_1282, %sign3A_1285 : i32
      %ne3A_1287 = arith.cmpi ne, %sign3A_1279, %sign3A_1286 : i32
      %rem3A_1288 = arith.remsi %add3A_1223, %jit3A_1271 : i32
      %ne3A_1289 = arith.constant 0 : i32
      %ne3A_1290 = arith.cmpi ne, %rem3A_1288, %ne3A_1289 : i32
      %and3A_1291 = arith.andi %ne3A_1287, %ne3A_1290 : i1
      %sub3A_1292 = arith.constant 1 : i32
      %sub3A_1293 = arith.subi %div3A_1272, %sub3A_1292 : i32
      %select_n3A_1294 = arith.select %and3A_1291, %sub3A_1293, %div3A_1272 : i32
      %jit3A_1295 = arith.constant 2 : i32
      %eq3A_1296 = arith.constant 0 : i32
      %eq3A_1297 = arith.cmpi eq, %jit3A_1295, %eq3A_1296 : i32
      %jit3A_1298 = arith.constant 1 : i32
      %select_n3A_1299 = arith.select %eq3A_1297, %jit3A_1298, %jit3A_1295 : i32
      %rem3A_1300 = arith.remsi %add3A_1223, %select_n3A_1299 : i32
      %ne3A_1301 = arith.constant 0 : i32
      %ne3A_1302 = arith.cmpi ne, %rem3A_1300, %ne3A_1301 : i32
      %lt3A_1303 = arith.constant 0 : i32
      %lt3A_1304 = arith.cmpi slt, %rem3A_1300, %lt3A_1303 : i32
      %lt3A_1305 = arith.constant 0 : i32
      %lt3A_1306 = arith.cmpi slt, %select_n3A_1299, %lt3A_1305 : i32
      %ne3A_1307 = arith.xori %lt3A_1304, %lt3A_1306 : i1
      %and3A_1308 = arith.andi %ne3A_1307, %ne3A_1302 : i1
      %add3A_1309 = arith.addi %rem3A_1300, %select_n3A_1299 : i32
      %select_n3A_1310 = arith.select %and3A_1308, %add3A_1309, %rem3A_1300 : i32
      %mul3A_1311 = arith.constant 64 : i32
      %mul3A_1312 = arith.muli %select_n3A_1310, %mul3A_1311 : i32
      %add3A_1313 = arith.addi %mul3A_2, %mul3A_1312 : i32
      %dma_start3A_1314 = arith.constant 0 : i32
      %dma_start3A_1315 = tpu.memref_slice %arg4[%select_n3A_1294, %add3A_1313, %dma_start3A_1314] : memref<50x4096x128xf32, #tpu.memory_space<hbm>> -> memref<1x64x128xf32, #tpu.memory_space<hbm>>
      %dma_start3A_1316 = tpu.memref_squeeze %dma_start3A_1315 : memref<1x64x128xf32, #tpu.memory_space<hbm>> -> memref<64x128xf32, #tpu.memory_space<hbm>>
      %dma_start3A_1317 = arith.constant 0 : i32
      %dma_start3A_1318 = tpu.memref_slice %arg4[%select_n3A_1294, %add3A_1313, %dma_start3A_1317] : memref<50x4096x128xf32, #tpu.memory_space<hbm>> -> memref<1x64x128xf32, #tpu.memory_space<hbm>>
      %dma_start3A_1319 = tpu.memref_squeeze %dma_start3A_1318 : memref<1x64x128xf32, #tpu.memory_space<hbm>> -> memref<64x128xf32, #tpu.memory_space<hbm>>
      tpu.enqueue_dma source(%arg15 : memref<64x128xf32, #tpu.memory_space<vmem>>) target(%dma_start3A_1319 : memref<64x128xf32, #tpu.memory_space<hbm>>) target_semaphore(%arg35 : memref<!tpu.dma_semaphore, #tpu.memory_space<semaphore_mem>>)
      %mul3A_1320 = arith.constant 10 : i32
      %mul3A_1321 = arith.muli %add3A_329, %mul3A_1320 : i32
      %add3A_1322 = arith.constant 0 : i32
      %add3A_1323 = arith.addi %mul3A_1321, %add3A_1322 : i32
      %jit3A_1324 = arith.constant 2 : i32
      %div3A_1325 = arith.divsi %add3A_1323, %jit3A_1324 : i32
      %sign3A_1326 = arith.constant 0 : i32
      %sign3A_1327 = arith.cmpi sgt, %add3A_1323, %sign3A_1326 : i32
      %sign3A_1328 = arith.extui %sign3A_1327 : i1 to i32
      %sign3A_1329 = arith.constant 0 : i32
      %sign3A_1330 = arith.cmpi slt, %add3A_1323, %sign3A_1329 : i32
      %sign3A_1331 = arith.extui %sign3A_1330 : i1 to i32
      %sign3A_1332 = arith.subi %sign3A_1328, %sign3A_1331 : i32
      %sign3A_1333 = arith.constant 0 : i32
      %sign3A_1334 = arith.cmpi sgt, %jit3A_1324, %sign3A_1333 : i32
      %sign3A_1335 = arith.extui %sign3A_1334 : i1 to i32
      %sign3A_1336 = arith.constant 0 : i32
      %sign3A_1337 = arith.cmpi slt, %jit3A_1324, %sign3A_1336 : i32
      %sign3A_1338 = arith.extui %sign3A_1337 : i1 to i32
      %sign3A_1339 = arith.subi %sign3A_1335, %sign3A_1338 : i32
      %ne3A_1340 = arith.cmpi ne, %sign3A_1332, %sign3A_1339 : i32
      %rem3A_1341 = arith.remsi %add3A_1323, %jit3A_1324 : i32
      %ne3A_1342 = arith.constant 0 : i32
      %ne3A_1343 = arith.cmpi ne, %rem3A_1341, %ne3A_1342 : i32
      %and3A_1344 = arith.andi %ne3A_1340, %ne3A_1343 : i1
      %sub3A_1345 = arith.constant 1 : i32
      %sub3A_1346 = arith.subi %div3A_1325, %sub3A_1345 : i32
      %select_n3A_1347 = arith.select %and3A_1344, %sub3A_1346, %div3A_1325 : i32
      %jit3A_1348 = arith.constant 2 : i32
      %eq3A_1349 = arith.constant 0 : i32
      %eq3A_1350 = arith.cmpi eq, %jit3A_1348, %eq3A_1349 : i32
      %jit3A_1351 = arith.constant 1 : i32
      %select_n3A_1352 = arith.select %eq3A_1350, %jit3A_1351, %jit3A_1348 : i32
      %rem3A_1353 = arith.remsi %add3A_1323, %select_n3A_1352 : i32
      %ne3A_1354 = arith.constant 0 : i32
      %ne3A_1355 = arith.cmpi ne, %rem3A_1353, %ne3A_1354 : i32
      %lt3A_1356 = arith.constant 0 : i32
      %lt3A_1357 = arith.cmpi slt, %rem3A_1353, %lt3A_1356 : i32
      %lt3A_1358 = arith.constant 0 : i32
      %lt3A_1359 = arith.cmpi slt, %select_n3A_1352, %lt3A_1358 : i32
      %ne3A_1360 = arith.xori %lt3A_1357, %lt3A_1359 : i1
      %and3A_1361 = arith.andi %ne3A_1360, %ne3A_1355 : i1
      %add3A_1362 = arith.addi %rem3A_1353, %select_n3A_1352 : i32
      %select_n3A_1363 = arith.select %and3A_1361, %add3A_1362, %rem3A_1353 : i32
      %mul3A_1364 = arith.constant 64 : i32
      %mul3A_1365 = arith.muli %select_n3A_1363, %mul3A_1364 : i32
      %add3A_1366 = arith.addi %mul3A_2, %mul3A_1365 : i32
      %dma_wait3A_1367 = arith.constant 0 : i32
      %dma_wait3A_1368 = tpu.memref_slice %arg4[%select_n3A_1347, %add3A_1366, %dma_wait3A_1367] : memref<50x4096x128xf32, #tpu.memory_space<hbm>> -> memref<1x64x128xf32, #tpu.memory_space<hbm>>
      %dma_wait3A_1369 = tpu.memref_squeeze %dma_wait3A_1368 : memref<1x64x128xf32, #tpu.memory_space<hbm>> -> memref<64x128xf32, #tpu.memory_space<hbm>>
      %dma_wait3A_1370 = arith.constant 0 : i32
      %dma_wait3A_1371 = tpu.memref_slice %arg4[%select_n3A_1347, %add3A_1366, %dma_wait3A_1370] : memref<50x4096x128xf32, #tpu.memory_space<hbm>> -> memref<1x64x128xf32, #tpu.memory_space<hbm>>
      %dma_wait3A_1372 = tpu.memref_squeeze %dma_wait3A_1371 : memref<1x64x128xf32, #tpu.memory_space<hbm>> -> memref<64x128xf32, #tpu.memory_space<hbm>>
      tpu.wait_dma2 semaphore(%arg26 : memref<!tpu.dma_semaphore, #tpu.memory_space<semaphore_mem>>) src(%arg6 : memref<64x128xf32, #tpu.memory_space<vmem>>) dst(%dma_wait3A_1372 : memref<64x128xf32, #tpu.memory_space<hbm>>)
      %add3A_1373 = arith.constant 10 : i32
      %add3A_1374 = arith.addi %add3A_1323, %add3A_1373 : i32
      %jit3A_1375 = arith.constant 2 : i32
      %div3A_1376 = arith.divsi %add3A_1374, %jit3A_1375 : i32
      %sign3A_1377 = arith.constant 0 : i32
      %sign3A_1378 = arith.cmpi sgt, %add3A_1374, %sign3A_1377 : i32
      %sign3A_1379 = arith.extui %sign3A_1378 : i1 to i32
      %sign3A_1380 = arith.constant 0 : i32
      %sign3A_1381 = arith.cmpi slt, %add3A_1374, %sign3A_1380 : i32
      %sign3A_1382 = arith.extui %sign3A_1381 : i1 to i32
      %sign3A_1383 = arith.subi %sign3A_1379, %sign3A_1382 : i32
      %sign3A_1384 = arith.constant 0 : i32
      %sign3A_1385 = arith.cmpi sgt, %jit3A_1375, %sign3A_1384 : i32
      %sign3A_1386 = arith.extui %sign3A_1385 : i1 to i32
      %sign3A_1387 = arith.constant 0 : i32
      %sign3A_1388 = arith.cmpi slt, %jit3A_1375, %sign3A_1387 : i32
      %sign3A_1389 = arith.extui %sign3A_1388 : i1 to i32
      %sign3A_1390 = arith.subi %sign3A_1386, %sign3A_1389 : i32
      %ne3A_1391 = arith.cmpi ne, %sign3A_1383, %sign3A_1390 : i32
      %rem3A_1392 = arith.remsi %add3A_1374, %jit3A_1375 : i32
      %ne3A_1393 = arith.constant 0 : i32
      %ne3A_1394 = arith.cmpi ne, %rem3A_1392, %ne3A_1393 : i32
      %and3A_1395 = arith.andi %ne3A_1391, %ne3A_1394 : i1
      %sub3A_1396 = arith.constant 1 : i32
      %sub3A_1397 = arith.subi %div3A_1376, %sub3A_1396 : i32
      %select_n3A_1398 = arith.select %and3A_1395, %sub3A_1397, %div3A_1376 : i32
      %jit3A_1399 = arith.constant 2 : i32
      %eq3A_1400 = arith.constant 0 : i32
      %eq3A_1401 = arith.cmpi eq, %jit3A_1399, %eq3A_1400 : i32
      %jit3A_1402 = arith.constant 1 : i32
      %select_n3A_1403 = arith.select %eq3A_1401, %jit3A_1402, %jit3A_1399 : i32
      %rem3A_1404 = arith.remsi %add3A_1374, %select_n3A_1403 : i32
      %ne3A_1405 = arith.constant 0 : i32
      %ne3A_1406 = arith.cmpi ne, %rem3A_1404, %ne3A_1405 : i32
      %lt3A_1407 = arith.constant 0 : i32
      %lt3A_1408 = arith.cmpi slt, %rem3A_1404, %lt3A_1407 : i32
      %lt3A_1409 = arith.constant 0 : i32
      %lt3A_1410 = arith.cmpi slt, %select_n3A_1403, %lt3A_1409 : i32
      %ne3A_1411 = arith.xori %lt3A_1408, %lt3A_1410 : i1
      %and3A_1412 = arith.andi %ne3A_1411, %ne3A_1406 : i1
      %add3A_1413 = arith.addi %rem3A_1404, %select_n3A_1403 : i32
      %select_n3A_1414 = arith.select %and3A_1412, %add3A_1413, %rem3A_1404 : i32
      %mul3A_1415 = arith.constant 64 : i32
      %mul3A_1416 = arith.muli %select_n3A_1414, %mul3A_1415 : i32
      %dma_start3A_1417 = tpu.memref_slice %arg5[%select_n3A_1398, %mul3A_1416] : memref<50x128xi32, #tpu.memory_space<vmem>> -> memref<1x64xi32, #tpu.memory_space<vmem>>
      %dma_start3A_1418 = tpu.memref_squeeze %dma_start3A_1417 : memref<1x64xi32, #tpu.memory_space<vmem>> -> memref<64xi32, #tpu.memory_space<vmem>>
      %dma_start3A_1419 = arith.constant 0 : i32
      %dma_start3A_1420 = arith.constant 0 : i32
      %dma_start3A_1421 = tpu.memref_slice %arg3[%dma_start3A_1419, %dma_start3A_1420] : memref<100000x128xf32, #tpu.memory_space<hbm>> -> memref<100000x128xf32, #tpu.memory_space<hbm>>
      tpu.enqueue_indirect_dma source(%dma_start3A_1421 : memref<100000x128xf32, #tpu.memory_space<hbm>>) target(%arg6 : memref<64x128xf32, #tpu.memory_space<vmem>>) offsets(%dma_start3A_1418 : memref<64xi32, #tpu.memory_space<vmem>>) semaphore(%arg16 : memref<!tpu.dma_semaphore, #tpu.memory_space<semaphore_mem>>)
      %mul3A_1422 = arith.constant 10 : i32
      %mul3A_1423 = arith.muli %add3A_329, %mul3A_1422 : i32
      %add3A_1424 = arith.constant 1 : i32
      %add3A_1425 = arith.addi %mul3A_1423, %add3A_1424 : i32
      %jit3A_1426 = arith.constant 2 : i32
      %div3A_1427 = arith.divsi %add3A_1425, %jit3A_1426 : i32
      %sign3A_1428 = arith.constant 0 : i32
      %sign3A_1429 = arith.cmpi sgt, %add3A_1425, %sign3A_1428 : i32
      %sign3A_1430 = arith.extui %sign3A_1429 : i1 to i32
      %sign3A_1431 = arith.constant 0 : i32
      %sign3A_1432 = arith.cmpi slt, %add3A_1425, %sign3A_1431 : i32
      %sign3A_1433 = arith.extui %sign3A_1432 : i1 to i32
      %sign3A_1434 = arith.subi %sign3A_1430, %sign3A_1433 : i32
      %sign3A_1435 = arith.constant 0 : i32
      %sign3A_1436 = arith.cmpi sgt, %jit3A_1426, %sign3A_1435 : i32
      %sign3A_1437 = arith.extui %sign3A_1436 : i1 to i32
      %sign3A_1438 = arith.constant 0 : i32
      %sign3A_1439 = arith.cmpi slt, %jit3A_1426, %sign3A_1438 : i32
      %sign3A_1440 = arith.extui %sign3A_1439 : i1 to i32
      %sign3A_1441 = arith.subi %sign3A_1437, %sign3A_1440 : i32
      %ne3A_1442 = arith.cmpi ne, %sign3A_1434, %sign3A_1441 : i32
      %rem3A_1443 = arith.remsi %add3A_1425, %jit3A_1426 : i32
      %ne3A_1444 = arith.constant 0 : i32
      %ne3A_1445 = arith.cmpi ne, %rem3A_1443, %ne3A_1444 : i32
      %and3A_1446 = arith.andi %ne3A_1442, %ne3A_1445 : i1
      %sub3A_1447 = arith.constant 1 : i32
      %sub3A_1448 = arith.subi %div3A_1427, %sub3A_1447 : i32
      %select_n3A_1449 = arith.select %and3A_1446, %sub3A_1448, %div3A_1427 : i32
      %jit3A_1450 = arith.constant 2 : i32
      %eq3A_1451 = arith.constant 0 : i32
      %eq3A_1452 = arith.cmpi eq, %jit3A_1450, %eq3A_1451 : i32
      %jit3A_1453 = arith.constant 1 : i32
      %select_n3A_1454 = arith.select %eq3A_1452, %jit3A_1453, %jit3A_1450 : i32
      %rem3A_1455 = arith.remsi %add3A_1425, %select_n3A_1454 : i32
      %ne3A_1456 = arith.constant 0 : i32
      %ne3A_1457 = arith.cmpi ne, %rem3A_1455, %ne3A_1456 : i32
      %lt3A_1458 = arith.constant 0 : i32
      %lt3A_1459 = arith.cmpi slt, %rem3A_1455, %lt3A_1458 : i32
      %lt3A_1460 = arith.constant 0 : i32
      %lt3A_1461 = arith.cmpi slt, %select_n3A_1454, %lt3A_1460 : i32
      %ne3A_1462 = arith.xori %lt3A_1459, %lt3A_1461 : i1
      %and3A_1463 = arith.andi %ne3A_1462, %ne3A_1457 : i1
      %add3A_1464 = arith.addi %rem3A_1455, %select_n3A_1454 : i32
      %select_n3A_1465 = arith.select %and3A_1463, %add3A_1464, %rem3A_1455 : i32
      %mul3A_1466 = arith.constant 64 : i32
      %mul3A_1467 = arith.muli %select_n3A_1465, %mul3A_1466 : i32
      %add3A_1468 = arith.addi %mul3A_2, %mul3A_1467 : i32
      %dma_wait3A_1469 = arith.constant 0 : i32
      %dma_wait3A_1470 = tpu.memref_slice %arg4[%select_n3A_1449, %add3A_1468, %dma_wait3A_1469] : memref<50x4096x128xf32, #tpu.memory_space<hbm>> -> memref<1x64x128xf32, #tpu.memory_space<hbm>>
      %dma_wait3A_1471 = tpu.memref_squeeze %dma_wait3A_1470 : memref<1x64x128xf32, #tpu.memory_space<hbm>> -> memref<64x128xf32, #tpu.memory_space<hbm>>
      %dma_wait3A_1472 = arith.constant 0 : i32
      %dma_wait3A_1473 = tpu.memref_slice %arg4[%select_n3A_1449, %add3A_1468, %dma_wait3A_1472] : memref<50x4096x128xf32, #tpu.memory_space<hbm>> -> memref<1x64x128xf32, #tpu.memory_space<hbm>>
      %dma_wait3A_1474 = tpu.memref_squeeze %dma_wait3A_1473 : memref<1x64x128xf32, #tpu.memory_space<hbm>> -> memref<64x128xf32, #tpu.memory_space<hbm>>
      tpu.wait_dma2 semaphore(%arg27 : memref<!tpu.dma_semaphore, #tpu.memory_space<semaphore_mem>>) src(%arg7 : memref<64x128xf32, #tpu.memory_space<vmem>>) dst(%dma_wait3A_1474 : memref<64x128xf32, #tpu.memory_space<hbm>>)
      %add3A_1475 = arith.constant 10 : i32
      %add3A_1476 = arith.addi %add3A_1425, %add3A_1475 : i32
      %jit3A_1477 = arith.constant 2 : i32
      %div3A_1478 = arith.divsi %add3A_1476, %jit3A_1477 : i32
      %sign3A_1479 = arith.constant 0 : i32
      %sign3A_1480 = arith.cmpi sgt, %add3A_1476, %sign3A_1479 : i32
      %sign3A_1481 = arith.extui %sign3A_1480 : i1 to i32
      %sign3A_1482 = arith.constant 0 : i32
      %sign3A_1483 = arith.cmpi slt, %add3A_1476, %sign3A_1482 : i32
      %sign3A_1484 = arith.extui %sign3A_1483 : i1 to i32
      %sign3A_1485 = arith.subi %sign3A_1481, %sign3A_1484 : i32
      %sign3A_1486 = arith.constant 0 : i32
      %sign3A_1487 = arith.cmpi sgt, %jit3A_1477, %sign3A_1486 : i32
      %sign3A_1488 = arith.extui %sign3A_1487 : i1 to i32
      %sign3A_1489 = arith.constant 0 : i32
      %sign3A_1490 = arith.cmpi slt, %jit3A_1477, %sign3A_1489 : i32
      %sign3A_1491 = arith.extui %sign3A_1490 : i1 to i32
      %sign3A_1492 = arith.subi %sign3A_1488, %sign3A_1491 : i32
      %ne3A_1493 = arith.cmpi ne, %sign3A_1485, %sign3A_1492 : i32
      %rem3A_1494 = arith.remsi %add3A_1476, %jit3A_1477 : i32
      %ne3A_1495 = arith.constant 0 : i32
      %ne3A_1496 = arith.cmpi ne, %rem3A_1494, %ne3A_1495 : i32
      %and3A_1497 = arith.andi %ne3A_1493, %ne3A_1496 : i1
      %sub3A_1498 = arith.constant 1 : i32
      %sub3A_1499 = arith.subi %div3A_1478, %sub3A_1498 : i32
      %select_n3A_1500 = arith.select %and3A_1497, %sub3A_1499, %div3A_1478 : i32
      %jit3A_1501 = arith.constant 2 : i32
      %eq3A_1502 = arith.constant 0 : i32
      %eq3A_1503 = arith.cmpi eq, %jit3A_1501, %eq3A_1502 : i32
      %jit3A_1504 = arith.constant 1 : i32
      %select_n3A_1505 = arith.select %eq3A_1503, %jit3A_1504, %jit3A_1501 : i32
      %rem3A_1506 = arith.remsi %add3A_1476, %select_n3A_1505 : i32
      %ne3A_1507 = arith.constant 0 : i32
      %ne3A_1508 = arith.cmpi ne, %rem3A_1506, %ne3A_1507 : i32
      %lt3A_1509 = arith.constant 0 : i32
      %lt3A_1510 = arith.cmpi slt, %rem3A_1506, %lt3A_1509 : i32
      %lt3A_1511 = arith.constant 0 : i32
      %lt3A_1512 = arith.cmpi slt, %select_n3A_1505, %lt3A_1511 : i32
      %ne3A_1513 = arith.xori %lt3A_1510, %lt3A_1512 : i1
      %and3A_1514 = arith.andi %ne3A_1513, %ne3A_1508 : i1
      %add3A_1515 = arith.addi %rem3A_1506, %select_n3A_1505 : i32
      %select_n3A_1516 = arith.select %and3A_1514, %add3A_1515, %rem3A_1506 : i32
      %mul3A_1517 = arith.constant 64 : i32
      %mul3A_1518 = arith.muli %select_n3A_1516, %mul3A_1517 : i32
      %dma_start3A_1519 = tpu.memref_slice %arg5[%select_n3A_1500, %mul3A_1518] : memref<50x128xi32, #tpu.memory_space<vmem>> -> memref<1x64xi32, #tpu.memory_space<vmem>>
      %dma_start3A_1520 = tpu.memref_squeeze %dma_start3A_1519 : memref<1x64xi32, #tpu.memory_space<vmem>> -> memref<64xi32, #tpu.memory_space<vmem>>
      %dma_start3A_1521 = arith.constant 0 : i32
      %dma_start3A_1522 = arith.constant 0 : i32
      %dma_start3A_1523 = tpu.memref_slice %arg3[%dma_start3A_1521, %dma_start3A_1522] : memref<100000x128xf32, #tpu.memory_space<hbm>> -> memref<100000x128xf32, #tpu.memory_space<hbm>>
      tpu.enqueue_indirect_dma source(%dma_start3A_1523 : memref<100000x128xf32, #tpu.memory_space<hbm>>) target(%arg7 : memref<64x128xf32, #tpu.memory_space<vmem>>) offsets(%dma_start3A_1520 : memref<64xi32, #tpu.memory_space<vmem>>) semaphore(%arg17 : memref<!tpu.dma_semaphore, #tpu.memory_space<semaphore_mem>>)
      %mul3A_1524 = arith.constant 10 : i32
      %mul3A_1525 = arith.muli %add3A_329, %mul3A_1524 : i32
      %add3A_1526 = arith.constant 2 : i32
      %add3A_1527 = arith.addi %mul3A_1525, %add3A_1526 : i32
      %jit3A_1528 = arith.constant 2 : i32
      %div3A_1529 = arith.divsi %add3A_1527, %jit3A_1528 : i32
      %sign3A_1530 = arith.constant 0 : i32
      %sign3A_1531 = arith.cmpi sgt, %add3A_1527, %sign3A_1530 : i32
      %sign3A_1532 = arith.extui %sign3A_1531 : i1 to i32
      %sign3A_1533 = arith.constant 0 : i32
      %sign3A_1534 = arith.cmpi slt, %add3A_1527, %sign3A_1533 : i32
      %sign3A_1535 = arith.extui %sign3A_1534 : i1 to i32
      %sign3A_1536 = arith.subi %sign3A_1532, %sign3A_1535 : i32
      %sign3A_1537 = arith.constant 0 : i32
      %sign3A_1538 = arith.cmpi sgt, %jit3A_1528, %sign3A_1537 : i32
      %sign3A_1539 = arith.extui %sign3A_1538 : i1 to i32
      %sign3A_1540 = arith.constant 0 : i32
      %sign3A_1541 = arith.cmpi slt, %jit3A_1528, %sign3A_1540 : i32
      %sign3A_1542 = arith.extui %sign3A_1541 : i1 to i32
      %sign3A_1543 = arith.subi %sign3A_1539, %sign3A_1542 : i32
      %ne3A_1544 = arith.cmpi ne, %sign3A_1536, %sign3A_1543 : i32
      %rem3A_1545 = arith.remsi %add3A_1527, %jit3A_1528 : i32
      %ne3A_1546 = arith.constant 0 : i32
      %ne3A_1547 = arith.cmpi ne, %rem3A_1545, %ne3A_1546 : i32
      %and3A_1548 = arith.andi %ne3A_1544, %ne3A_1547 : i1
      %sub3A_1549 = arith.constant 1 : i32
      %sub3A_1550 = arith.subi %div3A_1529, %sub3A_1549 : i32
      %select_n3A_1551 = arith.select %and3A_1548, %sub3A_1550, %div3A_1529 : i32
      %jit3A_1552 = arith.constant 2 : i32
      %eq3A_1553 = arith.constant 0 : i32
      %eq3A_1554 = arith.cmpi eq, %jit3A_1552, %eq3A_1553 : i32
      %jit3A_1555 = arith.constant 1 : i32
      %select_n3A_1556 = arith.select %eq3A_1554, %jit3A_1555, %jit3A_1552 : i32
      %rem3A_1557 = arith.remsi %add3A_1527, %select_n3A_1556 : i32
      %ne3A_1558 = arith.constant 0 : i32
      %ne3A_1559 = arith.cmpi ne, %rem3A_1557, %ne3A_1558 : i32
      %lt3A_1560 = arith.constant 0 : i32
      %lt3A_1561 = arith.cmpi slt, %rem3A_1557, %lt3A_1560 : i32
      %lt3A_1562 = arith.constant 0 : i32
      %lt3A_1563 = arith.cmpi slt, %select_n3A_1556, %lt3A_1562 : i32
      %ne3A_1564 = arith.xori %lt3A_1561, %lt3A_1563 : i1
      %and3A_1565 = arith.andi %ne3A_1564, %ne3A_1559 : i1
      %add3A_1566 = arith.addi %rem3A_1557, %select_n3A_1556 : i32
      %select_n3A_1567 = arith.select %and3A_1565, %add3A_1566, %rem3A_1557 : i32
      %mul3A_1568 = arith.constant 64 : i32
      %mul3A_1569 = arith.muli %select_n3A_1567, %mul3A_1568 : i32
      %add3A_1570 = arith.addi %mul3A_2, %mul3A_1569 : i32
      %dma_wait3A_1571 = arith.constant 0 : i32
      %dma_wait3A_1572 = tpu.memref_slice %arg4[%select_n3A_1551, %add3A_1570, %dma_wait3A_1571] : memref<50x4096x128xf32, #tpu.memory_space<hbm>> -> memref<1x64x128xf32, #tpu.memory_space<hbm>>
      %dma_wait3A_1573 = tpu.memref_squeeze %dma_wait3A_1572 : memref<1x64x128xf32, #tpu.memory_space<hbm>> -> memref<64x128xf32, #tpu.memory_space<hbm>>
      %dma_wait3A_1574 = arith.constant 0 : i32
      %dma_wait3A_1575 = tpu.memref_slice %arg4[%select_n3A_1551, %add3A_1570, %dma_wait3A_1574] : memref<50x4096x128xf32, #tpu.memory_space<hbm>> -> memref<1x64x128xf32, #tpu.memory_space<hbm>>
      %dma_wait3A_1576 = tpu.memref_squeeze %dma_wait3A_1575 : memref<1x64x128xf32, #tpu.memory_space<hbm>> -> memref<64x128xf32, #tpu.memory_space<hbm>>
      tpu.wait_dma2 semaphore(%arg28 : memref<!tpu.dma_semaphore, #tpu.memory_space<semaphore_mem>>) src(%arg8 : memref<64x128xf32, #tpu.memory_space<vmem>>) dst(%dma_wait3A_1576 : memref<64x128xf32, #tpu.memory_space<hbm>>)
      %add3A_1577 = arith.constant 10 : i32
      %add3A_1578 = arith.addi %add3A_1527, %add3A_1577 : i32
      %jit3A_1579 = arith.constant 2 : i32
      %div3A_1580 = arith.divsi %add3A_1578, %jit3A_1579 : i32
      %sign3A_1581 = arith.constant 0 : i32
      %sign3A_1582 = arith.cmpi sgt, %add3A_1578, %sign3A_1581 : i32
      %sign3A_1583 = arith.extui %sign3A_1582 : i1 to i32
      %sign3A_1584 = arith.constant 0 : i32
      %sign3A_1585 = arith.cmpi slt, %add3A_1578, %sign3A_1584 : i32
      %sign3A_1586 = arith.extui %sign3A_1585 : i1 to i32
      %sign3A_1587 = arith.subi %sign3A_1583, %sign3A_1586 : i32
      %sign3A_1588 = arith.constant 0 : i32
      %sign3A_1589 = arith.cmpi sgt, %jit3A_1579, %sign3A_1588 : i32
      %sign3A_1590 = arith.extui %sign3A_1589 : i1 to i32
      %sign3A_1591 = arith.constant 0 : i32
      %sign3A_1592 = arith.cmpi slt, %jit3A_1579, %sign3A_1591 : i32
      %sign3A_1593 = arith.extui %sign3A_1592 : i1 to i32
      %sign3A_1594 = arith.subi %sign3A_1590, %sign3A_1593 : i32
      %ne3A_1595 = arith.cmpi ne, %sign3A_1587, %sign3A_1594 : i32
      %rem3A_1596 = arith.remsi %add3A_1578, %jit3A_1579 : i32
      %ne3A_1597 = arith.constant 0 : i32
      %ne3A_1598 = arith.cmpi ne, %rem3A_1596, %ne3A_1597 : i32
      %and3A_1599 = arith.andi %ne3A_1595, %ne3A_1598 : i1
      %sub3A_1600 = arith.constant 1 : i32
      %sub3A_1601 = arith.subi %div3A_1580, %sub3A_1600 : i32
      %select_n3A_1602 = arith.select %and3A_1599, %sub3A_1601, %div3A_1580 : i32
      %jit3A_1603 = arith.constant 2 : i32
      %eq3A_1604 = arith.constant 0 : i32
      %eq3A_1605 = arith.cmpi eq, %jit3A_1603, %eq3A_1604 : i32
      %jit3A_1606 = arith.constant 1 : i32
      %select_n3A_1607 = arith.select %eq3A_1605, %jit3A_1606, %jit3A_1603 : i32
      %rem3A_1608 = arith.remsi %add3A_1578, %select_n3A_1607 : i32
      %ne3A_1609 = arith.constant 0 : i32
      %ne3A_1610 = arith.cmpi ne, %rem3A_1608, %ne3A_1609 : i32
      %lt3A_1611 = arith.constant 0 : i32
      %lt3A_1612 = arith.cmpi slt, %rem3A_1608, %lt3A_1611 : i32
      %lt3A_1613 = arith.constant 0 : i32
      %lt3A_1614 = arith.cmpi slt, %select_n3A_1607, %lt3A_1613 : i32
      %ne3A_1615 = arith.xori %lt3A_1612, %lt3A_1614 : i1
      %and3A_1616 = arith.andi %ne3A_1615, %ne3A_1610 : i1
      %add3A_1617 = arith.addi %rem3A_1608, %select_n3A_1607 : i32
      %select_n3A_1618 = arith.select %and3A_1616, %add3A_1617, %rem3A_1608 : i32
      %mul3A_1619 = arith.constant 64 : i32
      %mul3A_1620 = arith.muli %select_n3A_1618, %mul3A_1619 : i32
      %dma_start3A_1621 = tpu.memref_slice %arg5[%select_n3A_1602, %mul3A_1620] : memref<50x128xi32, #tpu.memory_space<vmem>> -> memref<1x64xi32, #tpu.memory_space<vmem>>
      %dma_start3A_1622 = tpu.memref_squeeze %dma_start3A_1621 : memref<1x64xi32, #tpu.memory_space<vmem>> -> memref<64xi32, #tpu.memory_space<vmem>>
      %dma_start3A_1623 = arith.constant 0 : i32
      %dma_start3A_1624 = arith.constant 0 : i32
      %dma_start3A_1625 = tpu.memref_slice %arg3[%dma_start3A_1623, %dma_start3A_1624] : memref<100000x128xf32, #tpu.memory_space<hbm>> -> memref<100000x128xf32, #tpu.memory_space<hbm>>
      tpu.enqueue_indirect_dma source(%dma_start3A_1625 : memref<100000x128xf32, #tpu.memory_space<hbm>>) target(%arg8 : memref<64x128xf32, #tpu.memory_space<vmem>>) offsets(%dma_start3A_1622 : memref<64xi32, #tpu.memory_space<vmem>>) semaphore(%arg18 : memref<!tpu.dma_semaphore, #tpu.memory_space<semaphore_mem>>)
      %mul3A_1626 = arith.constant 10 : i32
      %mul3A_1627 = arith.muli %add3A_329, %mul3A_1626 : i32
      %add3A_1628 = arith.constant 3 : i32
      %add3A_1629 = arith.addi %mul3A_1627, %add3A_1628 : i32
      %jit3A_1630 = arith.constant 2 : i32
      %div3A_1631 = arith.divsi %add3A_1629, %jit3A_1630 : i32
      %sign3A_1632 = arith.constant 0 : i32
      %sign3A_1633 = arith.cmpi sgt, %add3A_1629, %sign3A_1632 : i32
      %sign3A_1634 = arith.extui %sign3A_1633 : i1 to i32
      %sign3A_1635 = arith.constant 0 : i32
      %sign3A_1636 = arith.cmpi slt, %add3A_1629, %sign3A_1635 : i32
      %sign3A_1637 = arith.extui %sign3A_1636 : i1 to i32
      %sign3A_1638 = arith.subi %sign3A_1634, %sign3A_1637 : i32
      %sign3A_1639 = arith.constant 0 : i32
      %sign3A_1640 = arith.cmpi sgt, %jit3A_1630, %sign3A_1639 : i32
      %sign3A_1641 = arith.extui %sign3A_1640 : i1 to i32
      %sign3A_1642 = arith.constant 0 : i32
      %sign3A_1643 = arith.cmpi slt, %jit3A_1630, %sign3A_1642 : i32
      %sign3A_1644 = arith.extui %sign3A_1643 : i1 to i32
      %sign3A_1645 = arith.subi %sign3A_1641, %sign3A_1644 : i32
      %ne3A_1646 = arith.cmpi ne, %sign3A_1638, %sign3A_1645 : i32
      %rem3A_1647 = arith.remsi %add3A_1629, %jit3A_1630 : i32
      %ne3A_1648 = arith.constant 0 : i32
      %ne3A_1649 = arith.cmpi ne, %rem3A_1647, %ne3A_1648 : i32
      %and3A_1650 = arith.andi %ne3A_1646, %ne3A_1649 : i1
      %sub3A_1651 = arith.constant 1 : i32
      %sub3A_1652 = arith.subi %div3A_1631, %sub3A_1651 : i32
      %select_n3A_1653 = arith.select %and3A_1650, %sub3A_1652, %div3A_1631 : i32
      %jit3A_1654 = arith.constant 2 : i32
      %eq3A_1655 = arith.constant 0 : i32
      %eq3A_1656 = arith.cmpi eq, %jit3A_1654, %eq3A_1655 : i32
      %jit3A_1657 = arith.constant 1 : i32
      %select_n3A_1658 = arith.select %eq3A_1656, %jit3A_1657, %jit3A_1654 : i32
      %rem3A_1659 = arith.remsi %add3A_1629, %select_n3A_1658 : i32
      %ne3A_1660 = arith.constant 0 : i32
      %ne3A_1661 = arith.cmpi ne, %rem3A_1659, %ne3A_1660 : i32
      %lt3A_1662 = arith.constant 0 : i32
      %lt3A_1663 = arith.cmpi slt, %rem3A_1659, %lt3A_1662 : i32
      %lt3A_1664 = arith.constant 0 : i32
      %lt3A_1665 = arith.cmpi slt, %select_n3A_1658, %lt3A_1664 : i32
      %ne3A_1666 = arith.xori %lt3A_1663, %lt3A_1665 : i1
      %and3A_1667 = arith.andi %ne3A_1666, %ne3A_1661 : i1
      %add3A_1668 = arith.addi %rem3A_1659, %select_n3A_1658 : i32
      %select_n3A_1669 = arith.select %and3A_1667, %add3A_1668, %rem3A_1659 : i32
      %mul3A_1670 = arith.constant 64 : i32
      %mul3A_1671 = arith.muli %select_n3A_1669, %mul3A_1670 : i32
      %add3A_1672 = arith.addi %mul3A_2, %mul3A_1671 : i32
      %dma_wait3A_1673 = arith.constant 0 : i32
      %dma_wait3A_1674 = tpu.memref_slice %arg4[%select_n3A_1653, %add3A_1672, %dma_wait3A_1673] : memref<50x4096x128xf32, #tpu.memory_space<hbm>> -> memref<1x64x128xf32, #tpu.memory_space<hbm>>
      %dma_wait3A_1675 = tpu.memref_squeeze %dma_wait3A_1674 : memref<1x64x128xf32, #tpu.memory_space<hbm>> -> memref<64x128xf32, #tpu.memory_space<hbm>>
      %dma_wait3A_1676 = arith.constant 0 : i32
      %dma_wait3A_1677 = tpu.memref_slice %arg4[%select_n3A_1653, %add3A_1672, %dma_wait3A_1676] : memref<50x4096x128xf32, #tpu.memory_space<hbm>> -> memref<1x64x128xf32, #tpu.memory_space<hbm>>
      %dma_wait3A_1678 = tpu.memref_squeeze %dma_wait3A_1677 : memref<1x64x128xf32, #tpu.memory_space<hbm>> -> memref<64x128xf32, #tpu.memory_space<hbm>>
      tpu.wait_dma2 semaphore(%arg29 : memref<!tpu.dma_semaphore, #tpu.memory_space<semaphore_mem>>) src(%arg9 : memref<64x128xf32, #tpu.memory_space<vmem>>) dst(%dma_wait3A_1678 : memref<64x128xf32, #tpu.memory_space<hbm>>)
      %add3A_1679 = arith.constant 10 : i32
      %add3A_1680 = arith.addi %add3A_1629, %add3A_1679 : i32
      %jit3A_1681 = arith.constant 2 : i32
      %div3A_1682 = arith.divsi %add3A_1680, %jit3A_1681 : i32
      %sign3A_1683 = arith.constant 0 : i32
      %sign3A_1684 = arith.cmpi sgt, %add3A_1680, %sign3A_1683 : i32
      %sign3A_1685 = arith.extui %sign3A_1684 : i1 to i32
      %sign3A_1686 = arith.constant 0 : i32
      %sign3A_1687 = arith.cmpi slt, %add3A_1680, %sign3A_1686 : i32
      %sign3A_1688 = arith.extui %sign3A_1687 : i1 to i32
      %sign3A_1689 = arith.subi %sign3A_1685, %sign3A_1688 : i32
      %sign3A_1690 = arith.constant 0 : i32
      %sign3A_1691 = arith.cmpi sgt, %jit3A_1681, %sign3A_1690 : i32
      %sign3A_1692 = arith.extui %sign3A_1691 : i1 to i32
      %sign3A_1693 = arith.constant 0 : i32
      %sign3A_1694 = arith.cmpi slt, %jit3A_1681, %sign3A_1693 : i32
      %sign3A_1695 = arith.extui %sign3A_1694 : i1 to i32
      %sign3A_1696 = arith.subi %sign3A_1692, %sign3A_1695 : i32
      %ne3A_1697 = arith.cmpi ne, %sign3A_1689, %sign3A_1696 : i32
      %rem3A_1698 = arith.remsi %add3A_1680, %jit3A_1681 : i32
      %ne3A_1699 = arith.constant 0 : i32
      %ne3A_1700 = arith.cmpi ne, %rem3A_1698, %ne3A_1699 : i32
      %and3A_1701 = arith.andi %ne3A_1697, %ne3A_1700 : i1
      %sub3A_1702 = arith.constant 1 : i32
      %sub3A_1703 = arith.subi %div3A_1682, %sub3A_1702 : i32
      %select_n3A_1704 = arith.select %and3A_1701, %sub3A_1703, %div3A_1682 : i32
      %jit3A_1705 = arith.constant 2 : i32
      %eq3A_1706 = arith.constant 0 : i32
      %eq3A_1707 = arith.cmpi eq, %jit3A_1705, %eq3A_1706 : i32
      %jit3A_1708 = arith.constant 1 : i32
      %select_n3A_1709 = arith.select %eq3A_1707, %jit3A_1708, %jit3A_1705 : i32
      %rem3A_1710 = arith.remsi %add3A_1680, %select_n3A_1709 : i32
      %ne3A_1711 = arith.constant 0 : i32
      %ne3A_1712 = arith.cmpi ne, %rem3A_1710, %ne3A_1711 : i32
      %lt3A_1713 = arith.constant 0 : i32
      %lt3A_1714 = arith.cmpi slt, %rem3A_1710, %lt3A_1713 : i32
      %lt3A_1715 = arith.constant 0 : i32
      %lt3A_1716 = arith.cmpi slt, %select_n3A_1709, %lt3A_1715 : i32
      %ne3A_1717 = arith.xori %lt3A_1714, %lt3A_1716 : i1
      %and3A_1718 = arith.andi %ne3A_1717, %ne3A_1712 : i1
      %add3A_1719 = arith.addi %rem3A_1710, %select_n3A_1709 : i32
      %select_n3A_1720 = arith.select %and3A_1718, %add3A_1719, %rem3A_1710 : i32
      %mul3A_1721 = arith.constant 64 : i32
      %mul3A_1722 = arith.muli %select_n3A_1720, %mul3A_1721 : i32
      %dma_start3A_1723 = tpu.memref_slice %arg5[%select_n3A_1704, %mul3A_1722] : memref<50x128xi32, #tpu.memory_space<vmem>> -> memref<1x64xi32, #tpu.memory_space<vmem>>
      %dma_start3A_1724 = tpu.memref_squeeze %dma_start3A_1723 : memref<1x64xi32, #tpu.memory_space<vmem>> -> memref<64xi32, #tpu.memory_space<vmem>>
      %dma_start3A_1725 = arith.constant 0 : i32
      %dma_start3A_1726 = arith.constant 0 : i32
      %dma_start3A_1727 = tpu.memref_slice %arg3[%dma_start3A_1725, %dma_start3A_1726] : memref<100000x128xf32, #tpu.memory_space<hbm>> -> memref<100000x128xf32, #tpu.memory_space<hbm>>
      tpu.enqueue_indirect_dma source(%dma_start3A_1727 : memref<100000x128xf32, #tpu.memory_space<hbm>>) target(%arg9 : memref<64x128xf32, #tpu.memory_space<vmem>>) offsets(%dma_start3A_1724 : memref<64xi32, #tpu.memory_space<vmem>>) semaphore(%arg19 : memref<!tpu.dma_semaphore, #tpu.memory_space<semaphore_mem>>)
      %mul3A_1728 = arith.constant 10 : i32
      %mul3A_1729 = arith.muli %add3A_329, %mul3A_1728 : i32
      %add3A_1730 = arith.constant 4 : i32
      %add3A_1731 = arith.addi %mul3A_1729, %add3A_1730 : i32
      %jit3A_1732 = arith.constant 2 : i32
      %div3A_1733 = arith.divsi %add3A_1731, %jit3A_1732 : i32
      %sign3A_1734 = arith.constant 0 : i32
      %sign3A_1735 = arith.cmpi sgt, %add3A_1731, %sign3A_1734 : i32
      %sign3A_1736 = arith.extui %sign3A_1735 : i1 to i32
      %sign3A_1737 = arith.constant 0 : i32
      %sign3A_1738 = arith.cmpi slt, %add3A_1731, %sign3A_1737 : i32
      %sign3A_1739 = arith.extui %sign3A_1738 : i1 to i32
      %sign3A_1740 = arith.subi %sign3A_1736, %sign3A_1739 : i32
      %sign3A_1741 = arith.constant 0 : i32
      %sign3A_1742 = arith.cmpi sgt, %jit3A_1732, %sign3A_1741 : i32
      %sign3A_1743 = arith.extui %sign3A_1742 : i1 to i32
      %sign3A_1744 = arith.constant 0 : i32
      %sign3A_1745 = arith.cmpi slt, %jit3A_1732, %sign3A_1744 : i32
      %sign3A_1746 = arith.extui %sign3A_1745 : i1 to i32
      %sign3A_1747 = arith.subi %sign3A_1743, %sign3A_1746 : i32
      %ne3A_1748 = arith.cmpi ne, %sign3A_1740, %sign3A_1747 : i32
      %rem3A_1749 = arith.remsi %add3A_1731, %jit3A_1732 : i32
      %ne3A_1750 = arith.constant 0 : i32
      %ne3A_1751 = arith.cmpi ne, %rem3A_1749, %ne3A_1750 : i32
      %and3A_1752 = arith.andi %ne3A_1748, %ne3A_1751 : i1
      %sub3A_1753 = arith.constant 1 : i32
      %sub3A_1754 = arith.subi %div3A_1733, %sub3A_1753 : i32
      %select_n3A_1755 = arith.select %and3A_1752, %sub3A_1754, %div3A_1733 : i32
      %jit3A_1756 = arith.constant 2 : i32
      %eq3A_1757 = arith.constant 0 : i32
      %eq3A_1758 = arith.cmpi eq, %jit3A_1756, %eq3A_1757 : i32
      %jit3A_1759 = arith.constant 1 : i32
      %select_n3A_1760 = arith.select %eq3A_1758, %jit3A_1759, %jit3A_1756 : i32
      %rem3A_1761 = arith.remsi %add3A_1731, %select_n3A_1760 : i32
      %ne3A_1762 = arith.constant 0 : i32
      %ne3A_1763 = arith.cmpi ne, %rem3A_1761, %ne3A_1762 : i32
      %lt3A_1764 = arith.constant 0 : i32
      %lt3A_1765 = arith.cmpi slt, %rem3A_1761, %lt3A_1764 : i32
      %lt3A_1766 = arith.constant 0 : i32
      %lt3A_1767 = arith.cmpi slt, %select_n3A_1760, %lt3A_1766 : i32
      %ne3A_1768 = arith.xori %lt3A_1765, %lt3A_1767 : i1
      %and3A_1769 = arith.andi %ne3A_1768, %ne3A_1763 : i1
      %add3A_1770 = arith.addi %rem3A_1761, %select_n3A_1760 : i32
      %select_n3A_1771 = arith.select %and3A_1769, %add3A_1770, %rem3A_1761 : i32
      %mul3A_1772 = arith.constant 64 : i32
      %mul3A_1773 = arith.muli %select_n3A_1771, %mul3A_1772 : i32
      %add3A_1774 = arith.addi %mul3A_2, %mul3A_1773 : i32
      %dma_wait3A_1775 = arith.constant 0 : i32
      %dma_wait3A_1776 = tpu.memref_slice %arg4[%select_n3A_1755, %add3A_1774, %dma_wait3A_1775] : memref<50x4096x128xf32, #tpu.memory_space<hbm>> -> memref<1x64x128xf32, #tpu.memory_space<hbm>>
      %dma_wait3A_1777 = tpu.memref_squeeze %dma_wait3A_1776 : memref<1x64x128xf32, #tpu.memory_space<hbm>> -> memref<64x128xf32, #tpu.memory_space<hbm>>
      %dma_wait3A_1778 = arith.constant 0 : i32
      %dma_wait3A_1779 = tpu.memref_slice %arg4[%select_n3A_1755, %add3A_1774, %dma_wait3A_1778] : memref<50x4096x128xf32, #tpu.memory_space<hbm>> -> memref<1x64x128xf32, #tpu.memory_space<hbm>>
      %dma_wait3A_1780 = tpu.memref_squeeze %dma_wait3A_1779 : memref<1x64x128xf32, #tpu.memory_space<hbm>> -> memref<64x128xf32, #tpu.memory_space<hbm>>
      tpu.wait_dma2 semaphore(%arg30 : memref<!tpu.dma_semaphore, #tpu.memory_space<semaphore_mem>>) src(%arg10 : memref<64x128xf32, #tpu.memory_space<vmem>>) dst(%dma_wait3A_1780 : memref<64x128xf32, #tpu.memory_space<hbm>>)
      %add3A_1781 = arith.constant 10 : i32
      %add3A_1782 = arith.addi %add3A_1731, %add3A_1781 : i32
      %jit3A_1783 = arith.constant 2 : i32
      %div3A_1784 = arith.divsi %add3A_1782, %jit3A_1783 : i32
      %sign3A_1785 = arith.constant 0 : i32
      %sign3A_1786 = arith.cmpi sgt, %add3A_1782, %sign3A_1785 : i32
      %sign3A_1787 = arith.extui %sign3A_1786 : i1 to i32
      %sign3A_1788 = arith.constant 0 : i32
      %sign3A_1789 = arith.cmpi slt, %add3A_1782, %sign3A_1788 : i32
      %sign3A_1790 = arith.extui %sign3A_1789 : i1 to i32
      %sign3A_1791 = arith.subi %sign3A_1787, %sign3A_1790 : i32
      %sign3A_1792 = arith.constant 0 : i32
      %sign3A_1793 = arith.cmpi sgt, %jit3A_1783, %sign3A_1792 : i32
      %sign3A_1794 = arith.extui %sign3A_1793 : i1 to i32
      %sign3A_1795 = arith.constant 0 : i32
      %sign3A_1796 = arith.cmpi slt, %jit3A_1783, %sign3A_1795 : i32
      %sign3A_1797 = arith.extui %sign3A_1796 : i1 to i32
      %sign3A_1798 = arith.subi %sign3A_1794, %sign3A_1797 : i32
      %ne3A_1799 = arith.cmpi ne, %sign3A_1791, %sign3A_1798 : i32
      %rem3A_1800 = arith.remsi %add3A_1782, %jit3A_1783 : i32
      %ne3A_1801 = arith.constant 0 : i32
      %ne3A_1802 = arith.cmpi ne, %rem3A_1800, %ne3A_1801 : i32
      %and3A_1803 = arith.andi %ne3A_1799, %ne3A_1802 : i1
      %sub3A_1804 = arith.constant 1 : i32
      %sub3A_1805 = arith.subi %div3A_1784, %sub3A_1804 : i32
      %select_n3A_1806 = arith.select %and3A_1803, %sub3A_1805, %div3A_1784 : i32
      %jit3A_1807 = arith.constant 2 : i32
      %eq3A_1808 = arith.constant 0 : i32
      %eq3A_1809 = arith.cmpi eq, %jit3A_1807, %eq3A_1808 : i32
      %jit3A_1810 = arith.constant 1 : i32
      %select_n3A_1811 = arith.select %eq3A_1809, %jit3A_1810, %jit3A_1807 : i32
      %rem3A_1812 = arith.remsi %add3A_1782, %select_n3A_1811 : i32
      %ne3A_1813 = arith.constant 0 : i32
      %ne3A_1814 = arith.cmpi ne, %rem3A_1812, %ne3A_1813 : i32
      %lt3A_1815 = arith.constant 0 : i32
      %lt3A_1816 = arith.cmpi slt, %rem3A_1812, %lt3A_1815 : i32
      %lt3A_1817 = arith.constant 0 : i32
      %lt3A_1818 = arith.cmpi slt, %select_n3A_1811, %lt3A_1817 : i32
      %ne3A_1819 = arith.xori %lt3A_1816, %lt3A_1818 : i1
      %and3A_1820 = arith.andi %ne3A_1819, %ne3A_1814 : i1
      %add3A_1821 = arith.addi %rem3A_1812, %select_n3A_1811 : i32
      %select_n3A_1822 = arith.select %and3A_1820, %add3A_1821, %rem3A_1812 : i32
      %mul3A_1823 = arith.constant 64 : i32
      %mul3A_1824 = arith.muli %select_n3A_1822, %mul3A_1823 : i32
      %dma_start3A_1825 = tpu.memref_slice %arg5[%select_n3A_1806, %mul3A_1824] : memref<50x128xi32, #tpu.memory_space<vmem>> -> memref<1x64xi32, #tpu.memory_space<vmem>>
      %dma_start3A_1826 = tpu.memref_squeeze %dma_start3A_1825 : memref<1x64xi32, #tpu.memory_space<vmem>> -> memref<64xi32, #tpu.memory_space<vmem>>
      %dma_start3A_1827 = arith.constant 0 : i32
      %dma_start3A_1828 = arith.constant 0 : i32
      %dma_start3A_1829 = tpu.memref_slice %arg3[%dma_start3A_1827, %dma_start3A_1828] : memref<100000x128xf32, #tpu.memory_space<hbm>> -> memref<100000x128xf32, #tpu.memory_space<hbm>>
      tpu.enqueue_indirect_dma source(%dma_start3A_1829 : memref<100000x128xf32, #tpu.memory_space<hbm>>) target(%arg10 : memref<64x128xf32, #tpu.memory_space<vmem>>) offsets(%dma_start3A_1826 : memref<64xi32, #tpu.memory_space<vmem>>) semaphore(%arg20 : memref<!tpu.dma_semaphore, #tpu.memory_space<semaphore_mem>>)
      %mul3A_1830 = arith.constant 10 : i32
      %mul3A_1831 = arith.muli %add3A_329, %mul3A_1830 : i32
      %add3A_1832 = arith.constant 5 : i32
      %add3A_1833 = arith.addi %mul3A_1831, %add3A_1832 : i32
      %jit3A_1834 = arith.constant 2 : i32
      %div3A_1835 = arith.divsi %add3A_1833, %jit3A_1834 : i32
      %sign3A_1836 = arith.constant 0 : i32
      %sign3A_1837 = arith.cmpi sgt, %add3A_1833, %sign3A_1836 : i32
      %sign3A_1838 = arith.extui %sign3A_1837 : i1 to i32
      %sign3A_1839 = arith.constant 0 : i32
      %sign3A_1840 = arith.cmpi slt, %add3A_1833, %sign3A_1839 : i32
      %sign3A_1841 = arith.extui %sign3A_1840 : i1 to i32
      %sign3A_1842 = arith.subi %sign3A_1838, %sign3A_1841 : i32
      %sign3A_1843 = arith.constant 0 : i32
      %sign3A_1844 = arith.cmpi sgt, %jit3A_1834, %sign3A_1843 : i32
      %sign3A_1845 = arith.extui %sign3A_1844 : i1 to i32
      %sign3A_1846 = arith.constant 0 : i32
      %sign3A_1847 = arith.cmpi slt, %jit3A_1834, %sign3A_1846 : i32
      %sign3A_1848 = arith.extui %sign3A_1847 : i1 to i32
      %sign3A_1849 = arith.subi %sign3A_1845, %sign3A_1848 : i32
      %ne3A_1850 = arith.cmpi ne, %sign3A_1842, %sign3A_1849 : i32
      %rem3A_1851 = arith.remsi %add3A_1833, %jit3A_1834 : i32
      %ne3A_1852 = arith.constant 0 : i32
      %ne3A_1853 = arith.cmpi ne, %rem3A_1851, %ne3A_1852 : i32
      %and3A_1854 = arith.andi %ne3A_1850, %ne3A_1853 : i1
      %sub3A_1855 = arith.constant 1 : i32
      %sub3A_1856 = arith.subi %div3A_1835, %sub3A_1855 : i32
      %select_n3A_1857 = arith.select %and3A_1854, %sub3A_1856, %div3A_1835 : i32
      %jit3A_1858 = arith.constant 2 : i32
      %eq3A_1859 = arith.constant 0 : i32
      %eq3A_1860 = arith.cmpi eq, %jit3A_1858, %eq3A_1859 : i32
      %jit3A_1861 = arith.constant 1 : i32
      %select_n3A_1862 = arith.select %eq3A_1860, %jit3A_1861, %jit3A_1858 : i32
      %rem3A_1863 = arith.remsi %add3A_1833, %select_n3A_1862 : i32
      %ne3A_1864 = arith.constant 0 : i32
      %ne3A_1865 = arith.cmpi ne, %rem3A_1863, %ne3A_1864 : i32
      %lt3A_1866 = arith.constant 0 : i32
      %lt3A_1867 = arith.cmpi slt, %rem3A_1863, %lt3A_1866 : i32
      %lt3A_1868 = arith.constant 0 : i32
      %lt3A_1869 = arith.cmpi slt, %select_n3A_1862, %lt3A_1868 : i32
      %ne3A_1870 = arith.xori %lt3A_1867, %lt3A_1869 : i1
      %and3A_1871 = arith.andi %ne3A_1870, %ne3A_1865 : i1
      %add3A_1872 = arith.addi %rem3A_1863, %select_n3A_1862 : i32
      %select_n3A_1873 = arith.select %and3A_1871, %add3A_1872, %rem3A_1863 : i32
      %mul3A_1874 = arith.constant 64 : i32
      %mul3A_1875 = arith.muli %select_n3A_1873, %mul3A_1874 : i32
      %add3A_1876 = arith.addi %mul3A_2, %mul3A_1875 : i32
      %dma_wait3A_1877 = arith.constant 0 : i32
      %dma_wait3A_1878 = tpu.memref_slice %arg4[%select_n3A_1857, %add3A_1876, %dma_wait3A_1877] : memref<50x4096x128xf32, #tpu.memory_space<hbm>> -> memref<1x64x128xf32, #tpu.memory_space<hbm>>
      %dma_wait3A_1879 = tpu.memref_squeeze %dma_wait3A_1878 : memref<1x64x128xf32, #tpu.memory_space<hbm>> -> memref<64x128xf32, #tpu.memory_space<hbm>>
      %dma_wait3A_1880 = arith.constant 0 : i32
      %dma_wait3A_1881 = tpu.memref_slice %arg4[%select_n3A_1857, %add3A_1876, %dma_wait3A_1880] : memref<50x4096x128xf32, #tpu.memory_space<hbm>> -> memref<1x64x128xf32, #tpu.memory_space<hbm>>
      %dma_wait3A_1882 = tpu.memref_squeeze %dma_wait3A_1881 : memref<1x64x128xf32, #tpu.memory_space<hbm>> -> memref<64x128xf32, #tpu.memory_space<hbm>>
      tpu.wait_dma2 semaphore(%arg31 : memref<!tpu.dma_semaphore, #tpu.memory_space<semaphore_mem>>) src(%arg11 : memref<64x128xf32, #tpu.memory_space<vmem>>) dst(%dma_wait3A_1882 : memref<64x128xf32, #tpu.memory_space<hbm>>)
      %add3A_1883 = arith.constant 10 : i32
      %add3A_1884 = arith.addi %add3A_1833, %add3A_1883 : i32
      %jit3A_1885 = arith.constant 2 : i32
      %div3A_1886 = arith.divsi %add3A_1884, %jit3A_1885 : i32
      %sign3A_1887 = arith.constant 0 : i32
      %sign3A_1888 = arith.cmpi sgt, %add3A_1884, %sign3A_1887 : i32
      %sign3A_1889 = arith.extui %sign3A_1888 : i1 to i32
      %sign3A_1890 = arith.constant 0 : i32
      %sign3A_1891 = arith.cmpi slt, %add3A_1884, %sign3A_1890 : i32
      %sign3A_1892 = arith.extui %sign3A_1891 : i1 to i32
      %sign3A_1893 = arith.subi %sign3A_1889, %sign3A_1892 : i32
      %sign3A_1894 = arith.constant 0 : i32
      %sign3A_1895 = arith.cmpi sgt, %jit3A_1885, %sign3A_1894 : i32
      %sign3A_1896 = arith.extui %sign3A_1895 : i1 to i32
      %sign3A_1897 = arith.constant 0 : i32
      %sign3A_1898 = arith.cmpi slt, %jit3A_1885, %sign3A_1897 : i32
      %sign3A_1899 = arith.extui %sign3A_1898 : i1 to i32
      %sign3A_1900 = arith.subi %sign3A_1896, %sign3A_1899 : i32
      %ne3A_1901 = arith.cmpi ne, %sign3A_1893, %sign3A_1900 : i32
      %rem3A_1902 = arith.remsi %add3A_1884, %jit3A_1885 : i32
      %ne3A_1903 = arith.constant 0 : i32
      %ne3A_1904 = arith.cmpi ne, %rem3A_1902, %ne3A_1903 : i32
      %and3A_1905 = arith.andi %ne3A_1901, %ne3A_1904 : i1
      %sub3A_1906 = arith.constant 1 : i32
      %sub3A_1907 = arith.subi %div3A_1886, %sub3A_1906 : i32
      %select_n3A_1908 = arith.select %and3A_1905, %sub3A_1907, %div3A_1886 : i32
      %jit3A_1909 = arith.constant 2 : i32
      %eq3A_1910 = arith.constant 0 : i32
      %eq3A_1911 = arith.cmpi eq, %jit3A_1909, %eq3A_1910 : i32
      %jit3A_1912 = arith.constant 1 : i32
      %select_n3A_1913 = arith.select %eq3A_1911, %jit3A_1912, %jit3A_1909 : i32
      %rem3A_1914 = arith.remsi %add3A_1884, %select_n3A_1913 : i32
      %ne3A_1915 = arith.constant 0 : i32
      %ne3A_1916 = arith.cmpi ne, %rem3A_1914, %ne3A_1915 : i32
      %lt3A_1917 = arith.constant 0 : i32
      %lt3A_1918 = arith.cmpi slt, %rem3A_1914, %lt3A_1917 : i32
      %lt3A_1919 = arith.constant 0 : i32
      %lt3A_1920 = arith.cmpi slt, %select_n3A_1913, %lt3A_1919 : i32
      %ne3A_1921 = arith.xori %lt3A_1918, %lt3A_1920 : i1
      %and3A_1922 = arith.andi %ne3A_1921, %ne3A_1916 : i1
      %add3A_1923 = arith.addi %rem3A_1914, %select_n3A_1913 : i32
      %select_n3A_1924 = arith.select %and3A_1922, %add3A_1923, %rem3A_1914 : i32
      %mul3A_1925 = arith.constant 64 : i32
      %mul3A_1926 = arith.muli %select_n3A_1924, %mul3A_1925 : i32
      %dma_start3A_1927 = tpu.memref_slice %arg5[%select_n3A_1908, %mul3A_1926] : memref<50x128xi32, #tpu.memory_space<vmem>> -> memref<1x64xi32, #tpu.memory_space<vmem>>
      %dma_start3A_1928 = tpu.memref_squeeze %dma_start3A_1927 : memref<1x64xi32, #tpu.memory_space<vmem>> -> memref<64xi32, #tpu.memory_space<vmem>>
      %dma_start3A_1929 = arith.constant 0 : i32
      %dma_start3A_1930 = arith.constant 0 : i32
      %dma_start3A_1931 = tpu.memref_slice %arg3[%dma_start3A_1929, %dma_start3A_1930] : memref<100000x128xf32, #tpu.memory_space<hbm>> -> memref<100000x128xf32, #tpu.memory_space<hbm>>
      tpu.enqueue_indirect_dma source(%dma_start3A_1931 : memref<100000x128xf32, #tpu.memory_space<hbm>>) target(%arg11 : memref<64x128xf32, #tpu.memory_space<vmem>>) offsets(%dma_start3A_1928 : memref<64xi32, #tpu.memory_space<vmem>>) semaphore(%arg21 : memref<!tpu.dma_semaphore, #tpu.memory_space<semaphore_mem>>)
      %mul3A_1932 = arith.constant 10 : i32
      %mul3A_1933 = arith.muli %add3A_329, %mul3A_1932 : i32
      %add3A_1934 = arith.constant 6 : i32
      %add3A_1935 = arith.addi %mul3A_1933, %add3A_1934 : i32
      %jit3A_1936 = arith.constant 2 : i32
      %div3A_1937 = arith.divsi %add3A_1935, %jit3A_1936 : i32
      %sign3A_1938 = arith.constant 0 : i32
      %sign3A_1939 = arith.cmpi sgt, %add3A_1935, %sign3A_1938 : i32
      %sign3A_1940 = arith.extui %sign3A_1939 : i1 to i32
      %sign3A_1941 = arith.constant 0 : i32
      %sign3A_1942 = arith.cmpi slt, %add3A_1935, %sign3A_1941 : i32
      %sign3A_1943 = arith.extui %sign3A_1942 : i1 to i32
      %sign3A_1944 = arith.subi %sign3A_1940, %sign3A_1943 : i32
      %sign3A_1945 = arith.constant 0 : i32
      %sign3A_1946 = arith.cmpi sgt, %jit3A_1936, %sign3A_1945 : i32
      %sign3A_1947 = arith.extui %sign3A_1946 : i1 to i32
      %sign3A_1948 = arith.constant 0 : i32
      %sign3A_1949 = arith.cmpi slt, %jit3A_1936, %sign3A_1948 : i32
      %sign3A_1950 = arith.extui %sign3A_1949 : i1 to i32
      %sign3A_1951 = arith.subi %sign3A_1947, %sign3A_1950 : i32
      %ne3A_1952 = arith.cmpi ne, %sign3A_1944, %sign3A_1951 : i32
      %rem3A_1953 = arith.remsi %add3A_1935, %jit3A_1936 : i32
      %ne3A_1954 = arith.constant 0 : i32
      %ne3A_1955 = arith.cmpi ne, %rem3A_1953, %ne3A_1954 : i32
      %and3A_1956 = arith.andi %ne3A_1952, %ne3A_1955 : i1
      %sub3A_1957 = arith.constant 1 : i32
      %sub3A_1958 = arith.subi %div3A_1937, %sub3A_1957 : i32
      %select_n3A_1959 = arith.select %and3A_1956, %sub3A_1958, %div3A_1937 : i32
      %jit3A_1960 = arith.constant 2 : i32
      %eq3A_1961 = arith.constant 0 : i32
      %eq3A_1962 = arith.cmpi eq, %jit3A_1960, %eq3A_1961 : i32
      %jit3A_1963 = arith.constant 1 : i32
      %select_n3A_1964 = arith.select %eq3A_1962, %jit3A_1963, %jit3A_1960 : i32
      %rem3A_1965 = arith.remsi %add3A_1935, %select_n3A_1964 : i32
      %ne3A_1966 = arith.constant 0 : i32
      %ne3A_1967 = arith.cmpi ne, %rem3A_1965, %ne3A_1966 : i32
      %lt3A_1968 = arith.constant 0 : i32
      %lt3A_1969 = arith.cmpi slt, %rem3A_1965, %lt3A_1968 : i32
      %lt3A_1970 = arith.constant 0 : i32
      %lt3A_1971 = arith.cmpi slt, %select_n3A_1964, %lt3A_1970 : i32
      %ne3A_1972 = arith.xori %lt3A_1969, %lt3A_1971 : i1
      %and3A_1973 = arith.andi %ne3A_1972, %ne3A_1967 : i1
      %add3A_1974 = arith.addi %rem3A_1965, %select_n3A_1964 : i32
      %select_n3A_1975 = arith.select %and3A_1973, %add3A_1974, %rem3A_1965 : i32
      %mul3A_1976 = arith.constant 64 : i32
      %mul3A_1977 = arith.muli %select_n3A_1975, %mul3A_1976 : i32
      %add3A_1978 = arith.addi %mul3A_2, %mul3A_1977 : i32
      %dma_wait3A_1979 = arith.constant 0 : i32
      %dma_wait3A_1980 = tpu.memref_slice %arg4[%select_n3A_1959, %add3A_1978, %dma_wait3A_1979] : memref<50x4096x128xf32, #tpu.memory_space<hbm>> -> memref<1x64x128xf32, #tpu.memory_space<hbm>>
      %dma_wait3A_1981 = tpu.memref_squeeze %dma_wait3A_1980 : memref<1x64x128xf32, #tpu.memory_space<hbm>> -> memref<64x128xf32, #tpu.memory_space<hbm>>
      %dma_wait3A_1982 = arith.constant 0 : i32
      %dma_wait3A_1983 = tpu.memref_slice %arg4[%select_n3A_1959, %add3A_1978, %dma_wait3A_1982] : memref<50x4096x128xf32, #tpu.memory_space<hbm>> -> memref<1x64x128xf32, #tpu.memory_space<hbm>>
      %dma_wait3A_1984 = tpu.memref_squeeze %dma_wait3A_1983 : memref<1x64x128xf32, #tpu.memory_space<hbm>> -> memref<64x128xf32, #tpu.memory_space<hbm>>
      tpu.wait_dma2 semaphore(%arg32 : memref<!tpu.dma_semaphore, #tpu.memory_space<semaphore_mem>>) src(%arg12 : memref<64x128xf32, #tpu.memory_space<vmem>>) dst(%dma_wait3A_1984 : memref<64x128xf32, #tpu.memory_space<hbm>>)
      %add3A_1985 = arith.constant 10 : i32
      %add3A_1986 = arith.addi %add3A_1935, %add3A_1985 : i32
      %jit3A_1987 = arith.constant 2 : i32
      %div3A_1988 = arith.divsi %add3A_1986, %jit3A_1987 : i32
      %sign3A_1989 = arith.constant 0 : i32
      %sign3A_1990 = arith.cmpi sgt, %add3A_1986, %sign3A_1989 : i32
      %sign3A_1991 = arith.extui %sign3A_1990 : i1 to i32
      %sign3A_1992 = arith.constant 0 : i32
      %sign3A_1993 = arith.cmpi slt, %add3A_1986, %sign3A_1992 : i32
      %sign3A_1994 = arith.extui %sign3A_1993 : i1 to i32
      %sign3A_1995 = arith.subi %sign3A_1991, %sign3A_1994 : i32
      %sign3A_1996 = arith.constant 0 : i32
      %sign3A_1997 = arith.cmpi sgt, %jit3A_1987, %sign3A_1996 : i32
      %sign3A_1998 = arith.extui %sign3A_1997 : i1 to i32
      %sign3A_1999 = arith.constant 0 : i32
      %sign3A_2000 = arith.cmpi slt, %jit3A_1987, %sign3A_1999 : i32
      %sign3A_2001 = arith.extui %sign3A_2000 : i1 to i32
      %sign3A_2002 = arith.subi %sign3A_1998, %sign3A_2001 : i32
      %ne3A_2003 = arith.cmpi ne, %sign3A_1995, %sign3A_2002 : i32
      %rem3A_2004 = arith.remsi %add3A_1986, %jit3A_1987 : i32
      %ne3A_2005 = arith.constant 0 : i32
      %ne3A_2006 = arith.cmpi ne, %rem3A_2004, %ne3A_2005 : i32
      %and3A_2007 = arith.andi %ne3A_2003, %ne3A_2006 : i1
      %sub3A_2008 = arith.constant 1 : i32
      %sub3A_2009 = arith.subi %div3A_1988, %sub3A_2008 : i32
      %select_n3A_2010 = arith.select %and3A_2007, %sub3A_2009, %div3A_1988 : i32
      %jit3A_2011 = arith.constant 2 : i32
      %eq3A_2012 = arith.constant 0 : i32
      %eq3A_2013 = arith.cmpi eq, %jit3A_2011, %eq3A_2012 : i32
      %jit3A_2014 = arith.constant 1 : i32
      %select_n3A_2015 = arith.select %eq3A_2013, %jit3A_2014, %jit3A_2011 : i32
      %rem3A_2016 = arith.remsi %add3A_1986, %select_n3A_2015 : i32
      %ne3A_2017 = arith.constant 0 : i32
      %ne3A_2018 = arith.cmpi ne, %rem3A_2016, %ne3A_2017 : i32
      %lt3A_2019 = arith.constant 0 : i32
      %lt3A_2020 = arith.cmpi slt, %rem3A_2016, %lt3A_2019 : i32
      %lt3A_2021 = arith.constant 0 : i32
      %lt3A_2022 = arith.cmpi slt, %select_n3A_2015, %lt3A_2021 : i32
      %ne3A_2023 = arith.xori %lt3A_2020, %lt3A_2022 : i1
      %and3A_2024 = arith.andi %ne3A_2023, %ne3A_2018 : i1
      %add3A_2025 = arith.addi %rem3A_2016, %select_n3A_2015 : i32
      %select_n3A_2026 = arith.select %and3A_2024, %add3A_2025, %rem3A_2016 : i32
      %mul3A_2027 = arith.constant 64 : i32
      %mul3A_2028 = arith.muli %select_n3A_2026, %mul3A_2027 : i32
      %dma_start3A_2029 = tpu.memref_slice %arg5[%select_n3A_2010, %mul3A_2028] : memref<50x128xi32, #tpu.memory_space<vmem>> -> memref<1x64xi32, #tpu.memory_space<vmem>>
      %dma_start3A_2030 = tpu.memref_squeeze %dma_start3A_2029 : memref<1x64xi32, #tpu.memory_space<vmem>> -> memref<64xi32, #tpu.memory_space<vmem>>
      %dma_start3A_2031 = arith.constant 0 : i32
      %dma_start3A_2032 = arith.constant 0 : i32
      %dma_start3A_2033 = tpu.memref_slice %arg3[%dma_start3A_2031, %dma_start3A_2032] : memref<100000x128xf32, #tpu.memory_space<hbm>> -> memref<100000x128xf32, #tpu.memory_space<hbm>>
      tpu.enqueue_indirect_dma source(%dma_start3A_2033 : memref<100000x128xf32, #tpu.memory_space<hbm>>) target(%arg12 : memref<64x128xf32, #tpu.memory_space<vmem>>) offsets(%dma_start3A_2030 : memref<64xi32, #tpu.memory_space<vmem>>) semaphore(%arg22 : memref<!tpu.dma_semaphore, #tpu.memory_space<semaphore_mem>>)
      %mul3A_2034 = arith.constant 10 : i32
      %mul3A_2035 = arith.muli %add3A_329, %mul3A_2034 : i32
      %add3A_2036 = arith.constant 7 : i32
      %add3A_2037 = arith.addi %mul3A_2035, %add3A_2036 : i32
      %jit3A_2038 = arith.constant 2 : i32
      %div3A_2039 = arith.divsi %add3A_2037, %jit3A_2038 : i32
      %sign3A_2040 = arith.constant 0 : i32
      %sign3A_2041 = arith.cmpi sgt, %add3A_2037, %sign3A_2040 : i32
      %sign3A_2042 = arith.extui %sign3A_2041 : i1 to i32
      %sign3A_2043 = arith.constant 0 : i32
      %sign3A_2044 = arith.cmpi slt, %add3A_2037, %sign3A_2043 : i32
      %sign3A_2045 = arith.extui %sign3A_2044 : i1 to i32
      %sign3A_2046 = arith.subi %sign3A_2042, %sign3A_2045 : i32
      %sign3A_2047 = arith.constant 0 : i32
      %sign3A_2048 = arith.cmpi sgt, %jit3A_2038, %sign3A_2047 : i32
      %sign3A_2049 = arith.extui %sign3A_2048 : i1 to i32
      %sign3A_2050 = arith.constant 0 : i32
      %sign3A_2051 = arith.cmpi slt, %jit3A_2038, %sign3A_2050 : i32
      %sign3A_2052 = arith.extui %sign3A_2051 : i1 to i32
      %sign3A_2053 = arith.subi %sign3A_2049, %sign3A_2052 : i32
      %ne3A_2054 = arith.cmpi ne, %sign3A_2046, %sign3A_2053 : i32
      %rem3A_2055 = arith.remsi %add3A_2037, %jit3A_2038 : i32
      %ne3A_2056 = arith.constant 0 : i32
      %ne3A_2057 = arith.cmpi ne, %rem3A_2055, %ne3A_2056 : i32
      %and3A_2058 = arith.andi %ne3A_2054, %ne3A_2057 : i1
      %sub3A_2059 = arith.constant 1 : i32
      %sub3A_2060 = arith.subi %div3A_2039, %sub3A_2059 : i32
      %select_n3A_2061 = arith.select %and3A_2058, %sub3A_2060, %div3A_2039 : i32
      %jit3A_2062 = arith.constant 2 : i32
      %eq3A_2063 = arith.constant 0 : i32
      %eq3A_2064 = arith.cmpi eq, %jit3A_2062, %eq3A_2063 : i32
      %jit3A_2065 = arith.constant 1 : i32
      %select_n3A_2066 = arith.select %eq3A_2064, %jit3A_2065, %jit3A_2062 : i32
      %rem3A_2067 = arith.remsi %add3A_2037, %select_n3A_2066 : i32
      %ne3A_2068 = arith.constant 0 : i32
      %ne3A_2069 = arith.cmpi ne, %rem3A_2067, %ne3A_2068 : i32
      %lt3A_2070 = arith.constant 0 : i32
      %lt3A_2071 = arith.cmpi slt, %rem3A_2067, %lt3A_2070 : i32
      %lt3A_2072 = arith.constant 0 : i32
      %lt3A_2073 = arith.cmpi slt, %select_n3A_2066, %lt3A_2072 : i32
      %ne3A_2074 = arith.xori %lt3A_2071, %lt3A_2073 : i1
      %and3A_2075 = arith.andi %ne3A_2074, %ne3A_2069 : i1
      %add3A_2076 = arith.addi %rem3A_2067, %select_n3A_2066 : i32
      %select_n3A_2077 = arith.select %and3A_2075, %add3A_2076, %rem3A_2067 : i32
      %mul3A_2078 = arith.constant 64 : i32
      %mul3A_2079 = arith.muli %select_n3A_2077, %mul3A_2078 : i32
      %add3A_2080 = arith.addi %mul3A_2, %mul3A_2079 : i32
      %dma_wait3A_2081 = arith.constant 0 : i32
      %dma_wait3A_2082 = tpu.memref_slice %arg4[%select_n3A_2061, %add3A_2080, %dma_wait3A_2081] : memref<50x4096x128xf32, #tpu.memory_space<hbm>> -> memref<1x64x128xf32, #tpu.memory_space<hbm>>
      %dma_wait3A_2083 = tpu.memref_squeeze %dma_wait3A_2082 : memref<1x64x128xf32, #tpu.memory_space<hbm>> -> memref<64x128xf32, #tpu.memory_space<hbm>>
      %dma_wait3A_2084 = arith.constant 0 : i32
      %dma_wait3A_2085 = tpu.memref_slice %arg4[%select_n3A_2061, %add3A_2080, %dma_wait3A_2084] : memref<50x4096x128xf32, #tpu.memory_space<hbm>> -> memref<1x64x128xf32, #tpu.memory_space<hbm>>
      %dma_wait3A_2086 = tpu.memref_squeeze %dma_wait3A_2085 : memref<1x64x128xf32, #tpu.memory_space<hbm>> -> memref<64x128xf32, #tpu.memory_space<hbm>>
      tpu.wait_dma2 semaphore(%arg33 : memref<!tpu.dma_semaphore, #tpu.memory_space<semaphore_mem>>) src(%arg13 : memref<64x128xf32, #tpu.memory_space<vmem>>) dst(%dma_wait3A_2086 : memref<64x128xf32, #tpu.memory_space<hbm>>)
      %add3A_2087 = arith.constant 10 : i32
      %add3A_2088 = arith.addi %add3A_2037, %add3A_2087 : i32
      %jit3A_2089 = arith.constant 2 : i32
      %div3A_2090 = arith.divsi %add3A_2088, %jit3A_2089 : i32
      %sign3A_2091 = arith.constant 0 : i32
      %sign3A_2092 = arith.cmpi sgt, %add3A_2088, %sign3A_2091 : i32
      %sign3A_2093 = arith.extui %sign3A_2092 : i1 to i32
      %sign3A_2094 = arith.constant 0 : i32
      %sign3A_2095 = arith.cmpi slt, %add3A_2088, %sign3A_2094 : i32
      %sign3A_2096 = arith.extui %sign3A_2095 : i1 to i32
      %sign3A_2097 = arith.subi %sign3A_2093, %sign3A_2096 : i32
      %sign3A_2098 = arith.constant 0 : i32
      %sign3A_2099 = arith.cmpi sgt, %jit3A_2089, %sign3A_2098 : i32
      %sign3A_2100 = arith.extui %sign3A_2099 : i1 to i32
      %sign3A_2101 = arith.constant 0 : i32
      %sign3A_2102 = arith.cmpi slt, %jit3A_2089, %sign3A_2101 : i32
      %sign3A_2103 = arith.extui %sign3A_2102 : i1 to i32
      %sign3A_2104 = arith.subi %sign3A_2100, %sign3A_2103 : i32
      %ne3A_2105 = arith.cmpi ne, %sign3A_2097, %sign3A_2104 : i32
      %rem3A_2106 = arith.remsi %add3A_2088, %jit3A_2089 : i32
      %ne3A_2107 = arith.constant 0 : i32
      %ne3A_2108 = arith.cmpi ne, %rem3A_2106, %ne3A_2107 : i32
      %and3A_2109 = arith.andi %ne3A_2105, %ne3A_2108 : i1
      %sub3A_2110 = arith.constant 1 : i32
      %sub3A_2111 = arith.subi %div3A_2090, %sub3A_2110 : i32
      %select_n3A_2112 = arith.select %and3A_2109, %sub3A_2111, %div3A_2090 : i32
      %jit3A_2113 = arith.constant 2 : i32
      %eq3A_2114 = arith.constant 0 : i32
      %eq3A_2115 = arith.cmpi eq, %jit3A_2113, %eq3A_2114 : i32
      %jit3A_2116 = arith.constant 1 : i32
      %select_n3A_2117 = arith.select %eq3A_2115, %jit3A_2116, %jit3A_2113 : i32
      %rem3A_2118 = arith.remsi %add3A_2088, %select_n3A_2117 : i32
      %ne3A_2119 = arith.constant 0 : i32
      %ne3A_2120 = arith.cmpi ne, %rem3A_2118, %ne3A_2119 : i32
      %lt3A_2121 = arith.constant 0 : i32
      %lt3A_2122 = arith.cmpi slt, %rem3A_2118, %lt3A_2121 : i32
      %lt3A_2123 = arith.constant 0 : i32
      %lt3A_2124 = arith.cmpi slt, %select_n3A_2117, %lt3A_2123 : i32
      %ne3A_2125 = arith.xori %lt3A_2122, %lt3A_2124 : i1
      %and3A_2126 = arith.andi %ne3A_2125, %ne3A_2120 : i1
      %add3A_2127 = arith.addi %rem3A_2118, %select_n3A_2117 : i32
      %select_n3A_2128 = arith.select %and3A_2126, %add3A_2127, %rem3A_2118 : i32
      %mul3A_2129 = arith.constant 64 : i32
      %mul3A_2130 = arith.muli %select_n3A_2128, %mul3A_2129 : i32
      %dma_start3A_2131 = tpu.memref_slice %arg5[%select_n3A_2112, %mul3A_2130] : memref<50x128xi32, #tpu.memory_space<vmem>> -> memref<1x64xi32, #tpu.memory_space<vmem>>
      %dma_start3A_2132 = tpu.memref_squeeze %dma_start3A_2131 : memref<1x64xi32, #tpu.memory_space<vmem>> -> memref<64xi32, #tpu.memory_space<vmem>>
      %dma_start3A_2133 = arith.constant 0 : i32
      %dma_start3A_2134 = arith.constant 0 : i32
      %dma_start3A_2135 = tpu.memref_slice %arg3[%dma_start3A_2133, %dma_start3A_2134] : memref<100000x128xf32, #tpu.memory_space<hbm>> -> memref<100000x128xf32, #tpu.memory_space<hbm>>
      tpu.enqueue_indirect_dma source(%dma_start3A_2135 : memref<100000x128xf32, #tpu.memory_space<hbm>>) target(%arg13 : memref<64x128xf32, #tpu.memory_space<vmem>>) offsets(%dma_start3A_2132 : memref<64xi32, #tpu.memory_space<vmem>>) semaphore(%arg23 : memref<!tpu.dma_semaphore, #tpu.memory_space<semaphore_mem>>)
      %mul3A_2136 = arith.constant 10 : i32
      %mul3A_2137 = arith.muli %add3A_329, %mul3A_2136 : i32
      %add3A_2138 = arith.constant 8 : i32
      %add3A_2139 = arith.addi %mul3A_2137, %add3A_2138 : i32
      %jit3A_2140 = arith.constant 2 : i32
      %div3A_2141 = arith.divsi %add3A_2139, %jit3A_2140 : i32
      %sign3A_2142 = arith.constant 0 : i32
      %sign3A_2143 = arith.cmpi sgt, %add3A_2139, %sign3A_2142 : i32
      %sign3A_2144 = arith.extui %sign3A_2143 : i1 to i32
      %sign3A_2145 = arith.constant 0 : i32
      %sign3A_2146 = arith.cmpi slt, %add3A_2139, %sign3A_2145 : i32
      %sign3A_2147 = arith.extui %sign3A_2146 : i1 to i32
      %sign3A_2148 = arith.subi %sign3A_2144, %sign3A_2147 : i32
      %sign3A_2149 = arith.constant 0 : i32
      %sign3A_2150 = arith.cmpi sgt, %jit3A_2140, %sign3A_2149 : i32
      %sign3A_2151 = arith.extui %sign3A_2150 : i1 to i32
      %sign3A_2152 = arith.constant 0 : i32
      %sign3A_2153 = arith.cmpi slt, %jit3A_2140, %sign3A_2152 : i32
      %sign3A_2154 = arith.extui %sign3A_2153 : i1 to i32
      %sign3A_2155 = arith.subi %sign3A_2151, %sign3A_2154 : i32
      %ne3A_2156 = arith.cmpi ne, %sign3A_2148, %sign3A_2155 : i32
      %rem3A_2157 = arith.remsi %add3A_2139, %jit3A_2140 : i32
      %ne3A_2158 = arith.constant 0 : i32
      %ne3A_2159 = arith.cmpi ne, %rem3A_2157, %ne3A_2158 : i32
      %and3A_2160 = arith.andi %ne3A_2156, %ne3A_2159 : i1
      %sub3A_2161 = arith.constant 1 : i32
      %sub3A_2162 = arith.subi %div3A_2141, %sub3A_2161 : i32
      %select_n3A_2163 = arith.select %and3A_2160, %sub3A_2162, %div3A_2141 : i32
      %jit3A_2164 = arith.constant 2 : i32
      %eq3A_2165 = arith.constant 0 : i32
      %eq3A_2166 = arith.cmpi eq, %jit3A_2164, %eq3A_2165 : i32
      %jit3A_2167 = arith.constant 1 : i32
      %select_n3A_2168 = arith.select %eq3A_2166, %jit3A_2167, %jit3A_2164 : i32
      %rem3A_2169 = arith.remsi %add3A_2139, %select_n3A_2168 : i32
      %ne3A_2170 = arith.constant 0 : i32
      %ne3A_2171 = arith.cmpi ne, %rem3A_2169, %ne3A_2170 : i32
      %lt3A_2172 = arith.constant 0 : i32
      %lt3A_2173 = arith.cmpi slt, %rem3A_2169, %lt3A_2172 : i32
      %lt3A_2174 = arith.constant 0 : i32
      %lt3A_2175 = arith.cmpi slt, %select_n3A_2168, %lt3A_2174 : i32
      %ne3A_2176 = arith.xori %lt3A_2173, %lt3A_2175 : i1
      %and3A_2177 = arith.andi %ne3A_2176, %ne3A_2171 : i1
      %add3A_2178 = arith.addi %rem3A_2169, %select_n3A_2168 : i32
      %select_n3A_2179 = arith.select %and3A_2177, %add3A_2178, %rem3A_2169 : i32
      %mul3A_2180 = arith.constant 64 : i32
      %mul3A_2181 = arith.muli %select_n3A_2179, %mul3A_2180 : i32
      %add3A_2182 = arith.addi %mul3A_2, %mul3A_2181 : i32
      %dma_wait3A_2183 = arith.constant 0 : i32
      %dma_wait3A_2184 = tpu.memref_slice %arg4[%select_n3A_2163, %add3A_2182, %dma_wait3A_2183] : memref<50x4096x128xf32, #tpu.memory_space<hbm>> -> memref<1x64x128xf32, #tpu.memory_space<hbm>>
      %dma_wait3A_2185 = tpu.memref_squeeze %dma_wait3A_2184 : memref<1x64x128xf32, #tpu.memory_space<hbm>> -> memref<64x128xf32, #tpu.memory_space<hbm>>
      %dma_wait3A_2186 = arith.constant 0 : i32
      %dma_wait3A_2187 = tpu.memref_slice %arg4[%select_n3A_2163, %add3A_2182, %dma_wait3A_2186] : memref<50x4096x128xf32, #tpu.memory_space<hbm>> -> memref<1x64x128xf32, #tpu.memory_space<hbm>>
      %dma_wait3A_2188 = tpu.memref_squeeze %dma_wait3A_2187 : memref<1x64x128xf32, #tpu.memory_space<hbm>> -> memref<64x128xf32, #tpu.memory_space<hbm>>
      tpu.wait_dma2 semaphore(%arg34 : memref<!tpu.dma_semaphore, #tpu.memory_space<semaphore_mem>>) src(%arg14 : memref<64x128xf32, #tpu.memory_space<vmem>>) dst(%dma_wait3A_2188 : memref<64x128xf32, #tpu.memory_space<hbm>>)
      %add3A_2189 = arith.constant 10 : i32
      %add3A_2190 = arith.addi %add3A_2139, %add3A_2189 : i32
      %jit3A_2191 = arith.constant 2 : i32
      %div3A_2192 = arith.divsi %add3A_2190, %jit3A_2191 : i32
      %sign3A_2193 = arith.constant 0 : i32
      %sign3A_2194 = arith.cmpi sgt, %add3A_2190, %sign3A_2193 : i32
      %sign3A_2195 = arith.extui %sign3A_2194 : i1 to i32
      %sign3A_2196 = arith.constant 0 : i32
      %sign3A_2197 = arith.cmpi slt, %add3A_2190, %sign3A_2196 : i32
      %sign3A_2198 = arith.extui %sign3A_2197 : i1 to i32
      %sign3A_2199 = arith.subi %sign3A_2195, %sign3A_2198 : i32
      %sign3A_2200 = arith.constant 0 : i32
      %sign3A_2201 = arith.cmpi sgt, %jit3A_2191, %sign3A_2200 : i32
      %sign3A_2202 = arith.extui %sign3A_2201 : i1 to i32
      %sign3A_2203 = arith.constant 0 : i32
      %sign3A_2204 = arith.cmpi slt, %jit3A_2191, %sign3A_2203 : i32
      %sign3A_2205 = arith.extui %sign3A_2204 : i1 to i32
      %sign3A_2206 = arith.subi %sign3A_2202, %sign3A_2205 : i32
      %ne3A_2207 = arith.cmpi ne, %sign3A_2199, %sign3A_2206 : i32
      %rem3A_2208 = arith.remsi %add3A_2190, %jit3A_2191 : i32
      %ne3A_2209 = arith.constant 0 : i32
      %ne3A_2210 = arith.cmpi ne, %rem3A_2208, %ne3A_2209 : i32
      %and3A_2211 = arith.andi %ne3A_2207, %ne3A_2210 : i1
      %sub3A_2212 = arith.constant 1 : i32
      %sub3A_2213 = arith.subi %div3A_2192, %sub3A_2212 : i32
      %select_n3A_2214 = arith.select %and3A_2211, %sub3A_2213, %div3A_2192 : i32
      %jit3A_2215 = arith.constant 2 : i32
      %eq3A_2216 = arith.constant 0 : i32
      %eq3A_2217 = arith.cmpi eq, %jit3A_2215, %eq3A_2216 : i32
      %jit3A_2218 = arith.constant 1 : i32
      %select_n3A_2219 = arith.select %eq3A_2217, %jit3A_2218, %jit3A_2215 : i32
      %rem3A_2220 = arith.remsi %add3A_2190, %select_n3A_2219 : i32
      %ne3A_2221 = arith.constant 0 : i32
      %ne3A_2222 = arith.cmpi ne, %rem3A_2220, %ne3A_2221 : i32
      %lt3A_2223 = arith.constant 0 : i32
      %lt3A_2224 = arith.cmpi slt, %rem3A_2220, %lt3A_2223 : i32
      %lt3A_2225 = arith.constant 0 : i32
      %lt3A_2226 = arith.cmpi slt, %select_n3A_2219, %lt3A_2225 : i32
      %ne3A_2227 = arith.xori %lt3A_2224, %lt3A_2226 : i1
      %and3A_2228 = arith.andi %ne3A_2227, %ne3A_2222 : i1
      %add3A_2229 = arith.addi %rem3A_2220, %select_n3A_2219 : i32
      %select_n3A_2230 = arith.select %and3A_2228, %add3A_2229, %rem3A_2220 : i32
      %mul3A_2231 = arith.constant 64 : i32
      %mul3A_2232 = arith.muli %select_n3A_2230, %mul3A_2231 : i32
      %dma_start3A_2233 = tpu.memref_slice %arg5[%select_n3A_2214, %mul3A_2232] : memref<50x128xi32, #tpu.memory_space<vmem>> -> memref<1x64xi32, #tpu.memory_space<vmem>>
      %dma_start3A_2234 = tpu.memref_squeeze %dma_start3A_2233 : memref<1x64xi32, #tpu.memory_space<vmem>> -> memref<64xi32, #tpu.memory_space<vmem>>
      %dma_start3A_2235 = arith.constant 0 : i32
      %dma_start3A_2236 = arith.constant 0 : i32
      %dma_start3A_2237 = tpu.memref_slice %arg3[%dma_start3A_2235, %dma_start3A_2236] : memref<100000x128xf32, #tpu.memory_space<hbm>> -> memref<100000x128xf32, #tpu.memory_space<hbm>>
      tpu.enqueue_indirect_dma source(%dma_start3A_2237 : memref<100000x128xf32, #tpu.memory_space<hbm>>) target(%arg14 : memref<64x128xf32, #tpu.memory_space<vmem>>) offsets(%dma_start3A_2234 : memref<64xi32, #tpu.memory_space<vmem>>) semaphore(%arg24 : memref<!tpu.dma_semaphore, #tpu.memory_space<semaphore_mem>>)
      %mul3A_2238 = arith.constant 10 : i32
      %mul3A_2239 = arith.muli %add3A_329, %mul3A_2238 : i32
      %add3A_2240 = arith.constant 9 : i32
      %add3A_2241 = arith.addi %mul3A_2239, %add3A_2240 : i32
      %jit3A_2242 = arith.constant 2 : i32
      %div3A_2243 = arith.divsi %add3A_2241, %jit3A_2242 : i32
      %sign3A_2244 = arith.constant 0 : i32
      %sign3A_2245 = arith.cmpi sgt, %add3A_2241, %sign3A_2244 : i32
      %sign3A_2246 = arith.extui %sign3A_2245 : i1 to i32
      %sign3A_2247 = arith.constant 0 : i32
      %sign3A_2248 = arith.cmpi slt, %add3A_2241, %sign3A_2247 : i32
      %sign3A_2249 = arith.extui %sign3A_2248 : i1 to i32
      %sign3A_2250 = arith.subi %sign3A_2246, %sign3A_2249 : i32
      %sign3A_2251 = arith.constant 0 : i32
      %sign3A_2252 = arith.cmpi sgt, %jit3A_2242, %sign3A_2251 : i32
      %sign3A_2253 = arith.extui %sign3A_2252 : i1 to i32
      %sign3A_2254 = arith.constant 0 : i32
      %sign3A_2255 = arith.cmpi slt, %jit3A_2242, %sign3A_2254 : i32
      %sign3A_2256 = arith.extui %sign3A_2255 : i1 to i32
      %sign3A_2257 = arith.subi %sign3A_2253, %sign3A_2256 : i32
      %ne3A_2258 = arith.cmpi ne, %sign3A_2250, %sign3A_2257 : i32
      %rem3A_2259 = arith.remsi %add3A_2241, %jit3A_2242 : i32
      %ne3A_2260 = arith.constant 0 : i32
      %ne3A_2261 = arith.cmpi ne, %rem3A_2259, %ne3A_2260 : i32
      %and3A_2262 = arith.andi %ne3A_2258, %ne3A_2261 : i1
      %sub3A_2263 = arith.constant 1 : i32
      %sub3A_2264 = arith.subi %div3A_2243, %sub3A_2263 : i32
      %select_n3A_2265 = arith.select %and3A_2262, %sub3A_2264, %div3A_2243 : i32
      %jit3A_2266 = arith.constant 2 : i32
      %eq3A_2267 = arith.constant 0 : i32
      %eq3A_2268 = arith.cmpi eq, %jit3A_2266, %eq3A_2267 : i32
      %jit3A_2269 = arith.constant 1 : i32
      %select_n3A_2270 = arith.select %eq3A_2268, %jit3A_2269, %jit3A_2266 : i32
      %rem3A_2271 = arith.remsi %add3A_2241, %select_n3A_2270 : i32
      %ne3A_2272 = arith.constant 0 : i32
      %ne3A_2273 = arith.cmpi ne, %rem3A_2271, %ne3A_2272 : i32
      %lt3A_2274 = arith.constant 0 : i32
      %lt3A_2275 = arith.cmpi slt, %rem3A_2271, %lt3A_2274 : i32
      %lt3A_2276 = arith.constant 0 : i32
      %lt3A_2277 = arith.cmpi slt, %select_n3A_2270, %lt3A_2276 : i32
      %ne3A_2278 = arith.xori %lt3A_2275, %lt3A_2277 : i1
      %and3A_2279 = arith.andi %ne3A_2278, %ne3A_2273 : i1
      %add3A_2280 = arith.addi %rem3A_2271, %select_n3A_2270 : i32
      %select_n3A_2281 = arith.select %and3A_2279, %add3A_2280, %rem3A_2271 : i32
      %mul3A_2282 = arith.constant 64 : i32
      %mul3A_2283 = arith.muli %select_n3A_2281, %mul3A_2282 : i32
      %add3A_2284 = arith.addi %mul3A_2, %mul3A_2283 : i32
      %dma_wait3A_2285 = arith.constant 0 : i32
      %dma_wait3A_2286 = tpu.memref_slice %arg4[%select_n3A_2265, %add3A_2284, %dma_wait3A_2285] : memref<50x4096x128xf32, #tpu.memory_space<hbm>> -> memref<1x64x128xf32, #tpu.memory_space<hbm>>
      %dma_wait3A_2287 = tpu.memref_squeeze %dma_wait3A_2286 : memref<1x64x128xf32, #tpu.memory_space<hbm>> -> memref<64x128xf32, #tpu.memory_space<hbm>>
      %dma_wait3A_2288 = arith.constant 0 : i32
      %dma_wait3A_2289 = tpu.memref_slice %arg4[%select_n3A_2265, %add3A_2284, %dma_wait3A_2288] : memref<50x4096x128xf32, #tpu.memory_space<hbm>> -> memref<1x64x128xf32, #tpu.memory_space<hbm>>
      %dma_wait3A_2290 = tpu.memref_squeeze %dma_wait3A_2289 : memref<1x64x128xf32, #tpu.memory_space<hbm>> -> memref<64x128xf32, #tpu.memory_space<hbm>>
      tpu.wait_dma2 semaphore(%arg35 : memref<!tpu.dma_semaphore, #tpu.memory_space<semaphore_mem>>) src(%arg15 : memref<64x128xf32, #tpu.memory_space<vmem>>) dst(%dma_wait3A_2290 : memref<64x128xf32, #tpu.memory_space<hbm>>)
      %add3A_2291 = arith.constant 10 : i32
      %add3A_2292 = arith.addi %add3A_2241, %add3A_2291 : i32
      %jit3A_2293 = arith.constant 2 : i32
      %div3A_2294 = arith.divsi %add3A_2292, %jit3A_2293 : i32
      %sign3A_2295 = arith.constant 0 : i32
      %sign3A_2296 = arith.cmpi sgt, %add3A_2292, %sign3A_2295 : i32
      %sign3A_2297 = arith.extui %sign3A_2296 : i1 to i32
      %sign3A_2298 = arith.constant 0 : i32
      %sign3A_2299 = arith.cmpi slt, %add3A_2292, %sign3A_2298 : i32
      %sign3A_2300 = arith.extui %sign3A_2299 : i1 to i32
      %sign3A_2301 = arith.subi %sign3A_2297, %sign3A_2300 : i32
      %sign3A_2302 = arith.constant 0 : i32
      %sign3A_2303 = arith.cmpi sgt, %jit3A_2293, %sign3A_2302 : i32
      %sign3A_2304 = arith.extui %sign3A_2303 : i1 to i32
      %sign3A_2305 = arith.constant 0 : i32
      %sign3A_2306 = arith.cmpi slt, %jit3A_2293, %sign3A_2305 : i32
      %sign3A_2307 = arith.extui %sign3A_2306 : i1 to i32
      %sign3A_2308 = arith.subi %sign3A_2304, %sign3A_2307 : i32
      %ne3A_2309 = arith.cmpi ne, %sign3A_2301, %sign3A_2308 : i32
      %rem3A_2310 = arith.remsi %add3A_2292, %jit3A_2293 : i32
      %ne3A_2311 = arith.constant 0 : i32
      %ne3A_2312 = arith.cmpi ne, %rem3A_2310, %ne3A_2311 : i32
      %and3A_2313 = arith.andi %ne3A_2309, %ne3A_2312 : i1
      %sub3A_2314 = arith.constant 1 : i32
      %sub3A_2315 = arith.subi %div3A_2294, %sub3A_2314 : i32
      %select_n3A_2316 = arith.select %and3A_2313, %sub3A_2315, %div3A_2294 : i32
      %jit3A_2317 = arith.constant 2 : i32
      %eq3A_2318 = arith.constant 0 : i32
      %eq3A_2319 = arith.cmpi eq, %jit3A_2317, %eq3A_2318 : i32
      %jit3A_2320 = arith.constant 1 : i32
      %select_n3A_2321 = arith.select %eq3A_2319, %jit3A_2320, %jit3A_2317 : i32
      %rem3A_2322 = arith.remsi %add3A_2292, %select_n3A_2321 : i32
      %ne3A_2323 = arith.constant 0 : i32
      %ne3A_2324 = arith.cmpi ne, %rem3A_2322, %ne3A_2323 : i32
      %lt3A_2325 = arith.constant 0 : i32
      %lt3A_2326 = arith.cmpi slt, %rem3A_2322, %lt3A_2325 : i32
      %lt3A_2327 = arith.constant 0 : i32
      %lt3A_2328 = arith.cmpi slt, %select_n3A_2321, %lt3A_2327 : i32
      %ne3A_2329 = arith.xori %lt3A_2326, %lt3A_2328 : i1
      %and3A_2330 = arith.andi %ne3A_2329, %ne3A_2324 : i1
      %add3A_2331 = arith.addi %rem3A_2322, %select_n3A_2321 : i32
      %select_n3A_2332 = arith.select %and3A_2330, %add3A_2331, %rem3A_2322 : i32
      %mul3A_2333 = arith.constant 64 : i32
      %mul3A_2334 = arith.muli %select_n3A_2332, %mul3A_2333 : i32
      %dma_start3A_2335 = tpu.memref_slice %arg5[%select_n3A_2316, %mul3A_2334] : memref<50x128xi32, #tpu.memory_space<vmem>> -> memref<1x64xi32, #tpu.memory_space<vmem>>
      %dma_start3A_2336 = tpu.memref_squeeze %dma_start3A_2335 : memref<1x64xi32, #tpu.memory_space<vmem>> -> memref<64xi32, #tpu.memory_space<vmem>>
      %dma_start3A_2337 = arith.constant 0 : i32
      %dma_start3A_2338 = arith.constant 0 : i32
      %dma_start3A_2339 = tpu.memref_slice %arg3[%dma_start3A_2337, %dma_start3A_2338] : memref<100000x128xf32, #tpu.memory_space<hbm>> -> memref<100000x128xf32, #tpu.memory_space<hbm>>
      tpu.enqueue_indirect_dma source(%dma_start3A_2339 : memref<100000x128xf32, #tpu.memory_space<hbm>>) target(%arg15 : memref<64x128xf32, #tpu.memory_space<vmem>>) offsets(%dma_start3A_2336 : memref<64xi32, #tpu.memory_space<vmem>>) semaphore(%arg25 : memref<!tpu.dma_semaphore, #tpu.memory_space<semaphore_mem>>)
    }
    %scan3A_75 = arith.constant 9 : i32
    %dma_wait3A = arith.constant 45 : i32
    %dma_wait3A_76 = arith.constant 0 : i32
    %dma_wait3A_77 = tpu.memref_slice %arg5[%dma_wait3A, %dma_wait3A_76] : memref<50x128xi32, #tpu.memory_space<vmem>> -> memref<1x64xi32, #tpu.memory_space<vmem>>
    %dma_wait3A_78 = tpu.memref_squeeze %dma_wait3A_77 : memref<1x64xi32, #tpu.memory_space<vmem>> -> memref<64xi32, #tpu.memory_space<vmem>>
    %dma_wait3A_79 = arith.constant 0 : i32
    %dma_wait3A_80 = arith.constant 0 : i32
    %dma_wait3A_81 = tpu.memref_slice %arg3[%dma_wait3A_79, %dma_wait3A_80] : memref<100000x128xf32, #tpu.memory_space<hbm>> -> memref<100000x128xf32, #tpu.memory_space<hbm>>
    tpu.wait_indirect_dma semaphore(%arg16 : memref<!tpu.dma_semaphore, #tpu.memory_space<semaphore_mem>>) src(%dma_wait3A_81 : memref<100000x128xf32, #tpu.memory_space<hbm>>) dst(%arg6 : memref<64x128xf32, #tpu.memory_space<vmem>>)
    %add3A_82 = arith.constant 0 : i32
    %add3A_83 = arith.addi %mul3A_2, %add3A_82 : i32
    %dma_start3A_84 = arith.constant 45 : i32
    %dma_start3A_85 = arith.constant 0 : i32
    %dma_start3A_86 = tpu.memref_slice %arg4[%dma_start3A_84, %add3A_83, %dma_start3A_85] : memref<50x4096x128xf32, #tpu.memory_space<hbm>> -> memref<1x64x128xf32, #tpu.memory_space<hbm>>
    %dma_start3A_87 = tpu.memref_squeeze %dma_start3A_86 : memref<1x64x128xf32, #tpu.memory_space<hbm>> -> memref<64x128xf32, #tpu.memory_space<hbm>>
    %dma_start3A_88 = arith.constant 0 : i32
    %dma_start3A_89 = tpu.memref_slice %arg4[%dma_start3A_84, %add3A_83, %dma_start3A_88] : memref<50x4096x128xf32, #tpu.memory_space<hbm>> -> memref<1x64x128xf32, #tpu.memory_space<hbm>>
    %dma_start3A_90 = tpu.memref_squeeze %dma_start3A_89 : memref<1x64x128xf32, #tpu.memory_space<hbm>> -> memref<64x128xf32, #tpu.memory_space<hbm>>
    tpu.enqueue_dma source(%arg6 : memref<64x128xf32, #tpu.memory_space<vmem>>) target(%dma_start3A_90 : memref<64x128xf32, #tpu.memory_space<hbm>>) target_semaphore(%arg26 : memref<!tpu.dma_semaphore, #tpu.memory_space<semaphore_mem>>)
    %dma_wait3A_91 = arith.constant 45 : i32
    %dma_wait3A_92 = arith.constant 64 : i32
    %dma_wait3A_93 = tpu.memref_slice %arg5[%dma_wait3A_91, %dma_wait3A_92] : memref<50x128xi32, #tpu.memory_space<vmem>> -> memref<1x64xi32, #tpu.memory_space<vmem>>
    %dma_wait3A_94 = tpu.memref_squeeze %dma_wait3A_93 : memref<1x64xi32, #tpu.memory_space<vmem>> -> memref<64xi32, #tpu.memory_space<vmem>>
    %dma_wait3A_95 = arith.constant 0 : i32
    %dma_wait3A_96 = arith.constant 0 : i32
    %dma_wait3A_97 = tpu.memref_slice %arg3[%dma_wait3A_95, %dma_wait3A_96] : memref<100000x128xf32, #tpu.memory_space<hbm>> -> memref<100000x128xf32, #tpu.memory_space<hbm>>
    tpu.wait_indirect_dma semaphore(%arg17 : memref<!tpu.dma_semaphore, #tpu.memory_space<semaphore_mem>>) src(%dma_wait3A_97 : memref<100000x128xf32, #tpu.memory_space<hbm>>) dst(%arg7 : memref<64x128xf32, #tpu.memory_space<vmem>>)
    %add3A_98 = arith.constant 64 : i32
    %add3A_99 = arith.addi %mul3A_2, %add3A_98 : i32
    %dma_start3A_100 = arith.constant 45 : i32
    %dma_start3A_101 = arith.constant 0 : i32
    %dma_start3A_102 = tpu.memref_slice %arg4[%dma_start3A_100, %add3A_99, %dma_start3A_101] : memref<50x4096x128xf32, #tpu.memory_space<hbm>> -> memref<1x64x128xf32, #tpu.memory_space<hbm>>
    %dma_start3A_103 = tpu.memref_squeeze %dma_start3A_102 : memref<1x64x128xf32, #tpu.memory_space<hbm>> -> memref<64x128xf32, #tpu.memory_space<hbm>>
    %dma_start3A_104 = arith.constant 0 : i32
    %dma_start3A_105 = tpu.memref_slice %arg4[%dma_start3A_100, %add3A_99, %dma_start3A_104] : memref<50x4096x128xf32, #tpu.memory_space<hbm>> -> memref<1x64x128xf32, #tpu.memory_space<hbm>>
    %dma_start3A_106 = tpu.memref_squeeze %dma_start3A_105 : memref<1x64x128xf32, #tpu.memory_space<hbm>> -> memref<64x128xf32, #tpu.memory_space<hbm>>
    tpu.enqueue_dma source(%arg7 : memref<64x128xf32, #tpu.memory_space<vmem>>) target(%dma_start3A_106 : memref<64x128xf32, #tpu.memory_space<hbm>>) target_semaphore(%arg27 : memref<!tpu.dma_semaphore, #tpu.memory_space<semaphore_mem>>)
    %dma_wait3A_107 = arith.constant 46 : i32
    %dma_wait3A_108 = arith.constant 0 : i32
    %dma_wait3A_109 = tpu.memref_slice %arg5[%dma_wait3A_107, %dma_wait3A_108] : memref<50x128xi32, #tpu.memory_space<vmem>> -> memref<1x64xi32, #tpu.memory_space<vmem>>
    %dma_wait3A_110 = tpu.memref_squeeze %dma_wait3A_109 : memref<1x64xi32, #tpu.memory_space<vmem>> -> memref<64xi32, #tpu.memory_space<vmem>>
    %dma_wait3A_111 = arith.constant 0 : i32
    %dma_wait3A_112 = arith.constant 0 : i32
    %dma_wait3A_113 = tpu.memref_slice %arg3[%dma_wait3A_111, %dma_wait3A_112] : memref<100000x128xf32, #tpu.memory_space<hbm>> -> memref<100000x128xf32, #tpu.memory_space<hbm>>
    tpu.wait_indirect_dma semaphore(%arg18 : memref<!tpu.dma_semaphore, #tpu.memory_space<semaphore_mem>>) src(%dma_wait3A_113 : memref<100000x128xf32, #tpu.memory_space<hbm>>) dst(%arg8 : memref<64x128xf32, #tpu.memory_space<vmem>>)
    %add3A_114 = arith.constant 0 : i32
    %add3A_115 = arith.addi %mul3A_2, %add3A_114 : i32
    %dma_start3A_116 = arith.constant 46 : i32
    %dma_start3A_117 = arith.constant 0 : i32
    %dma_start3A_118 = tpu.memref_slice %arg4[%dma_start3A_116, %add3A_115, %dma_start3A_117] : memref<50x4096x128xf32, #tpu.memory_space<hbm>> -> memref<1x64x128xf32, #tpu.memory_space<hbm>>
    %dma_start3A_119 = tpu.memref_squeeze %dma_start3A_118 : memref<1x64x128xf32, #tpu.memory_space<hbm>> -> memref<64x128xf32, #tpu.memory_space<hbm>>
    %dma_start3A_120 = arith.constant 0 : i32
    %dma_start3A_121 = tpu.memref_slice %arg4[%dma_start3A_116, %add3A_115, %dma_start3A_120] : memref<50x4096x128xf32, #tpu.memory_space<hbm>> -> memref<1x64x128xf32, #tpu.memory_space<hbm>>
    %dma_start3A_122 = tpu.memref_squeeze %dma_start3A_121 : memref<1x64x128xf32, #tpu.memory_space<hbm>> -> memref<64x128xf32, #tpu.memory_space<hbm>>
    tpu.enqueue_dma source(%arg8 : memref<64x128xf32, #tpu.memory_space<vmem>>) target(%dma_start3A_122 : memref<64x128xf32, #tpu.memory_space<hbm>>) target_semaphore(%arg28 : memref<!tpu.dma_semaphore, #tpu.memory_space<semaphore_mem>>)
    %dma_wait3A_123 = arith.constant 46 : i32
    %dma_wait3A_124 = arith.constant 64 : i32
    %dma_wait3A_125 = tpu.memref_slice %arg5[%dma_wait3A_123, %dma_wait3A_124] : memref<50x128xi32, #tpu.memory_space<vmem>> -> memref<1x64xi32, #tpu.memory_space<vmem>>
    %dma_wait3A_126 = tpu.memref_squeeze %dma_wait3A_125 : memref<1x64xi32, #tpu.memory_space<vmem>> -> memref<64xi32, #tpu.memory_space<vmem>>
    %dma_wait3A_127 = arith.constant 0 : i32
    %dma_wait3A_128 = arith.constant 0 : i32
    %dma_wait3A_129 = tpu.memref_slice %arg3[%dma_wait3A_127, %dma_wait3A_128] : memref<100000x128xf32, #tpu.memory_space<hbm>> -> memref<100000x128xf32, #tpu.memory_space<hbm>>
    tpu.wait_indirect_dma semaphore(%arg19 : memref<!tpu.dma_semaphore, #tpu.memory_space<semaphore_mem>>) src(%dma_wait3A_129 : memref<100000x128xf32, #tpu.memory_space<hbm>>) dst(%arg9 : memref<64x128xf32, #tpu.memory_space<vmem>>)
    %add3A_130 = arith.constant 64 : i32
    %add3A_131 = arith.addi %mul3A_2, %add3A_130 : i32
    %dma_start3A_132 = arith.constant 46 : i32
    %dma_start3A_133 = arith.constant 0 : i32
    %dma_start3A_134 = tpu.memref_slice %arg4[%dma_start3A_132, %add3A_131, %dma_start3A_133] : memref<50x4096x128xf32, #tpu.memory_space<hbm>> -> memref<1x64x128xf32, #tpu.memory_space<hbm>>
    %dma_start3A_135 = tpu.memref_squeeze %dma_start3A_134 : memref<1x64x128xf32, #tpu.memory_space<hbm>> -> memref<64x128xf32, #tpu.memory_space<hbm>>
    %dma_start3A_136 = arith.constant 0 : i32
    %dma_start3A_137 = tpu.memref_slice %arg4[%dma_start3A_132, %add3A_131, %dma_start3A_136] : memref<50x4096x128xf32, #tpu.memory_space<hbm>> -> memref<1x64x128xf32, #tpu.memory_space<hbm>>
    %dma_start3A_138 = tpu.memref_squeeze %dma_start3A_137 : memref<1x64x128xf32, #tpu.memory_space<hbm>> -> memref<64x128xf32, #tpu.memory_space<hbm>>
    tpu.enqueue_dma source(%arg9 : memref<64x128xf32, #tpu.memory_space<vmem>>) target(%dma_start3A_138 : memref<64x128xf32, #tpu.memory_space<hbm>>) target_semaphore(%arg29 : memref<!tpu.dma_semaphore, #tpu.memory_space<semaphore_mem>>)
    %dma_wait3A_139 = arith.constant 47 : i32
    %dma_wait3A_140 = arith.constant 0 : i32
    %dma_wait3A_141 = tpu.memref_slice %arg5[%dma_wait3A_139, %dma_wait3A_140] : memref<50x128xi32, #tpu.memory_space<vmem>> -> memref<1x64xi32, #tpu.memory_space<vmem>>
    %dma_wait3A_142 = tpu.memref_squeeze %dma_wait3A_141 : memref<1x64xi32, #tpu.memory_space<vmem>> -> memref<64xi32, #tpu.memory_space<vmem>>
    %dma_wait3A_143 = arith.constant 0 : i32
    %dma_wait3A_144 = arith.constant 0 : i32
    %dma_wait3A_145 = tpu.memref_slice %arg3[%dma_wait3A_143, %dma_wait3A_144] : memref<100000x128xf32, #tpu.memory_space<hbm>> -> memref<100000x128xf32, #tpu.memory_space<hbm>>
    tpu.wait_indirect_dma semaphore(%arg20 : memref<!tpu.dma_semaphore, #tpu.memory_space<semaphore_mem>>) src(%dma_wait3A_145 : memref<100000x128xf32, #tpu.memory_space<hbm>>) dst(%arg10 : memref<64x128xf32, #tpu.memory_space<vmem>>)
    %add3A_146 = arith.constant 0 : i32
    %add3A_147 = arith.addi %mul3A_2, %add3A_146 : i32
    %dma_start3A_148 = arith.constant 47 : i32
    %dma_start3A_149 = arith.constant 0 : i32
    %dma_start3A_150 = tpu.memref_slice %arg4[%dma_start3A_148, %add3A_147, %dma_start3A_149] : memref<50x4096x128xf32, #tpu.memory_space<hbm>> -> memref<1x64x128xf32, #tpu.memory_space<hbm>>
    %dma_start3A_151 = tpu.memref_squeeze %dma_start3A_150 : memref<1x64x128xf32, #tpu.memory_space<hbm>> -> memref<64x128xf32, #tpu.memory_space<hbm>>
    %dma_start3A_152 = arith.constant 0 : i32
    %dma_start3A_153 = tpu.memref_slice %arg4[%dma_start3A_148, %add3A_147, %dma_start3A_152] : memref<50x4096x128xf32, #tpu.memory_space<hbm>> -> memref<1x64x128xf32, #tpu.memory_space<hbm>>
    %dma_start3A_154 = tpu.memref_squeeze %dma_start3A_153 : memref<1x64x128xf32, #tpu.memory_space<hbm>> -> memref<64x128xf32, #tpu.memory_space<hbm>>
    tpu.enqueue_dma source(%arg10 : memref<64x128xf32, #tpu.memory_space<vmem>>) target(%dma_start3A_154 : memref<64x128xf32, #tpu.memory_space<hbm>>) target_semaphore(%arg30 : memref<!tpu.dma_semaphore, #tpu.memory_space<semaphore_mem>>)
    %dma_wait3A_155 = arith.constant 47 : i32
    %dma_wait3A_156 = arith.constant 64 : i32
    %dma_wait3A_157 = tpu.memref_slice %arg5[%dma_wait3A_155, %dma_wait3A_156] : memref<50x128xi32, #tpu.memory_space<vmem>> -> memref<1x64xi32, #tpu.memory_space<vmem>>
    %dma_wait3A_158 = tpu.memref_squeeze %dma_wait3A_157 : memref<1x64xi32, #tpu.memory_space<vmem>> -> memref<64xi32, #tpu.memory_space<vmem>>
    %dma_wait3A_159 = arith.constant 0 : i32
    %dma_wait3A_160 = arith.constant 0 : i32
    %dma_wait3A_161 = tpu.memref_slice %arg3[%dma_wait3A_159, %dma_wait3A_160] : memref<100000x128xf32, #tpu.memory_space<hbm>> -> memref<100000x128xf32, #tpu.memory_space<hbm>>
    tpu.wait_indirect_dma semaphore(%arg21 : memref<!tpu.dma_semaphore, #tpu.memory_space<semaphore_mem>>) src(%dma_wait3A_161 : memref<100000x128xf32, #tpu.memory_space<hbm>>) dst(%arg11 : memref<64x128xf32, #tpu.memory_space<vmem>>)
    %add3A_162 = arith.constant 64 : i32
    %add3A_163 = arith.addi %mul3A_2, %add3A_162 : i32
    %dma_start3A_164 = arith.constant 47 : i32
    %dma_start3A_165 = arith.constant 0 : i32
    %dma_start3A_166 = tpu.memref_slice %arg4[%dma_start3A_164, %add3A_163, %dma_start3A_165] : memref<50x4096x128xf32, #tpu.memory_space<hbm>> -> memref<1x64x128xf32, #tpu.memory_space<hbm>>
    %dma_start3A_167 = tpu.memref_squeeze %dma_start3A_166 : memref<1x64x128xf32, #tpu.memory_space<hbm>> -> memref<64x128xf32, #tpu.memory_space<hbm>>
    %dma_start3A_168 = arith.constant 0 : i32
    %dma_start3A_169 = tpu.memref_slice %arg4[%dma_start3A_164, %add3A_163, %dma_start3A_168] : memref<50x4096x128xf32, #tpu.memory_space<hbm>> -> memref<1x64x128xf32, #tpu.memory_space<hbm>>
    %dma_start3A_170 = tpu.memref_squeeze %dma_start3A_169 : memref<1x64x128xf32, #tpu.memory_space<hbm>> -> memref<64x128xf32, #tpu.memory_space<hbm>>
    tpu.enqueue_dma source(%arg11 : memref<64x128xf32, #tpu.memory_space<vmem>>) target(%dma_start3A_170 : memref<64x128xf32, #tpu.memory_space<hbm>>) target_semaphore(%arg31 : memref<!tpu.dma_semaphore, #tpu.memory_space<semaphore_mem>>)
    %dma_wait3A_171 = arith.constant 48 : i32
    %dma_wait3A_172 = arith.constant 0 : i32
    %dma_wait3A_173 = tpu.memref_slice %arg5[%dma_wait3A_171, %dma_wait3A_172] : memref<50x128xi32, #tpu.memory_space<vmem>> -> memref<1x64xi32, #tpu.memory_space<vmem>>
    %dma_wait3A_174 = tpu.memref_squeeze %dma_wait3A_173 : memref<1x64xi32, #tpu.memory_space<vmem>> -> memref<64xi32, #tpu.memory_space<vmem>>
    %dma_wait3A_175 = arith.constant 0 : i32
    %dma_wait3A_176 = arith.constant 0 : i32
    %dma_wait3A_177 = tpu.memref_slice %arg3[%dma_wait3A_175, %dma_wait3A_176] : memref<100000x128xf32, #tpu.memory_space<hbm>> -> memref<100000x128xf32, #tpu.memory_space<hbm>>
    tpu.wait_indirect_dma semaphore(%arg22 : memref<!tpu.dma_semaphore, #tpu.memory_space<semaphore_mem>>) src(%dma_wait3A_177 : memref<100000x128xf32, #tpu.memory_space<hbm>>) dst(%arg12 : memref<64x128xf32, #tpu.memory_space<vmem>>)
    %add3A_178 = arith.constant 0 : i32
    %add3A_179 = arith.addi %mul3A_2, %add3A_178 : i32
    %dma_start3A_180 = arith.constant 48 : i32
    %dma_start3A_181 = arith.constant 0 : i32
    %dma_start3A_182 = tpu.memref_slice %arg4[%dma_start3A_180, %add3A_179, %dma_start3A_181] : memref<50x4096x128xf32, #tpu.memory_space<hbm>> -> memref<1x64x128xf32, #tpu.memory_space<hbm>>
    %dma_start3A_183 = tpu.memref_squeeze %dma_start3A_182 : memref<1x64x128xf32, #tpu.memory_space<hbm>> -> memref<64x128xf32, #tpu.memory_space<hbm>>
    %dma_start3A_184 = arith.constant 0 : i32
    %dma_start3A_185 = tpu.memref_slice %arg4[%dma_start3A_180, %add3A_179, %dma_start3A_184] : memref<50x4096x128xf32, #tpu.memory_space<hbm>> -> memref<1x64x128xf32, #tpu.memory_space<hbm>>
    %dma_start3A_186 = tpu.memref_squeeze %dma_start3A_185 : memref<1x64x128xf32, #tpu.memory_space<hbm>> -> memref<64x128xf32, #tpu.memory_space<hbm>>
    tpu.enqueue_dma source(%arg12 : memref<64x128xf32, #tpu.memory_space<vmem>>) target(%dma_start3A_186 : memref<64x128xf32, #tpu.memory_space<hbm>>) target_semaphore(%arg32 : memref<!tpu.dma_semaphore, #tpu.memory_space<semaphore_mem>>)
    %dma_wait3A_187 = arith.constant 48 : i32
    %dma_wait3A_188 = arith.constant 64 : i32
    %dma_wait3A_189 = tpu.memref_slice %arg5[%dma_wait3A_187, %dma_wait3A_188] : memref<50x128xi32, #tpu.memory_space<vmem>> -> memref<1x64xi32, #tpu.memory_space<vmem>>
    %dma_wait3A_190 = tpu.memref_squeeze %dma_wait3A_189 : memref<1x64xi32, #tpu.memory_space<vmem>> -> memref<64xi32, #tpu.memory_space<vmem>>
    %dma_wait3A_191 = arith.constant 0 : i32
    %dma_wait3A_192 = arith.constant 0 : i32
    %dma_wait3A_193 = tpu.memref_slice %arg3[%dma_wait3A_191, %dma_wait3A_192] : memref<100000x128xf32, #tpu.memory_space<hbm>> -> memref<100000x128xf32, #tpu.memory_space<hbm>>
    tpu.wait_indirect_dma semaphore(%arg23 : memref<!tpu.dma_semaphore, #tpu.memory_space<semaphore_mem>>) src(%dma_wait3A_193 : memref<100000x128xf32, #tpu.memory_space<hbm>>) dst(%arg13 : memref<64x128xf32, #tpu.memory_space<vmem>>)
    %add3A_194 = arith.constant 64 : i32
    %add3A_195 = arith.addi %mul3A_2, %add3A_194 : i32
    %dma_start3A_196 = arith.constant 48 : i32
    %dma_start3A_197 = arith.constant 0 : i32
    %dma_start3A_198 = tpu.memref_slice %arg4[%dma_start3A_196, %add3A_195, %dma_start3A_197] : memref<50x4096x128xf32, #tpu.memory_space<hbm>> -> memref<1x64x128xf32, #tpu.memory_space<hbm>>
    %dma_start3A_199 = tpu.memref_squeeze %dma_start3A_198 : memref<1x64x128xf32, #tpu.memory_space<hbm>> -> memref<64x128xf32, #tpu.memory_space<hbm>>
    %dma_start3A_200 = arith.constant 0 : i32
    %dma_start3A_201 = tpu.memref_slice %arg4[%dma_start3A_196, %add3A_195, %dma_start3A_200] : memref<50x4096x128xf32, #tpu.memory_space<hbm>> -> memref<1x64x128xf32, #tpu.memory_space<hbm>>
    %dma_start3A_202 = tpu.memref_squeeze %dma_start3A_201 : memref<1x64x128xf32, #tpu.memory_space<hbm>> -> memref<64x128xf32, #tpu.memory_space<hbm>>
    tpu.enqueue_dma source(%arg13 : memref<64x128xf32, #tpu.memory_space<vmem>>) target(%dma_start3A_202 : memref<64x128xf32, #tpu.memory_space<hbm>>) target_semaphore(%arg33 : memref<!tpu.dma_semaphore, #tpu.memory_space<semaphore_mem>>)
    %dma_wait3A_203 = arith.constant 49 : i32
    %dma_wait3A_204 = arith.constant 0 : i32
    %dma_wait3A_205 = tpu.memref_slice %arg5[%dma_wait3A_203, %dma_wait3A_204] : memref<50x128xi32, #tpu.memory_space<vmem>> -> memref<1x64xi32, #tpu.memory_space<vmem>>
    %dma_wait3A_206 = tpu.memref_squeeze %dma_wait3A_205 : memref<1x64xi32, #tpu.memory_space<vmem>> -> memref<64xi32, #tpu.memory_space<vmem>>
    %dma_wait3A_207 = arith.constant 0 : i32
    %dma_wait3A_208 = arith.constant 0 : i32
    %dma_wait3A_209 = tpu.memref_slice %arg3[%dma_wait3A_207, %dma_wait3A_208] : memref<100000x128xf32, #tpu.memory_space<hbm>> -> memref<100000x128xf32, #tpu.memory_space<hbm>>
    tpu.wait_indirect_dma semaphore(%arg24 : memref<!tpu.dma_semaphore, #tpu.memory_space<semaphore_mem>>) src(%dma_wait3A_209 : memref<100000x128xf32, #tpu.memory_space<hbm>>) dst(%arg14 : memref<64x128xf32, #tpu.memory_space<vmem>>)
    %add3A_210 = arith.constant 0 : i32
    %add3A_211 = arith.addi %mul3A_2, %add3A_210 : i32
    %dma_start3A_212 = arith.constant 49 : i32
    %dma_start3A_213 = arith.constant 0 : i32
    %dma_start3A_214 = tpu.memref_slice %arg4[%dma_start3A_212, %add3A_211, %dma_start3A_213] : memref<50x4096x128xf32, #tpu.memory_space<hbm>> -> memref<1x64x128xf32, #tpu.memory_space<hbm>>
    %dma_start3A_215 = tpu.memref_squeeze %dma_start3A_214 : memref<1x64x128xf32, #tpu.memory_space<hbm>> -> memref<64x128xf32, #tpu.memory_space<hbm>>
    %dma_start3A_216 = arith.constant 0 : i32
    %dma_start3A_217 = tpu.memref_slice %arg4[%dma_start3A_212, %add3A_211, %dma_start3A_216] : memref<50x4096x128xf32, #tpu.memory_space<hbm>> -> memref<1x64x128xf32, #tpu.memory_space<hbm>>
    %dma_start3A_218 = tpu.memref_squeeze %dma_start3A_217 : memref<1x64x128xf32, #tpu.memory_space<hbm>> -> memref<64x128xf32, #tpu.memory_space<hbm>>
    tpu.enqueue_dma source(%arg14 : memref<64x128xf32, #tpu.memory_space<vmem>>) target(%dma_start3A_218 : memref<64x128xf32, #tpu.memory_space<hbm>>) target_semaphore(%arg34 : memref<!tpu.dma_semaphore, #tpu.memory_space<semaphore_mem>>)
    %dma_wait3A_219 = arith.constant 49 : i32
    %dma_wait3A_220 = arith.constant 64 : i32
    %dma_wait3A_221 = tpu.memref_slice %arg5[%dma_wait3A_219, %dma_wait3A_220] : memref<50x128xi32, #tpu.memory_space<vmem>> -> memref<1x64xi32, #tpu.memory_space<vmem>>
    %dma_wait3A_222 = tpu.memref_squeeze %dma_wait3A_221 : memref<1x64xi32, #tpu.memory_space<vmem>> -> memref<64xi32, #tpu.memory_space<vmem>>
    %dma_wait3A_223 = arith.constant 0 : i32
    %dma_wait3A_224 = arith.constant 0 : i32
    %dma_wait3A_225 = tpu.memref_slice %arg3[%dma_wait3A_223, %dma_wait3A_224] : memref<100000x128xf32, #tpu.memory_space<hbm>> -> memref<100000x128xf32, #tpu.memory_space<hbm>>
    tpu.wait_indirect_dma semaphore(%arg25 : memref<!tpu.dma_semaphore, #tpu.memory_space<semaphore_mem>>) src(%dma_wait3A_225 : memref<100000x128xf32, #tpu.memory_space<hbm>>) dst(%arg15 : memref<64x128xf32, #tpu.memory_space<vmem>>)
    %add3A_226 = arith.constant 64 : i32
    %add3A_227 = arith.addi %mul3A_2, %add3A_226 : i32
    %dma_start3A_228 = arith.constant 49 : i32
    %dma_start3A_229 = arith.constant 0 : i32
    %dma_start3A_230 = tpu.memref_slice %arg4[%dma_start3A_228, %add3A_227, %dma_start3A_229] : memref<50x4096x128xf32, #tpu.memory_space<hbm>> -> memref<1x64x128xf32, #tpu.memory_space<hbm>>
    %dma_start3A_231 = tpu.memref_squeeze %dma_start3A_230 : memref<1x64x128xf32, #tpu.memory_space<hbm>> -> memref<64x128xf32, #tpu.memory_space<hbm>>
    %dma_start3A_232 = arith.constant 0 : i32
    %dma_start3A_233 = tpu.memref_slice %arg4[%dma_start3A_228, %add3A_227, %dma_start3A_232] : memref<50x4096x128xf32, #tpu.memory_space<hbm>> -> memref<1x64x128xf32, #tpu.memory_space<hbm>>
    %dma_start3A_234 = tpu.memref_squeeze %dma_start3A_233 : memref<1x64x128xf32, #tpu.memory_space<hbm>> -> memref<64x128xf32, #tpu.memory_space<hbm>>
    tpu.enqueue_dma source(%arg15 : memref<64x128xf32, #tpu.memory_space<vmem>>) target(%dma_start3A_234 : memref<64x128xf32, #tpu.memory_space<hbm>>) target_semaphore(%arg35 : memref<!tpu.dma_semaphore, #tpu.memory_space<semaphore_mem>>)
    %add3A_235 = arith.constant 0 : i32
    %add3A_236 = arith.addi %mul3A_2, %add3A_235 : i32
    %dma_wait3A_237 = arith.constant 45 : i32
    %dma_wait3A_238 = arith.constant 0 : i32
    %dma_wait3A_239 = tpu.memref_slice %arg4[%dma_wait3A_237, %add3A_236, %dma_wait3A_238] : memref<50x4096x128xf32, #tpu.memory_space<hbm>> -> memref<1x64x128xf32, #tpu.memory_space<hbm>>
    %dma_wait3A_240 = tpu.memref_squeeze %dma_wait3A_239 : memref<1x64x128xf32, #tpu.memory_space<hbm>> -> memref<64x128xf32, #tpu.memory_space<hbm>>
    %dma_wait3A_241 = arith.constant 0 : i32
    %dma_wait3A_242 = tpu.memref_slice %arg4[%dma_wait3A_237, %add3A_236, %dma_wait3A_241] : memref<50x4096x128xf32, #tpu.memory_space<hbm>> -> memref<1x64x128xf32, #tpu.memory_space<hbm>>
    %dma_wait3A_243 = tpu.memref_squeeze %dma_wait3A_242 : memref<1x64x128xf32, #tpu.memory_space<hbm>> -> memref<64x128xf32, #tpu.memory_space<hbm>>
    tpu.wait_dma2 semaphore(%arg26 : memref<!tpu.dma_semaphore, #tpu.memory_space<semaphore_mem>>) src(%arg6 : memref<64x128xf32, #tpu.memory_space<vmem>>) dst(%dma_wait3A_243 : memref<64x128xf32, #tpu.memory_space<hbm>>)
    %add3A_244 = arith.constant 64 : i32
    %add3A_245 = arith.addi %mul3A_2, %add3A_244 : i32
    %dma_wait3A_246 = arith.constant 45 : i32
    %dma_wait3A_247 = arith.constant 0 : i32
    %dma_wait3A_248 = tpu.memref_slice %arg4[%dma_wait3A_246, %add3A_245, %dma_wait3A_247] : memref<50x4096x128xf32, #tpu.memory_space<hbm>> -> memref<1x64x128xf32, #tpu.memory_space<hbm>>
    %dma_wait3A_249 = tpu.memref_squeeze %dma_wait3A_248 : memref<1x64x128xf32, #tpu.memory_space<hbm>> -> memref<64x128xf32, #tpu.memory_space<hbm>>
    %dma_wait3A_250 = arith.constant 0 : i32
    %dma_wait3A_251 = tpu.memref_slice %arg4[%dma_wait3A_246, %add3A_245, %dma_wait3A_250] : memref<50x4096x128xf32, #tpu.memory_space<hbm>> -> memref<1x64x128xf32, #tpu.memory_space<hbm>>
    %dma_wait3A_252 = tpu.memref_squeeze %dma_wait3A_251 : memref<1x64x128xf32, #tpu.memory_space<hbm>> -> memref<64x128xf32, #tpu.memory_space<hbm>>
    tpu.wait_dma2 semaphore(%arg27 : memref<!tpu.dma_semaphore, #tpu.memory_space<semaphore_mem>>) src(%arg7 : memref<64x128xf32, #tpu.memory_space<vmem>>) dst(%dma_wait3A_252 : memref<64x128xf32, #tpu.memory_space<hbm>>)
    %add3A_253 = arith.constant 0 : i32
    %add3A_254 = arith.addi %mul3A_2, %add3A_253 : i32
    %dma_wait3A_255 = arith.constant 46 : i32
    %dma_wait3A_256 = arith.constant 0 : i32
    %dma_wait3A_257 = tpu.memref_slice %arg4[%dma_wait3A_255, %add3A_254, %dma_wait3A_256] : memref<50x4096x128xf32, #tpu.memory_space<hbm>> -> memref<1x64x128xf32, #tpu.memory_space<hbm>>
    %dma_wait3A_258 = tpu.memref_squeeze %dma_wait3A_257 : memref<1x64x128xf32, #tpu.memory_space<hbm>> -> memref<64x128xf32, #tpu.memory_space<hbm>>
    %dma_wait3A_259 = arith.constant 0 : i32
    %dma_wait3A_260 = tpu.memref_slice %arg4[%dma_wait3A_255, %add3A_254, %dma_wait3A_259] : memref<50x4096x128xf32, #tpu.memory_space<hbm>> -> memref<1x64x128xf32, #tpu.memory_space<hbm>>
    %dma_wait3A_261 = tpu.memref_squeeze %dma_wait3A_260 : memref<1x64x128xf32, #tpu.memory_space<hbm>> -> memref<64x128xf32, #tpu.memory_space<hbm>>
    tpu.wait_dma2 semaphore(%arg28 : memref<!tpu.dma_semaphore, #tpu.memory_space<semaphore_mem>>) src(%arg8 : memref<64x128xf32, #tpu.memory_space<vmem>>) dst(%dma_wait3A_261 : memref<64x128xf32, #tpu.memory_space<hbm>>)
    %add3A_262 = arith.constant 64 : i32
    %add3A_263 = arith.addi %mul3A_2, %add3A_262 : i32
    %dma_wait3A_264 = arith.constant 46 : i32
    %dma_wait3A_265 = arith.constant 0 : i32
    %dma_wait3A_266 = tpu.memref_slice %arg4[%dma_wait3A_264, %add3A_263, %dma_wait3A_265] : memref<50x4096x128xf32, #tpu.memory_space<hbm>> -> memref<1x64x128xf32, #tpu.memory_space<hbm>>
    %dma_wait3A_267 = tpu.memref_squeeze %dma_wait3A_266 : memref<1x64x128xf32, #tpu.memory_space<hbm>> -> memref<64x128xf32, #tpu.memory_space<hbm>>
    %dma_wait3A_268 = arith.constant 0 : i32
    %dma_wait3A_269 = tpu.memref_slice %arg4[%dma_wait3A_264, %add3A_263, %dma_wait3A_268] : memref<50x4096x128xf32, #tpu.memory_space<hbm>> -> memref<1x64x128xf32, #tpu.memory_space<hbm>>
    %dma_wait3A_270 = tpu.memref_squeeze %dma_wait3A_269 : memref<1x64x128xf32, #tpu.memory_space<hbm>> -> memref<64x128xf32, #tpu.memory_space<hbm>>
    tpu.wait_dma2 semaphore(%arg29 : memref<!tpu.dma_semaphore, #tpu.memory_space<semaphore_mem>>) src(%arg9 : memref<64x128xf32, #tpu.memory_space<vmem>>) dst(%dma_wait3A_270 : memref<64x128xf32, #tpu.memory_space<hbm>>)
    %add3A_271 = arith.constant 0 : i32
    %add3A_272 = arith.addi %mul3A_2, %add3A_271 : i32
    %dma_wait3A_273 = arith.constant 47 : i32
    %dma_wait3A_274 = arith.constant 0 : i32
    %dma_wait3A_275 = tpu.memref_slice %arg4[%dma_wait3A_273, %add3A_272, %dma_wait3A_274] : memref<50x4096x128xf32, #tpu.memory_space<hbm>> -> memref<1x64x128xf32, #tpu.memory_space<hbm>>
    %dma_wait3A_276 = tpu.memref_squeeze %dma_wait3A_275 : memref<1x64x128xf32, #tpu.memory_space<hbm>> -> memref<64x128xf32, #tpu.memory_space<hbm>>
    %dma_wait3A_277 = arith.constant 0 : i32
    %dma_wait3A_278 = tpu.memref_slice %arg4[%dma_wait3A_273, %add3A_272, %dma_wait3A_277] : memref<50x4096x128xf32, #tpu.memory_space<hbm>> -> memref<1x64x128xf32, #tpu.memory_space<hbm>>
    %dma_wait3A_279 = tpu.memref_squeeze %dma_wait3A_278 : memref<1x64x128xf32, #tpu.memory_space<hbm>> -> memref<64x128xf32, #tpu.memory_space<hbm>>
    tpu.wait_dma2 semaphore(%arg30 : memref<!tpu.dma_semaphore, #tpu.memory_space<semaphore_mem>>) src(%arg10 : memref<64x128xf32, #tpu.memory_space<vmem>>) dst(%dma_wait3A_279 : memref<64x128xf32, #tpu.memory_space<hbm>>)
    %add3A_280 = arith.constant 64 : i32
    %add3A_281 = arith.addi %mul3A_2, %add3A_280 : i32
    %dma_wait3A_282 = arith.constant 47 : i32
    %dma_wait3A_283 = arith.constant 0 : i32
    %dma_wait3A_284 = tpu.memref_slice %arg4[%dma_wait3A_282, %add3A_281, %dma_wait3A_283] : memref<50x4096x128xf32, #tpu.memory_space<hbm>> -> memref<1x64x128xf32, #tpu.memory_space<hbm>>
    %dma_wait3A_285 = tpu.memref_squeeze %dma_wait3A_284 : memref<1x64x128xf32, #tpu.memory_space<hbm>> -> memref<64x128xf32, #tpu.memory_space<hbm>>
    %dma_wait3A_286 = arith.constant 0 : i32
    %dma_wait3A_287 = tpu.memref_slice %arg4[%dma_wait3A_282, %add3A_281, %dma_wait3A_286] : memref<50x4096x128xf32, #tpu.memory_space<hbm>> -> memref<1x64x128xf32, #tpu.memory_space<hbm>>
    %dma_wait3A_288 = tpu.memref_squeeze %dma_wait3A_287 : memref<1x64x128xf32, #tpu.memory_space<hbm>> -> memref<64x128xf32, #tpu.memory_space<hbm>>
    tpu.wait_dma2 semaphore(%arg31 : memref<!tpu.dma_semaphore, #tpu.memory_space<semaphore_mem>>) src(%arg11 : memref<64x128xf32, #tpu.memory_space<vmem>>) dst(%dma_wait3A_288 : memref<64x128xf32, #tpu.memory_space<hbm>>)
    %add3A_289 = arith.constant 0 : i32
    %add3A_290 = arith.addi %mul3A_2, %add3A_289 : i32
    %dma_wait3A_291 = arith.constant 48 : i32
    %dma_wait3A_292 = arith.constant 0 : i32
    %dma_wait3A_293 = tpu.memref_slice %arg4[%dma_wait3A_291, %add3A_290, %dma_wait3A_292] : memref<50x4096x128xf32, #tpu.memory_space<hbm>> -> memref<1x64x128xf32, #tpu.memory_space<hbm>>
    %dma_wait3A_294 = tpu.memref_squeeze %dma_wait3A_293 : memref<1x64x128xf32, #tpu.memory_space<hbm>> -> memref<64x128xf32, #tpu.memory_space<hbm>>
    %dma_wait3A_295 = arith.constant 0 : i32
    %dma_wait3A_296 = tpu.memref_slice %arg4[%dma_wait3A_291, %add3A_290, %dma_wait3A_295] : memref<50x4096x128xf32, #tpu.memory_space<hbm>> -> memref<1x64x128xf32, #tpu.memory_space<hbm>>
    %dma_wait3A_297 = tpu.memref_squeeze %dma_wait3A_296 : memref<1x64x128xf32, #tpu.memory_space<hbm>> -> memref<64x128xf32, #tpu.memory_space<hbm>>
    tpu.wait_dma2 semaphore(%arg32 : memref<!tpu.dma_semaphore, #tpu.memory_space<semaphore_mem>>) src(%arg12 : memref<64x128xf32, #tpu.memory_space<vmem>>) dst(%dma_wait3A_297 : memref<64x128xf32, #tpu.memory_space<hbm>>)
    %add3A_298 = arith.constant 64 : i32
    %add3A_299 = arith.addi %mul3A_2, %add3A_298 : i32
    %dma_wait3A_300 = arith.constant 48 : i32
    %dma_wait3A_301 = arith.constant 0 : i32
    %dma_wait3A_302 = tpu.memref_slice %arg4[%dma_wait3A_300, %add3A_299, %dma_wait3A_301] : memref<50x4096x128xf32, #tpu.memory_space<hbm>> -> memref<1x64x128xf32, #tpu.memory_space<hbm>>
    %dma_wait3A_303 = tpu.memref_squeeze %dma_wait3A_302 : memref<1x64x128xf32, #tpu.memory_space<hbm>> -> memref<64x128xf32, #tpu.memory_space<hbm>>
    %dma_wait3A_304 = arith.constant 0 : i32
    %dma_wait3A_305 = tpu.memref_slice %arg4[%dma_wait3A_300, %add3A_299, %dma_wait3A_304] : memref<50x4096x128xf32, #tpu.memory_space<hbm>> -> memref<1x64x128xf32, #tpu.memory_space<hbm>>
    %dma_wait3A_306 = tpu.memref_squeeze %dma_wait3A_305 : memref<1x64x128xf32, #tpu.memory_space<hbm>> -> memref<64x128xf32, #tpu.memory_space<hbm>>
    tpu.wait_dma2 semaphore(%arg33 : memref<!tpu.dma_semaphore, #tpu.memory_space<semaphore_mem>>) src(%arg13 : memref<64x128xf32, #tpu.memory_space<vmem>>) dst(%dma_wait3A_306 : memref<64x128xf32, #tpu.memory_space<hbm>>)
    %add3A_307 = arith.constant 0 : i32
    %add3A_308 = arith.addi %mul3A_2, %add3A_307 : i32
    %dma_wait3A_309 = arith.constant 49 : i32
    %dma_wait3A_310 = arith.constant 0 : i32
    %dma_wait3A_311 = tpu.memref_slice %arg4[%dma_wait3A_309, %add3A_308, %dma_wait3A_310] : memref<50x4096x128xf32, #tpu.memory_space<hbm>> -> memref<1x64x128xf32, #tpu.memory_space<hbm>>
    %dma_wait3A_312 = tpu.memref_squeeze %dma_wait3A_311 : memref<1x64x128xf32, #tpu.memory_space<hbm>> -> memref<64x128xf32, #tpu.memory_space<hbm>>
    %dma_wait3A_313 = arith.constant 0 : i32
    %dma_wait3A_314 = tpu.memref_slice %arg4[%dma_wait3A_309, %add3A_308, %dma_wait3A_313] : memref<50x4096x128xf32, #tpu.memory_space<hbm>> -> memref<1x64x128xf32, #tpu.memory_space<hbm>>
    %dma_wait3A_315 = tpu.memref_squeeze %dma_wait3A_314 : memref<1x64x128xf32, #tpu.memory_space<hbm>> -> memref<64x128xf32, #tpu.memory_space<hbm>>
    tpu.wait_dma2 semaphore(%arg34 : memref<!tpu.dma_semaphore, #tpu.memory_space<semaphore_mem>>) src(%arg14 : memref<64x128xf32, #tpu.memory_space<vmem>>) dst(%dma_wait3A_315 : memref<64x128xf32, #tpu.memory_space<hbm>>)
    %add3A_316 = arith.constant 64 : i32
    %add3A_317 = arith.addi %mul3A_2, %add3A_316 : i32
    %dma_wait3A_318 = arith.constant 49 : i32
    %dma_wait3A_319 = arith.constant 0 : i32
    %dma_wait3A_320 = tpu.memref_slice %arg4[%dma_wait3A_318, %add3A_317, %dma_wait3A_319] : memref<50x4096x128xf32, #tpu.memory_space<hbm>> -> memref<1x64x128xf32, #tpu.memory_space<hbm>>
    %dma_wait3A_321 = tpu.memref_squeeze %dma_wait3A_320 : memref<1x64x128xf32, #tpu.memory_space<hbm>> -> memref<64x128xf32, #tpu.memory_space<hbm>>
    %dma_wait3A_322 = arith.constant 0 : i32
    %dma_wait3A_323 = tpu.memref_slice %arg4[%dma_wait3A_318, %add3A_317, %dma_wait3A_322] : memref<50x4096x128xf32, #tpu.memory_space<hbm>> -> memref<1x64x128xf32, #tpu.memory_space<hbm>>
    %dma_wait3A_324 = tpu.memref_squeeze %dma_wait3A_323 : memref<1x64x128xf32, #tpu.memory_space<hbm>> -> memref<64x128xf32, #tpu.memory_space<hbm>>
    tpu.wait_dma2 semaphore(%arg35 : memref<!tpu.dma_semaphore, #tpu.memory_space<semaphore_mem>>) src(%arg15 : memref<64x128xf32, #tpu.memory_space<vmem>>) dst(%dma_wait3A_324 : memref<64x128xf32, #tpu.memory_space<hbm>>)
    return
  }
}

</mosaic_0001>

<sc_bundles>
// kernel: kernel.3.cloned.1.call-start
scs
__scs_entry_jumppad:
0x0: {  	(pc) =	sbr.rel $0x88, $3  }
0x1: {  	(tag) =	ssettag $0x0;
	lr =	simm.s32 $0x1  }
0x2: {  	[smem:$0x3F9F] =	sst lr;
	_ =	strace $0xD0000000  }
0x3: {  	_ = 	snop  }
0x4: {  	_ = 	snop  }
0x5: {  	_ = 	snop  }
0x6: {  	_ = 	snop  }
0x7: {  	_ = 	snop  }
__scs_overlays_trampoline_lowered:
0x8: {  	[smem:$0x3FAE] =	sst s0  }
0x9: {  	[smem:$0x3FAF] =	sst s1  }
0xa: {  	[smem:$0x3FB0] =	sst s2  }
0xb: {  	[smem:$0x3FB1] =	sst s3  }
0xc: {  	[smem:$0x3FB2] =	sst s4  }
0xd: {  	[smem:$0x3FB3] =	sst s5  }
0xe: {  	[smem:$0x3FB4] =	sst s6  }
0xf: {  	[smem:$0x3FB5] =	sst s7  }
0x10: {  	[smem:$0x3FB6] =	sst s8  }
0x11: {  	[smem:$0x3FB7] =	sst s9;
	s0 =	simm.s32 @!p0 $0x0  }
0x12: {  	s1 =	sld [smem:$0x3F9D];
	s0 =	simm.s32 @p0 $0x1  }
0x13: {  	[smem:$0x3FB8] =	sst s0;
	s0 =	simm.s32 @!p1 $0x0  }
0x14: {  	s2 =	sld [smem:$0x3F9C];
	s0 =	simm.s32 @p1 $0x1  }
0x15: {  	[smem:$0x3FB9] =	sst s0;
	s0 =	simm.s32 @!p2 $0x0  }
0x16: {  	s3 =	sld [smem:$0x3FDB];
	s0 =	simm.s32 @p2 $0x1  }
0x17: {  	s4 =	simm.s32 $0x1BF5;
	[smem:$0x3FBB] =	sst s0  }
0x18: {  	s0 =	sld [smem:$0x3F9E];
	_ =	swait.ge [sflag:s4], $0x0  }
0x19: {  	s7 =	sld [smem:$0x3F9F]  }
0x1a: {  	s8 =	sadd.s32 $0xFFFFE003, lr  }
0x1b: {  	s9 =	sadd.s32 $0xFFFFFEF7, lr;
	s5 =	simm.s32 $0xFFFFFFFF;
	p2 =	slt.u32 s8, $0xFFFFF086  }
0x1c: {  	p1 =	slt.u32 s9, $0xF7A;
	s5 =	simm.s32 @!p2 $0x0  }
0x1d: {  	s5 =	simm.s32 @p1 $0x1;
	p0 =	seq.s32 s7, s2  }
0x1e: {  	s7 =	smul.u32 @!p0 $0xF7A, s2;
	p2 =	seq.s32 @!p0 s5, $0x0  }
0x1f: {  	s9 =	smul.u32 $0xF7A, s1;
	s8 =	simm.s32 @!p0 $0x1BF5;
	p2 =	por !p2, p0  }
0x20: {  	[sflag:s8] =	ssyncset.s32 @!p0 $0xFFFFF086;
	s6 =	sadd.s32 @!p0 s3, s7;
	s7 =	simm.s32 @!p0 $0x108  }
0x21: {  	s3 =	sadd.s32 s3, s9;
	s6 =	sadd.s32 @!p0 $0x88, s6;
	s7 =	simm.s32 @p2 $0x1082  }
0x22: {  	[simem:s7], [sflag:s8] =	dma.local @!p0 [hbm:s6], $0xF7A  }
0x23: {  	s9 =	sor.u32 $0xD0000000, s2;
	s6 =	simm.s32 $0x108;
	_ =	swait.ge @!p0 [sflag:s8], $0x0  }
0x24: {  	s3 =	sadd.s32 $0x88, s3;
	s6 =	simm.s32 @!p1 $0x1082;
	[sflag:s4] =	ssyncset.s32 $0xFFFFF086  }
0x25: {  	[simem:s6], [sflag:s4] =	dma.local [hbm:s3], $0xF7A  }
0x26: {  	[smem:$0x3F9F] =	sst s1;
	(tag) =	ssettag s2;
	_ =	strace s9  }
0x27: {  	s1 =	sld [smem:$0x3FAF]  }
0x28: {  	s2 =	sld [smem:$0x3FB0]  }
0x29: {  	s4 =	sld [smem:$0x3FB2]  }
0x2a: {  	p0 =	seq.s32 s5, $0x0;
	s5 =	sld [smem:$0x3FB3]  }
0x2b: {  	s6 =	sld [smem:$0x3FB4]  }
0x2c: {  	s7 =	sld [smem:$0x3FB5]  }
0x2d: {  	s3 =	simm.s32 $0x108;
	s8 =	sld [smem:$0x3FB6]  }
0x2e: {  	s3 =	simm.s32 @!p0 $0x1082;
	s9 =	sld [smem:$0x3FB7]  }
0x2f: {  	lr =	sadd.s32 s0, s3;
	s0 =	sld [smem:$0x3FAE]  }
0x30: {  	s3 =	sld [smem:$0x3FB1]  }
0x31: {  	[smem:$0x3FBA] =	sst s10  }
0x32: {  	s10 =	sld [smem:$0x3FB8];
	_ =	sdelay $0x3  }
0x33: {  	p0 =	seq.s32 s10, $0x1;
	s10 =	sld [smem:$0x3FBA];
	_ =	sdelay $0x3  }
0x34: {  	[smem:$0x3FBA] =	sst s10  }
0x35: {  	s10 =	sld [smem:$0x3FB9];
	_ =	sdelay $0x3  }
0x36: {  	p1 =	seq.s32 s10, $0x1;
	s10 =	sld [smem:$0x3FBA];
	_ =	sdelay $0x3  }
0x37: {  	[smem:$0x3FBA] =	sst s10  }
0x38: {  	s10 =	sld [smem:$0x3FBB]  }
0x39: {  	_ = 	snop;
	(pc) =	sbr.ind lr, $3  }
0x3a: {  	_ = 	snop  }
0x3b: {  	_ = 	snop  }
0x3c: {  	p2 =	seq.s32 s10, $0x1;
	s10 =	sld [smem:$0x3FBA]  }
0x3d: {  	_ =	shalt  }
0x3e: {  	_ =	shalt  }
0x3f: {  	_ =	shalt  }
0x40: {  	_ =	shalt  }
0x41: {  	_ =	shalt  }
0x42: {  	_ =	shalt  }
0x43: {  	_ =	shalt  }
0x44: {  	_ =	shalt  }
0x45: {  	_ =	shalt  }
0x46: {  	_ =	shalt  }
0x47: {  	_ =	shalt  }
0x48: {  	_ =	shalt  }
0x49: {  	_ =	shalt  }
0x4a: {  	_ =	shalt  }
0x4b: {  	_ =	shalt  }
0x4c: {  	_ =	shalt  }
0x4d: {  	_ =	shalt  }
0x4e: {  	_ =	shalt  }
0x4f: {  	_ =	shalt  }
0x50: {  	_ =	shalt  }
0x51: {  	_ =	shalt  }
0x52: {  	_ =	shalt  }
0x53: {  	_ =	shalt  }
0x54: {  	_ =	shalt  }
0x55: {  	_ =	shalt  }
0x56: {  	_ =	shalt  }
0x57: {  	_ =	shalt  }
0x58: {  	_ =	shalt  }
0x59: {  	_ =	shalt  }
0x5a: {  	_ =	shalt  }
0x5b: {  	_ =	shalt  }
0x5c: {  	_ =	shalt  }
0x5d: {  	_ =	shalt  }
0x5e: {  	_ =	shalt  }
0x5f: {  	_ =	shalt  }
0x60: {  	_ =	shalt  }
0x61: {  	_ =	shalt  }
0x62: {  	_ =	shalt  }
0x63: {  	_ =	shalt  }
0x64: {  	_ =	shalt  }
0x65: {  	_ =	shalt  }
0x66: {  	_ =	shalt  }
0x67: {  	_ =	shalt  }
0x68: {  	_ =	shalt  }
0x69: {  	_ =	shalt  }
0x6a: {  	_ =	shalt  }
0x6b: {  	_ =	shalt  }
0x6c: {  	_ =	shalt  }
0x6d: {  	_ =	shalt  }
0x6e: {  	_ =	shalt  }
0x6f: {  	_ =	shalt  }
0x70: {  	_ =	shalt  }
0x71: {  	_ =	shalt  }
0x72: {  	_ =	shalt  }
0x73: {  	_ =	shalt  }
0x74: {  	_ =	shalt  }
0x75: {  	_ =	shalt  }
0x76: {  	_ =	shalt  }
0x77: {  	_ =	shalt  }
0x78: {  	_ =	shalt  }
0x79: {  	_ =	shalt  }
0x7a: {  	_ =	shalt  }
0x7b: {  	_ =	shalt  }
0x7c: {  	_ =	shalt  }
0x7d: {  	_ =	shalt  }
0x7e: {  	_ =	shalt  }
0x7f: {  	_ =	shalt  }
0x80: {  	_ =	shalt  }
0x81: {  	_ =	shalt  }
0x82: {  	_ =	shalt  }
0x83: {  	_ =	shalt  }
0x84: {  	_ =	shalt  }
0x85: {  	_ =	shalt  }
0x86: {  	_ =	shalt  }
0x87: {  	_ =	shalt  }
.Lfunc_end0:
.L_simem_size_0:
called_computation_lowered:
.L_overlay_start_0:
0x88: {  	s2 =	sld [smem:$0x3FD9]  }
0x89: {  	s3 =	sld [smem:$0x3FFE];
	_ =	sdelay $0x1  }
0x8a: {  	s1 =	srdreg.scid  }
0x8b: {  	s0 =	sand.u32 $0x1, s1  }
0x8c: {  	s18 =	sshll.u32 s0, $0xA;
	s2 =	sadd.s32 s3, s2  }
0x8d: {  	s2 =	sadd.s32 s2, s18  }
0x8e: {  	[smem:$0x3FC6] =	sst s2  }
0x8f: {  	_ = 	snop  }
0x90: {  	s2 =	sld [smem:$0x3FC9]  }
0x91: {  	s19 =	sld [smem:$0x3FC8]  }
0x92: {  	s4 =	sld [smem:$0x3FD0];
	(tm) =	ssettm $0x1  }
0x93: {  	s5 =	sld [smem:$0x3FFB];
	_ =	sdelay $0x3  }
0x94: {  	_ =	strace s5  }
0x95: {  	s5 =	sld [smem:$0x3FFC];
	_ =	sdelay $0x3  }
0x96: {  	_ =	strace s5  }
0x97: {  	s5 =	sld [smem:$0x3FFD];
	_ =	sdelay $0x3  }
0x98: {  	_ =	strace s5  }
0x99: {  	_ =	strace $0x8FFFFFFF  }
0x9a: {  	s20 =	sld [smem:$0x3FDB];
	_ =	sdelay $0x1  }
0x9b: {  	s6 =	simm.s32 $_scs_section_size  }
0x9c: {  	s7 =	simm.s32 $_size__tile_overlayer_lowered;
	s8 =	simm.s32 $_tile_overlayer_lowered  }
0x9d: {  	s23 =	simm.s32 $0x1BFF;
	s22 =	sshll.u32 s8, $0x1;
	s5 =	sadd.s32 s6, s20  }
0x9e: {  	s9 =	simm.s32 $0x0;
	s21 =	sshll.u32 s7, $0x1;
	s7 =	sadd.s32 s22, s5  }
0x9f: {  	[timem:s9], [sflag:s23] =	dma.local [hbm:s7], s21  }
0xa0: {  	_ =	swait.ge [sflag:s23], s21  }
0xa1: {  	s6 =	ssub.s32 $0x0, s21;
	[sflag:s23] =	ssyncset.done $0x0  }
0xa2: {  	[sflag:s23] =	ssyncadd.s32 s6;
	_ =	sdelay $0x1  }
0xa3: {  	s24 =	simm.s32 $0x1B8B  }
0xa4: {  	_ =	swait.ge [sflag:s24], $0x1  }
0xa5: {  	[sflag:s24] =	ssyncset.done $0x0  }
0xa6: {  	s25 =	simm.s32 $0x1B8E;
	[sflag:s24] =	ssyncadd.s32 $0xFFFFFFFF  }
0xa7: {  	s26 =	simm.s32 $execute0_lowered;
	[smem:$0x3FD2] =	sst s25  }
0xa8: {  	s6 =	sshll.u32 s26, $0x1;
	_ =	strace $0x80000046;
	[dreg:$0x1] =	wrdreg $0xFFFFFFFF  }
0xa9: {  	s28 =	simm.s32 $_size_execute0_lowered;
	s5 =	sadd.s32 s5, s6;
	[dreg:$0x0] =	wrdreg $0x0  }
0xaa: {  	s6 =	sshll.u32 s28, $0x1;
	[dreg:$0x2] =	wrdreg s5  }
0xab: {  	[dreg:$0x3] =	wrdreg s6  }
0xac: {  	[dreg:$0x4] =	wrdreg $0xC0  }
0xad: {  	_ =	task [dreg:s9], $0x5FFFF  }
0xae: {  	[dreg:$0x1] =	wrdreg $0xFFFFFFFF  }
0xaf: {  	[dreg:$0x0] =	wrdreg $0x60  }
0xb0: {  	[dreg:$0x2] =	wrdreg s2  }
0xb1: {  	[dreg:$0x3] =	wrdreg s19  }
0xb2: {  	[dreg:$0x4] =	wrdreg s4  }
0xb3: {  	[dreg:$0x5] =	wrdreg $0x9  }
0xb4: {  	_ =	task.clear_ibuf [dreg:s9], $0x6FFFF;
	_ =	strace $0x90000046  }
0xb5: {  	s29 =	simm.s32 $0x9;
	_ =	strace $0x80000048  }
0xb6: {  	_ =	swait.ge [sflag:s29], $0x1  }
0xb7: {  	[sflag:s29] =	ssyncadd.s32 $0xFFFFFFFF  }
0xb8: {  	_ =	strace $0x90000048  }
0xb9: {  	_ =	sfence  }
0xba: {  	s30 =	sld [smem:$0x0];
	_ =	sdelay $0x2  }
0xbb: {  	s31 =	sshll.u32 s1, $0xD;
	s1 =	sshrl.u32 s1, $0x2  }
0xbc: {  	s3 =	sand.u32 $0x4000, s31;
	s1 =	sadd.s32 s1, s30  }
0xbd: {  	s0 =	sor.u32 s3, s0;
	s1 =	sshll.u32 s1, $0x11  }
0xbe: {  	s0 =	sor.u32 s1, s0  }
0xbf: {  	s0 =	sadd.s32 $0x8F2B, s0  }
0xc0: {  	[sflag:s0] =	ssyncadd.remote.s32 $0x1  }
0xc1: {  	_ =	sfence.sel $0xFFFF  }
0xc2: {  	[dreg:$0x0] =	wrdreg $0xFFFFFFFF;
	(pc) =	sbr.abs _section_cstart, $3  }
0xc3: {  	[dreg:$0x1] =	wrdreg $0xFFFFFFFF  }
0xc4: {  	_ =	task.clear_ibuf [dreg:s9], $0x2FFFF;
	_ =	strace $0x9FFFFFFF  }
0xc5: {  	(tm) =	ssettm $0x7FFFFFFF  }
tec
execute0_lowered:
.L_overlay_start_1:
0x0: {  	(tag) =	ssettag $0x1  }
0x1: {  	s0 =	rddreg [dreg:$0x0]  }
0x2: {  	s1 =	rddreg [dreg:$0x1]  }
0x3: {  	s8 =	rddreg [dreg:$0x2];
	s2 =	srdreg.scid  }
0x4: {  	s4 =	simm.s32 $0x0;
	s7 =	stileid.u32;
	s2 =	sand.u32 $0x1, s2  }
0x5: {  	[smem:$0x7FF] =	sst s4;
	s5 =	sshll.u32 s7, $0x7;
	s7 =	sshll.u32 s7, $0xE  }
0x6: {  	s3 =	sshll.u32 s2, $0xB;
	_ =	strace $0x80000047;
	s6 =	ssub.s32 $0x2, s2  }
0x7: {  	s2 =	sshll.u32 s2, $0x12;
	s3 =	sor.u32 s5, s3;
	s25 =	sshrl.u32 s6, $0x1  }
0x8: {  	s2 =	sor.u32 s7, s2;
	s9 =	sadd.s32 s0, s3;
	s26 =	sshll.u32 s3, $0x4  }
0x9: {  	s12 =	sor.u32 $0x202000, s2;
	[dreg:$0xe] =	wrdreg s9;
	s28 =	sadd.s32 $0x6000, s9  }
0xa: {  	s14 =	sor.u32 $0x200000, s2;
	s5 =	sshrl.u32 s12, $0x3;
	[dreg:$0xf] =	wrdreg s28  }
0xb: {  	s16 =	sor.u32 $0x182000, s2;
	s15 =	sshrl.u32 s14, $0x3;
	[dreg:$0x4] =	wrdreg s5  }
0xc: {  	s18 =	sor.u32 $0x180000, s2;
	s17 =	sshrl.u32 s16, $0x3;
	[dreg:$0x5] =	wrdreg s15  }
0xd: {  	s20 =	sor.u32 $0x102000, s2;
	s19 =	sshrl.u32 s18, $0x3;
	[dreg:$0x6] =	wrdreg s17  }
0xe: {  	s22 =	sor.u32 $0x100000, s2;
	s21 =	sshrl.u32 s20, $0x3;
	[dreg:$0x7] =	wrdreg s19  }
0xf: {  	s24 =	sor.u32 $0x82000, s2;
	s23 =	sshrl.u32 s22, $0x3;
	[dreg:$0x8] =	wrdreg s21  }
0x10: {  	s3 =	ssub.s32 s6, s25;
	s25 =	sshrl.u32 s24, $0x3;
	[dreg:$0x9] =	wrdreg s23  }
0x11: {  	s0 =	sadd.s32 s26, s8;
	s3 =	smax.u32 s3, $0x1;
	[dreg:$0xa] =	wrdreg s25  }
0x12: {  	s26 =	sor.u32 $0x80000, s2;
	s29 =	sadd.s32 $0x2D0000, s0;
	[dreg:$0x1a] =	wrdreg s3  }
0x13: {  	s22 =	simm.s32 $0x40;
	s30 =	sadd.s32 $0x2D0400, s0;
	[dreg:$0x10] =	wrdreg s29  }
0x14: {  	s12 =	simm.s32 $0xA;
	s31 =	sadd.s32 $0x2E0000, s0;
	[dreg:$0x11] =	wrdreg s30  }
0x15: {  	s14 =	simm.s32 $0xC;
	s6 =	sadd.s32 $0x2E0400, s0;
	[dreg:$0x12] =	wrdreg s31  }
0x16: {  	s16 =	simm.s32 $0xF;
	s8 =	sadd.s32 $0x2F0000, s0;
	[dreg:$0x13] =	wrdreg s6  }
0x17: {  	s24 =	simm.s32 $0x14;
	s9 =	sadd.s32 $0x2F0400, s0;
	[dreg:$0x14] =	wrdreg s8  }
0x18: {  	s10 =	sadd.s32 $0x300000, s0;
	s11 =	sadd.s32 $0x300400, s0;
	[dreg:$0x15] =	wrdreg s9  }
0x19: {  	s13 =	sadd.s32 $0x310000, s0;
	s28 =	sshrl.u32 s26, $0x3;
	[dreg:$0x16] =	wrdreg s10  }
0x1a: {  	s0 =	sadd.s32 $0x310400, s0;
	s5 =	simm.s32 $0xD;
	[dreg:$0x17] =	wrdreg s11  }
0x1b: {  	s15 =	simm.s32 $0xE;
	s17 =	simm.s32 $0x10;
	[dreg:$0x18] =	wrdreg s13  }
0x1c: {  	s21 =	simm.s32 $0x11;
	s3 =	simm.s32 $0x12;
	[dreg:$0x19] =	wrdreg s0  }
0x1d: {  	s23 =	simm.s32 $0x13;
	s29 =	sor.u32 $0x2000, s2;
	[dreg:$0xb] =	wrdreg s28  }
0x1e: {  	s31 =	sshrl.u32 s2, $0x3;
	s9 =	simm.s32 $0x7;
	s10 =	simm.s32 $0x8  }
0x1f: {  	s11 =	simm.s32 $0x9;
	s30 =	sshrl.u32 s29, $0x3;
	[dreg:$0xd] =	wrdreg s31  }
0x20: {  	s13 =	simm.s32 $0xB;
	s0 =	simm.s32 $0x0;
	[dreg:$0xc] =	wrdreg s30  }
.LBB2_1:
0x21: {  	[dreg:$0x1b] =	wrdreg s0  }
0x22: {  	s2 =	rddreg [dreg:$0xe];
	s26 =	simm.s32 $0x400;
	s29 =	simm.s32 $0x8000  }
0x23: {  	[tilespmem:s4], [sflag:$0x15] =	stream.strided.gather [hbm4b:s2+s26], $0x1800, s29, s26, $0x38;
	[tilespmem:$0x15C00] =	vst v63  }
0x24: {  	s20 =	rddreg [dreg:$0xf];
	s25 =	simm.s32 $0x1800;
	s26 =	simm.s32 $0x15  }
0x25: {  	[tilespmem:s25], [sflag:$0x15] =	stream.linear.gather [hbm4b:s20+s4], $0x100, $0x38;
	[tilespmem:$0x15C00] =	vst v63  }
0x26: {  	_ =	swait.ge [sflag:s26], $0x1900  }
0x27: {  	[sflag:s26] =	ssyncset.done $0x0  }
0x28: {  	s19 =	simm.s32 $0x1C00;
	[sflag:s26] =	ssyncadd.s32 $0xFFFFE700  }
0x29: {  	[tilespmem:s19], [sflag:$0x1] =	stream.indirect.gather [hbm4b:s1+s22], $0x80, s4, s22, $0xb8;
	[tilespmem:$0x15C00] =	vst v63  }
0x2a: {  	s25 =	simm.s32 $0x3C00  }
0x2b: {  	[tilespmem:s25], [sflag:$0x2] =	stream.indirect.gather [hbm4b:s1+s22], $0x80, s22, s22, $0xb8;
	[tilespmem:$0x15C00] =	vst v63  }
0x2c: {  	s28 =	simm.s32 $0x80;
	s18 =	simm.s32 $0x5C00  }
0x2d: {  	[tilespmem:s18], [sflag:$0x3] =	stream.indirect.gather [hbm4b:s1+s22], $0x80, s28, s22, $0xb8;
	[tilespmem:$0x15C00] =	vst v63  }
0x2e: {  	s30 =	simm.s32 $0xC0;
	s20 =	simm.s32 $0x7C00  }
0x2f: {  	[tilespmem:s20], [sflag:$0x4] =	stream.indirect.gather [hbm4b:s1+s22], $0x80, s30, s22, $0xb8;
	[tilespmem:$0x15C00] =	vst v63  }
0x30: {  	s0 =	simm.s32 $0x100;
	s28 =	simm.s32 $0x9C00  }
0x31: {  	[tilespmem:s28], [sflag:$0x5] =	stream.indirect.gather [hbm4b:s1+s22], $0x80, s0, s22, $0xb8;
	[tilespmem:$0x15C00] =	vst v63  }
0x32: {  	s6 =	simm.s32 $0x140;
	s0 =	simm.s32 $0xBC00  }
0x33: {  	[tilespmem:s0], [sflag:$0x6] =	stream.indirect.gather [hbm4b:s1+s22], $0x80, s6, s22, $0xb8;
	[tilespmem:$0x15C00] =	vst v63  }
0x34: {  	s7 =	simm.s32 $0x180;
	s6 =	simm.s32 $0xDC00  }
0x35: {  	[tilespmem:s6], [sflag:$0x7] =	stream.indirect.gather [hbm4b:s1+s22], $0x80, s7, s22, $0xb8;
	[tilespmem:$0x15C00] =	vst v63  }
0x36: {  	s8 =	simm.s32 $0x1C0;
	s29 =	simm.s32 $0xFC00  }
0x37: {  	[tilespmem:s29], [sflag:$0x8] =	stream.indirect.gather [hbm4b:s1+s22], $0x80, s8, s22, $0xb8;
	[tilespmem:$0x15C00] =	vst v63  }
0x38: {  	s26 =	simm.s32 $0x200;
	s7 =	simm.s32 $0x11C00  }
0x39: {  	[tilespmem:s7], [sflag:$0x9] =	stream.indirect.gather [hbm4b:s1+s22], $0x80, s26, s22, $0xb8;
	[tilespmem:$0x15C00] =	vst v63  }
0x3a: {  	s30 =	simm.s32 $0x240;
	s8 =	simm.s32 $0x13C00;
	s26 =	simm.s32 $0x1  }
0x3b: {  	[tilespmem:s8], [sflag:$0xA] =	stream.indirect.gather [hbm4b:s1+s22], $0x80, s30, s22, $0xb8;
	[tilespmem:$0x15C00] =	vst v63  }
0x3c: {  	_ =	swait.ge [sflag:s26], $0x2000  }
0x3d: {  	[sflag:s26] =	ssyncset.done $0x0  }
0x3e: {  	s30 =	rddreg [dreg:$0xd];
	[sflag:s26] =	ssyncadd.s32 $0xFFFFE000  }
0x3f: {  	s2 =	rddreg [dreg:$0x2]  }
0x40: {  	s26 =	sadd.s32 s2, s30;
	s30 =	simm.s32 $0x2  }
0x41: {  	[hbm4b:s26+s4] =	stream.linear.scatter [tilespmem:s19], [sflag:$0xB], $0x2000, $0x38;
	[tilespmem:$0x15C00] =	vst v63  }
0x42: {  	_ =	swait.ge [sflag:s30], $0x2000  }
0x43: {  	s26 =	rddreg [dreg:$0xc];
	[sflag:s30] =	ssyncset.done $0x0  }
0x44: {  	[sflag:s30] =	ssyncadd.s32 $0xFFFFE000;
	s26 =	sadd.s32 s2, s26;
	s30 =	simm.s32 $0x3  }
0x45: {  	[hbm4b:s26+s4] =	stream.linear.scatter [tilespmem:s25], [sflag:$0xC], $0x2000, $0x38;
	[tilespmem:$0x15C00] =	vst v63  }
0x46: {  	_ =	swait.ge [sflag:s30], $0x2000  }
0x47: {  	s26 =	rddreg [dreg:$0xb];
	[sflag:s30] =	ssyncset.done $0x0  }
0x48: {  	[sflag:s30] =	ssyncadd.s32 $0xFFFFE000;
	s26 =	sadd.s32 s2, s26;
	s30 =	simm.s32 $0x4  }
0x49: {  	[hbm4b:s26+s4] =	stream.linear.scatter [tilespmem:s18], [sflag:$0xD], $0x2000, $0x38;
	[tilespmem:$0x15C00] =	vst v63  }
0x4a: {  	_ =	swait.ge [sflag:s30], $0x2000  }
0x4b: {  	s26 =	rddreg [dreg:$0xa];
	[sflag:s30] =	ssyncset.done $0x0  }
0x4c: {  	[sflag:s30] =	ssyncadd.s32 $0xFFFFE000;
	s26 =	sadd.s32 s2, s26;
	s30 =	simm.s32 $0x5  }
0x4d: {  	[hbm4b:s26+s4] =	stream.linear.scatter [tilespmem:s20], [sflag:$0xE], $0x2000, $0x38;
	[tilespmem:$0x15C00] =	vst v63  }
0x4e: {  	_ =	swait.ge [sflag:s30], $0x2000  }
0x4f: {  	s26 =	rddreg [dreg:$0x9];
	[sflag:s30] =	ssyncset.done $0x0  }
0x50: {  	[sflag:s30] =	ssyncadd.s32 $0xFFFFE000;
	s26 =	sadd.s32 s2, s26;
	s30 =	simm.s32 $0x6  }
0x51: {  	[hbm4b:s26+s4] =	stream.linear.scatter [tilespmem:s28], [sflag:$0xF], $0x2000, $0x38;
	[tilespmem:$0x15C00] =	vst v63  }
0x52: {  	_ =	swait.ge [sflag:s30], $0x2000  }
0x53: {  	s26 =	rddreg [dreg:$0x8];
	[sflag:s30] =	ssyncset.done $0x0  }
0x54: {  	[sflag:s30] =	ssyncadd.s32 $0xFFFFE000;
	s26 =	sadd.s32 s2, s26  }
0x55: {  	[hbm4b:s26+s4] =	stream.linear.scatter [tilespmem:s0], [sflag:$0x10], $0x2000, $0x38;
	[tilespmem:$0x15C00] =	vst v63  }
0x56: {  	_ =	swait.ge [sflag:s9], $0x2000  }
0x57: {  	s30 =	rddreg [dreg:$0x7];
	[sflag:s9] =	ssyncset.done $0x0  }
0x58: {  	[sflag:s9] =	ssyncadd.s32 $0xFFFFE000;
	s26 =	sadd.s32 s2, s30  }
0x59: {  	[hbm4b:s26+s4] =	stream.linear.scatter [tilespmem:s6], [sflag:$0x11], $0x2000, $0x38;
	[tilespmem:$0x15C00] =	vst v63  }
0x5a: {  	_ =	swait.ge [sflag:s10], $0x2000  }
0x5b: {  	s30 =	rddreg [dreg:$0x6];
	[sflag:s10] =	ssyncset.done $0x0  }
0x5c: {  	[sflag:s10] =	ssyncadd.s32 $0xFFFFE000;
	s26 =	sadd.s32 s2, s30  }
0x5d: {  	[hbm4b:s26+s4] =	stream.linear.scatter [tilespmem:s29], [sflag:$0x12], $0x2000, $0x38;
	[tilespmem:$0x15C00] =	vst v63  }
0x5e: {  	_ =	swait.ge [sflag:s11], $0x2000  }
0x5f: {  	s30 =	rddreg [dreg:$0x5];
	[sflag:s11] =	ssyncset.done $0x0  }
0x60: {  	[sflag:s11] =	ssyncadd.s32 $0xFFFFE000;
	s26 =	sadd.s32 s2, s30  }
0x61: {  	[hbm4b:s26+s4] =	stream.linear.scatter [tilespmem:s7], [sflag:$0x13], $0x2000, $0x38;
	[tilespmem:$0x15C00] =	vst v63  }
0x62: {  	_ =	swait.ge [sflag:s12], $0x2000  }
0x63: {  	s30 =	rddreg [dreg:$0x4];
	[sflag:s12] =	ssyncset.done $0x0  }
0x64: {  	[sflag:s12] =	ssyncadd.s32 $0xFFFFE000;
	s26 =	sadd.s32 s2, s30  }
0x65: {  	[hbm4b:s26+s4] =	stream.linear.scatter [tilespmem:s8], [sflag:$0x14], $0x2000, $0x38;
	[tilespmem:$0x15C00] =	vst v63  }
0x66: {  	_ =	swait.ge [sflag:s13], $0x2000  }
0x67: {  	[sflag:s13] =	ssyncset.done $0x0  }
0x68: {  	s8 =	simm.s32 $0x280;
	[sflag:s13] =	ssyncadd.s32 $0xFFFFE000  }
0x69: {  	[tilespmem:s19], [sflag:$0x1] =	stream.indirect.gather [hbm4b:s1+s22], $0x80, s8, s22, $0xb8;
	[tilespmem:$0x15C00] =	vst v63  }
0x6a: {  	_ =	swait.ge [sflag:s14], $0x2000  }
0x6b: {  	[sflag:s14] =	ssyncset.done $0x0  }
0x6c: {  	s30 =	simm.s32 $0x2C0;
	[sflag:s14] =	ssyncadd.s32 $0xFFFFE000  }
0x6d: {  	[tilespmem:s25], [sflag:$0x2] =	stream.indirect.gather [hbm4b:s1+s22], $0x80, s30, s22, $0xb8;
	[tilespmem:$0x15C00] =	vst v63  }
0x6e: {  	_ =	swait.ge [sflag:s5], $0x2000  }
0x6f: {  	[sflag:s5] =	ssyncset.done $0x0  }
0x70: {  	s8 =	simm.s32 $0x300;
	[sflag:s5] =	ssyncadd.s32 $0xFFFFE000  }
0x71: {  	[tilespmem:s18], [sflag:$0x3] =	stream.indirect.gather [hbm4b:s1+s22], $0x80, s8, s22, $0xb8;
	[tilespmem:$0x15C00] =	vst v63  }
0x72: {  	_ =	swait.ge [sflag:s15], $0x2000  }
0x73: {  	[sflag:s15] =	ssyncset.done $0x0  }
0x74: {  	s18 =	simm.s32 $0x340;
	[sflag:s15] =	ssyncadd.s32 $0xFFFFE000  }
0x75: {  	[tilespmem:s20], [sflag:$0x4] =	stream.indirect.gather [hbm4b:s1+s22], $0x80, s18, s22, $0xb8;
	[tilespmem:$0x15C00] =	vst v63  }
0x76: {  	_ =	swait.ge [sflag:s16], $0x2000  }
0x77: {  	[sflag:s16] =	ssyncset.done $0x0  }
0x78: {  	s19 =	simm.s32 $0x380;
	[sflag:s16] =	ssyncadd.s32 $0xFFFFE000  }
0x79: {  	[tilespmem:s28], [sflag:$0x5] =	stream.indirect.gather [hbm4b:s1+s22], $0x80, s19, s22, $0xb8;
	[tilespmem:$0x15C00] =	vst v63  }
0x7a: {  	_ =	swait.ge [sflag:s17], $0x2000  }
0x7b: {  	[sflag:s17] =	ssyncset.done $0x0  }
0x7c: {  	s20 =	simm.s32 $0x3C0;
	[sflag:s17] =	ssyncadd.s32 $0xFFFFE000  }
0x7d: {  	[tilespmem:s0], [sflag:$0x6] =	stream.indirect.gather [hbm4b:s1+s22], $0x80, s20, s22, $0xb8;
	[tilespmem:$0x15C00] =	vst v63  }
0x7e: {  	_ =	swait.ge [sflag:s21], $0x2000  }
0x7f: {  	[sflag:s21] =	ssyncset.done $0x0  }
0x80: {  	s25 =	simm.s32 $0x400;
	[sflag:s21] =	ssyncadd.s32 $0xFFFFE000  }
0x81: {  	[tilespmem:s6], [sflag:$0x7] =	stream.indirect.gather [hbm4b:s1+s22], $0x80, s25, s22, $0xb8;
	[tilespmem:$0x15C00] =	vst v63  }
0x82: {  	_ =	swait.ge [sflag:s3], $0x2000  }
0x83: {  	[sflag:s3] =	ssyncset.done $0x0  }
0x84: {  	s28 =	simm.s32 $0x440;
	[sflag:s3] =	ssyncadd.s32 $0xFFFFE000  }
0x85: {  	[tilespmem:s29], [sflag:$0x8] =	stream.indirect.gather [hbm4b:s1+s22], $0x80, s28, s22, $0xb8;
	[tilespmem:$0x15C00] =	vst v63  }
0x86: {  	_ =	swait.ge [sflag:s23], $0x2000  }
0x87: {  	[sflag:s23] =	ssyncset.done $0x0  }
0x88: {  	s30 =	simm.s32 $0x480;
	[sflag:s23] =	ssyncadd.s32 $0xFFFFE000  }
0x89: {  	[tilespmem:s7], [sflag:$0x9] =	stream.indirect.gather [hbm4b:s1+s22], $0x80, s30, s22, $0xb8;
	[tilespmem:$0x15C00] =	vst v63  }
0x8a: {  	_ =	swait.ge [sflag:s24], $0x2000  }
0x8b: {  	s31 =	simm.s32 $0x4C0;
	[sflag:s24] =	ssyncset.done $0x0  }
0x8c: {  	s26 =	simm.s32 $0xA00;
	s29 =	sadd.s32 $0x50000, s2;
	[sflag:s24] =	ssyncadd.s32 $0xFFFFE000  }
.LBB2_2:
0x8d: {  	s25 =	simm.s32 $0x13C00;
	s0 =	simm.s32 $0x1  }
0x8e: {  	[tilespmem:s25], [sflag:$0xA] =	stream.indirect.gather [hbm4b:s1+s22], $0x80, s31, s22, $0xb8;
	[tilespmem:$0x15C00] =	vst v63  }
0x8f: {  	_ =	swait.ge [sflag:s0], $0x2000  }
0x90: {  	s19 =	simm.s32 $0x1C00;
	s2 =	rddreg [dreg:$0xd];
	[sflag:s0] =	ssyncset.done $0x0  }
0x91: {  	s18 =	simm.s32 $0x2;
	[sflag:s0] =	ssyncadd.s32 $0xFFFFE000;
	s2 =	sadd.s32 s29, s2  }
0x92: {  	[hbm4b:s2+s4] =	stream.linear.scatter [tilespmem:s19], [sflag:$0xB], $0x2000, $0x38;
	[tilespmem:$0x15C00] =	vst v63  }
0x93: {  	_ =	swait.ge [sflag:s18], $0x2000  }
0x94: {  	s30 =	simm.s32 $0x3C00;
	s20 =	rddreg [dreg:$0xc];
	[sflag:s18] =	ssyncset.done $0x0  }
0x95: {  	s6 =	simm.s32 $0x3;
	[sflag:s18] =	ssyncadd.s32 $0xFFFFE000;
	s2 =	sadd.s32 s29, s20  }
0x96: {  	[hbm4b:s2+s4] =	stream.linear.scatter [tilespmem:s30], [sflag:$0xC], $0x2000, $0x38;
	[tilespmem:$0x15C00] =	vst v63  }
0x97: {  	_ =	swait.ge [sflag:s6], $0x2000  }
0x98: {  	s8 =	simm.s32 $0x4;
	s7 =	rddreg [dreg:$0xb];
	[sflag:s6] =	ssyncset.done $0x0  }
0x99: {  	s18 =	simm.s32 $0x5C00;
	[sflag:s6] =	ssyncadd.s32 $0xFFFFE000;
	s2 =	sadd.s32 s29, s7  }
0x9a: {  	[hbm4b:s2+s4] =	stream.linear.scatter [tilespmem:s18], [sflag:$0xD], $0x2000, $0x38;
	[tilespmem:$0x15C00] =	vst v63  }
0x9b: {  	_ =	swait.ge [sflag:s8], $0x2000  }
0x9c: {  	s20 =	rddreg [dreg:$0xa];
	[sflag:s8] =	ssyncset.done $0x0  }
0x9d: {  	[sflag:s8] =	ssyncadd.s32 $0xFFFFE000;
	s2 =	sadd.s32 s29, s20;
	s20 =	simm.s32 $0x7C00  }
0x9e: {  	[hbm4b:s2+s4] =	stream.linear.scatter [tilespmem:s20], [sflag:$0xE], $0x2000, $0x38;
	[tilespmem:$0x15C00] =	vst v63  }
0x9f: {  	s2 =	simm.s32 $0x5  }
0xa0: {  	_ =	swait.ge [sflag:s2], $0x2000  }
0xa1: {  	s28 =	simm.s32 $0x9C00;
	s6 =	rddreg [dreg:$0x9];
	[sflag:s2] =	ssyncset.done $0x0  }
0xa2: {  	s7 =	simm.s32 $0x6;
	[sflag:s2] =	ssyncadd.s32 $0xFFFFE000;
	s2 =	sadd.s32 s29, s6  }
0xa3: {  	[hbm4b:s2+s4] =	stream.linear.scatter [tilespmem:s28], [sflag:$0xF], $0x2000, $0x38;
	[tilespmem:$0x15C00] =	vst v63  }
0xa4: {  	_ =	swait.ge [sflag:s7], $0x2000  }
0xa5: {  	s8 =	rddreg [dreg:$0x8];
	[sflag:s7] =	ssyncset.done $0x0  }
0xa6: {  	s0 =	simm.s32 $0xBC00;
	[sflag:s7] =	ssyncadd.s32 $0xFFFFE000;
	s2 =	sadd.s32 s29, s8  }
0xa7: {  	[hbm4b:s2+s4] =	stream.linear.scatter [tilespmem:s0], [sflag:$0x10], $0x2000, $0x38;
	[tilespmem:$0x15C00] =	vst v63  }
0xa8: {  	_ =	swait.ge [sflag:s9], $0x2000  }
0xa9: {  	s6 =	rddreg [dreg:$0x7];
	[sflag:s9] =	ssyncset.done $0x0  }
0xaa: {  	[sflag:s9] =	ssyncadd.s32 $0xFFFFE000;
	s2 =	sadd.s32 s29, s6;
	s6 =	simm.s32 $0xDC00  }
0xab: {  	[hbm4b:s2+s4] =	stream.linear.scatter [tilespmem:s6], [sflag:$0x11], $0x2000, $0x38;
	[tilespmem:$0x15C00] =	vst v63  }
0xac: {  	_ =	swait.ge [sflag:s10], $0x2000  }
0xad: {  	s7 =	rddreg [dreg:$0x6];
	[sflag:s10] =	ssyncset.done $0x0  }
0xae: {  	[sflag:s10] =	ssyncadd.s32 $0xFFFFE000;
	s2 =	sadd.s32 s29, s7;
	s7 =	simm.s32 $0xFC00  }
0xaf: {  	[hbm4b:s2+s4] =	stream.linear.scatter [tilespmem:s7], [sflag:$0x12], $0x2000, $0x38;
	[tilespmem:$0x15C00] =	vst v63  }
0xb0: {  	_ =	swait.ge [sflag:s11], $0x2000  }
0xb1: {  	s8 =	rddreg [dreg:$0x5];
	[sflag:s11] =	ssyncset.done $0x0  }
0xb2: {  	[sflag:s11] =	ssyncadd.s32 $0xFFFFE000;
	s2 =	sadd.s32 s29, s8;
	s8 =	simm.s32 $0x11C00  }
0xb3: {  	[hbm4b:s2+s4] =	stream.linear.scatter [tilespmem:s8], [sflag:$0x13], $0x2000, $0x38;
	[tilespmem:$0x15C00] =	vst v63  }
0xb4: {  	_ =	swait.ge [sflag:s12], $0x2000  }
0xb5: {  	s2 =	rddreg [dreg:$0x4];
	[sflag:s12] =	ssyncset.done $0x0  }
0xb6: {  	[sflag:s12] =	ssyncadd.s32 $0xFFFFE000;
	s2 =	sadd.s32 s29, s2  }
0xb7: {  	[hbm4b:s2+s4] =	stream.linear.scatter [tilespmem:s25], [sflag:$0x14], $0x2000, $0x38;
	[tilespmem:$0x15C00] =	vst v63  }
0xb8: {  	s31 =	smov.u32 s26;
	_ =	swait.ge [sflag:s13], $0x2000  }
0xb9: {  	s31 =	sshra.s32 s31, $0x2;
	[sflag:s13] =	ssyncset.done $0x0  }
0xba: {  	s2 =	sadd.s32 $0x280, s31;
	[sflag:s13] =	ssyncadd.s32 $0xFFFFE000  }
0xbb: {  	[tilespmem:s19], [sflag:$0x1] =	stream.indirect.gather [hbm4b:s1+s22], $0x80, s2, s22, $0xb8;
	[tilespmem:$0x15C00] =	vst v63  }
0xbc: {  	_ =	swait.ge [sflag:s14], $0x2000  }
0xbd: {  	[sflag:s14] =	ssyncset.done $0x0  }
0xbe: {  	s2 =	sadd.s32 $0x2C0, s31;
	[sflag:s14] =	ssyncadd.s32 $0xFFFFE000  }
0xbf: {  	[tilespmem:s30], [sflag:$0x2] =	stream.indirect.gather [hbm4b:s1+s22], $0x80, s2, s22, $0xb8;
	[tilespmem:$0x15C00] =	vst v63  }
0xc0: {  	_ =	swait.ge [sflag:s5], $0x2000  }
0xc1: {  	[sflag:s5] =	ssyncset.done $0x0  }
0xc2: {  	s2 =	sadd.s32 $0x300, s31;
	[sflag:s5] =	ssyncadd.s32 $0xFFFFE000  }
0xc3: {  	[tilespmem:s18], [sflag:$0x3] =	stream.indirect.gather [hbm4b:s1+s22], $0x80, s2, s22, $0xb8;
	[tilespmem:$0x15C00] =	vst v63  }
0xc4: {  	_ =	swait.ge [sflag:s15], $0x2000  }
0xc5: {  	[sflag:s15] =	ssyncset.done $0x0  }
0xc6: {  	s2 =	sadd.s32 $0x340, s31;
	[sflag:s15] =	ssyncadd.s32 $0xFFFFE000  }
0xc7: {  	[tilespmem:s20], [sflag:$0x4] =	stream.indirect.gather [hbm4b:s1+s22], $0x80, s2, s22, $0xb8;
	[tilespmem:$0x15C00] =	vst v63  }
0xc8: {  	_ =	swait.ge [sflag:s16], $0x2000  }
0xc9: {  	[sflag:s16] =	ssyncset.done $0x0  }
0xca: {  	s2 =	sadd.s32 $0x380, s31;
	[sflag:s16] =	ssyncadd.s32 $0xFFFFE000  }
0xcb: {  	[tilespmem:s28], [sflag:$0x5] =	stream.indirect.gather [hbm4b:s1+s22], $0x80, s2, s22, $0xb8;
	[tilespmem:$0x15C00] =	vst v63  }
0xcc: {  	_ =	swait.ge [sflag:s17], $0x2000  }
0xcd: {  	[sflag:s17] =	ssyncset.done $0x0  }
0xce: {  	s2 =	sadd.s32 $0x3C0, s31;
	[sflag:s17] =	ssyncadd.s32 $0xFFFFE000  }
0xcf: {  	[tilespmem:s0], [sflag:$0x6] =	stream.indirect.gather [hbm4b:s1+s22], $0x80, s2, s22, $0xb8;
	[tilespmem:$0x15C00] =	vst v63  }
0xd0: {  	_ =	swait.ge [sflag:s21], $0x2000  }
0xd1: {  	[sflag:s21] =	ssyncset.done $0x0  }
0xd2: {  	s2 =	sadd.s32 $0x400, s31;
	[sflag:s21] =	ssyncadd.s32 $0xFFFFE000  }
0xd3: {  	[tilespmem:s6], [sflag:$0x7] =	stream.indirect.gather [hbm4b:s1+s22], $0x80, s2, s22, $0xb8;
	[tilespmem:$0x15C00] =	vst v63  }
0xd4: {  	_ =	swait.ge [sflag:s3], $0x2000  }
0xd5: {  	p0 =	sne.s32 s26, $0x5000;
	s26 =	sadd.s32 $0xA00, s26;
	[sflag:s3] =	ssyncset.done $0x0  }
0xd6: {  	s29 =	sadd.s32 $0x50000, s29;
	s2 =	sadd.s32 $0x440, s31;
	[sflag:s3] =	ssyncadd.s32 $0xFFFFE000  }
0xd7: {  	[tilespmem:s7], [sflag:$0x8] =	stream.indirect.gather [hbm4b:s1+s22], $0x80, s2, s22, $0xb8;
	[tilespmem:$0x15C00] =	vst v63  }
0xd8: {  	s25 =	simm.s32 $0x1C00;
	s19 =	simm.s32 $0x3C00;
	_ =	swait.ge [sflag:s23], $0x2000  }
0xd9: {  	s30 =	simm.s32 $0x5C00;
	s18 =	simm.s32 $0x7C00;
	[sflag:s23] =	ssyncset.done $0x0  }
.Ltmp0:
0xda: {  	s2 =	sadd.s32 $0x480, s31;
	[sflag:s23] =	ssyncadd.s32 $0xFFFFE000;
	(pc) =	sbr.rel @p0 .LBB2_2-.Ltmp0, $4  }
0xdb: {  	[tilespmem:s8], [sflag:$0x9] =	stream.indirect.gather [hbm4b:s1+s22], $0x80, s2, s22, $0xb8;
	[tilespmem:$0x15C00] =	vst v63  }
0xdc: {  	s20 =	simm.s32 $0x9C00;
	s28 =	simm.s32 $0xBC00;
	_ =	swait.ge [sflag:s24], $0x2000  }
0xdd: {  	s0 =	simm.s32 $0xDC00;
	s6 =	simm.s32 $0xFC00;
	[sflag:s24] =	ssyncset.done $0x0  }
0xde: {  	s7 =	simm.s32 $0x11C00;
	s31 =	sadd.s32 $0x4C0, s31;
	[sflag:s24] =	ssyncadd.s32 $0xFFFFE000  }
0xdf: {  	s8 =	simm.s32 $0x13C00;
	s2 =	simm.s32 $0x1  }
0xe0: {  	[tilespmem:s8], [sflag:$0xA] =	stream.indirect.gather [hbm4b:s1+s22], $0x80, s31, s22, $0xb8;
	[tilespmem:$0x15C00] =	vst v63  }
0xe1: {  	_ =	swait.ge [sflag:s2], $0x2000  }
0xe2: {  	[sflag:s2] =	ssyncset.done $0x0  }
0xe3: {  	s29 =	simm.s32 $0x2;
	s26 =	rddreg [dreg:$0x10];
	[sflag:s2] =	ssyncadd.s32 $0xFFFFE000  }
0xe4: {  	[hbm4b:s26+s4] =	stream.linear.scatter [tilespmem:s25], [sflag:$0xB], $0x2000, $0x38;
	[tilespmem:$0x15C00] =	vst v63  }
0xe5: {  	_ =	swait.ge [sflag:s29], $0x2000  }
0xe6: {  	[sflag:s29] =	ssyncset.done $0x0  }
0xe7: {  	s25 =	simm.s32 $0x3;
	s31 =	rddreg [dreg:$0x11];
	[sflag:s29] =	ssyncadd.s32 $0xFFFFE000  }
0xe8: {  	[hbm4b:s31+s4] =	stream.linear.scatter [tilespmem:s19], [sflag:$0xC], $0x2000, $0x38;
	[tilespmem:$0x15C00] =	vst v63  }
0xe9: {  	_ =	swait.ge [sflag:s25], $0x2000  }
0xea: {  	[sflag:s25] =	ssyncset.done $0x0  }
0xeb: {  	s29 =	simm.s32 $0x4;
	s26 =	rddreg [dreg:$0x12];
	[sflag:s25] =	ssyncadd.s32 $0xFFFFE000  }
0xec: {  	[hbm4b:s26+s4] =	stream.linear.scatter [tilespmem:s30], [sflag:$0xD], $0x2000, $0x38;
	[tilespmem:$0x15C00] =	vst v63  }
0xed: {  	_ =	swait.ge [sflag:s29], $0x2000  }
0xee: {  	[sflag:s29] =	ssyncset.done $0x0  }
0xef: {  	s31 =	simm.s32 $0x5;
	s30 =	rddreg [dreg:$0x13];
	[sflag:s29] =	ssyncadd.s32 $0xFFFFE000  }
0xf0: {  	[hbm4b:s30+s4] =	stream.linear.scatter [tilespmem:s18], [sflag:$0xE], $0x2000, $0x38;
	[tilespmem:$0x15C00] =	vst v63  }
0xf1: {  	_ =	swait.ge [sflag:s31], $0x2000  }
0xf2: {  	[sflag:s31] =	ssyncset.done $0x0  }
0xf3: {  	s19 =	simm.s32 $0x6;
	s18 =	rddreg [dreg:$0x14];
	[sflag:s31] =	ssyncadd.s32 $0xFFFFE000  }
0xf4: {  	[hbm4b:s18+s4] =	stream.linear.scatter [tilespmem:s20], [sflag:$0xF], $0x2000, $0x38;
	[tilespmem:$0x15C00] =	vst v63  }
0xf5: {  	_ =	swait.ge [sflag:s19], $0x2000  }
0xf6: {  	[sflag:s19] =	ssyncset.done $0x0  }
0xf7: {  	s20 =	rddreg [dreg:$0x15];
	[sflag:s19] =	ssyncadd.s32 $0xFFFFE000  }
0xf8: {  	[hbm4b:s20+s4] =	stream.linear.scatter [tilespmem:s28], [sflag:$0x10], $0x2000, $0x38;
	[tilespmem:$0x15C00] =	vst v63  }
0xf9: {  	_ =	swait.ge [sflag:s9], $0x2000  }
0xfa: {  	[sflag:s9] =	ssyncset.done $0x0  }
0xfb: {  	s25 =	rddreg [dreg:$0x16];
	[sflag:s9] =	ssyncadd.s32 $0xFFFFE000  }
0xfc: {  	[hbm4b:s25+s4] =	stream.linear.scatter [tilespmem:s0], [sflag:$0x11], $0x2000, $0x38;
	[tilespmem:$0x15C00] =	vst v63  }
0xfd: {  	_ =	swait.ge [sflag:s10], $0x2000  }
0xfe: {  	[sflag:s10] =	ssyncset.done $0x0  }
0xff: {  	s26 =	rddreg [dreg:$0x17];
	[sflag:s10] =	ssyncadd.s32 $0xFFFFE000  }
0x100: {  	[hbm4b:s26+s4] =	stream.linear.scatter [tilespmem:s6], [sflag:$0x12], $0x2000, $0x38;
	[tilespmem:$0x15C00] =	vst v63  }
0x101: {  	_ =	swait.ge [sflag:s11], $0x2000  }
0x102: {  	[sflag:s11] =	ssyncset.done $0x0  }
0x103: {  	s28 =	rddreg [dreg:$0x18];
	[sflag:s11] =	ssyncadd.s32 $0xFFFFE000  }
0x104: {  	[hbm4b:s28+s4] =	stream.linear.scatter [tilespmem:s7], [sflag:$0x13], $0x2000, $0x38;
	[tilespmem:$0x15C00] =	vst v63  }
0x105: {  	_ =	swait.ge [sflag:s12], $0x2000  }
0x106: {  	[sflag:s12] =	ssyncset.done $0x0  }
0x107: {  	s29 =	rddreg [dreg:$0x19];
	[sflag:s12] =	ssyncadd.s32 $0xFFFFE000  }
0x108: {  	[hbm4b:s29+s4] =	stream.linear.scatter [tilespmem:s8], [sflag:$0x14], $0x2000, $0x38;
	[tilespmem:$0x15C00] =	vst v63  }
0x109: {  	_ =	swait.ge [sflag:s13], $0x2000  }
0x10a: {  	[sflag:s13] =	ssyncset.done $0x0  }
0x10b: {  	[sflag:s13] =	ssyncadd.s32 $0xFFFFE000  }
0x10c: {  	_ =	swait.ge [sflag:s14], $0x2000  }
0x10d: {  	[sflag:s14] =	ssyncset.done $0x0  }
0x10e: {  	[sflag:s14] =	ssyncadd.s32 $0xFFFFE000  }
0x10f: {  	_ =	swait.ge [sflag:s5], $0x2000  }
0x110: {  	[sflag:s5] =	ssyncset.done $0x0  }
0x111: {  	[sflag:s5] =	ssyncadd.s32 $0xFFFFE000  }
0x112: {  	_ =	swait.ge [sflag:s15], $0x2000  }
0x113: {  	[sflag:s15] =	ssyncset.done $0x0  }
0x114: {  	[sflag:s15] =	ssyncadd.s32 $0xFFFFE000  }
0x115: {  	_ =	swait.ge [sflag:s16], $0x2000  }
0x116: {  	[sflag:s16] =	ssyncset.done $0x0  }
0x117: {  	[sflag:s16] =	ssyncadd.s32 $0xFFFFE000  }
0x118: {  	_ =	swait.ge [sflag:s17], $0x2000  }
0x119: {  	[sflag:s17] =	ssyncset.done $0x0  }
0x11a: {  	[sflag:s17] =	ssyncadd.s32 $0xFFFFE000  }
0x11b: {  	_ =	swait.ge [sflag:s21], $0x2000  }
0x11c: {  	[sflag:s21] =	ssyncset.done $0x0  }
0x11d: {  	[sflag:s21] =	ssyncadd.s32 $0xFFFFE000  }
0x11e: {  	_ =	swait.ge [sflag:s3], $0x2000  }
0x11f: {  	[sflag:s3] =	ssyncset.done $0x0  }
0x120: {  	[sflag:s3] =	ssyncadd.s32 $0xFFFFE000  }
0x121: {  	_ =	swait.ge [sflag:s23], $0x2000  }
0x122: {  	[sflag:s23] =	ssyncset.done $0x0  }
0x123: {  	[sflag:s23] =	ssyncadd.s32 $0xFFFFE000  }
0x124: {  	_ =	swait.ge [sflag:s24], $0x2000  }
0x125: {  	s30 =	rddreg [dreg:$0x1b]  }
0x126: {  	s31 =	rddreg [dreg:$0x1a];
	s0 =	sadd.s32 $0x1, s30  }
0x127: {  	p0 =	sne.s32 s0, s31  }
.Ltmp1:
0x128: {  	_ = 	snop;
	(pc) =	sbr.rel @p0 .LBB2_1-.Ltmp1, $3  }
0x129: {  	_ =	sdelay $0x1  }
0x12a: {  	[sflag:s24] =	ssyncset.done $0x0  }
0x12b: {  	[sflag:s24] =	ssyncadd.s32 $0xFFFFE000  }
0x12c: {  	_ =	sfence.sel $0x180000  }
0x12d: {  	[bflag:$0x0] =	sbarrier.arrive $0xFFFF  }
0x12e: {  	_ =	strace $0x90000047  }
0x12f: {  	s0 =	stileid.u32;
	[bflag:$0x2] =	sbarrier.arrive $0xFFFF  }
0x130: {  	p0 =	sne.s32 s0, $0x0;
	s0 =	rddreg [dreg:$0x3]  }
0x131: {  	s0 =	sadd.s32 @!p0 $0x100000, s0  }
0x132: {  	[sflag:s0] =	ssyncadd.tile.s32 @!p0 $0x1;
	_ =	shalt  }
.Lfunc_end2:
_tile_overlayer_lowered:
.L_overlay_start_2:
0x133: {  	(tag) =	ssettag $0x2  }
0x134: {  	s0 =	rddreg [dreg:$0x0];
	s2 =	stileid.u32  }
0x135: {  	s1 =	rddreg [dreg:$0x1];
	p0 =	sne.s32 s2, $0x0  }
0x136: {  	s3 =	rddreg [dreg:$0x2];
	[bflag:$0x3] =	sbarrier.arrive $0xFFFF;
	s2 =	simm.s32 @!p0 $0x1C15  }
0x137: {  	[timem:s3], [sflag:s2] =	dma.local @!p0 [hbm:s0], s1  }
0x138: {  	s0 =	simm.s32 @!p0 $0x15  }
0x139: {  	_ =	swait.ge @!p0 [sflag:s0], s1  }
0x13a: {  	s1 =	ssub.s32 @!p0 $0x0, s1;
	[sflag:s0] =	ssyncset.done @!p0 $0x0  }
0x13b: {  	[sflag:s0] =	ssyncadd.s32 @!p0 s1  }
0x13c: {  	[bflag:$0x3] =	sbarrier.arrive $0xFFFF  }
0x13d: {  	_ =	shalt  }

</sc_bundles>
